<compile_context>
chip_gen: v7x
topology: tpu7x:2x2x1
jax: 0.10.2.dev20260603
libtpu: 0.0.44.dev20260713+nightly
codegen_flags: <defaults>
</compile_context>

<pallas_src>
import functools

import jax
import jax.numpy as jnp
from jax import lax
from jax.experimental import pallas as pl
from jax.experimental.pallas import tpu as pltpu
from jax.experimental.pallas import tpu_sc as plsc

B = 10000
NNN = 32
NAF = 128
NBF = 16
H1 = 128
H2 = 128
NCONV = 3
E = B * NNN

NSPLIT = 1
BC = B // NSPLIT
EC = E // NSPLIT

_NC = 2
_NS = 16
_NW = _NC * _NS
_BPW = EC // _NW
_CH = 400
_NCH = _BPW // _CH

_F32 = jnp.float32
_BF16 = jnp.bfloat16
_U32 = jnp.uint32
HP = H1 // 2


_NBUF = 2


@functools.cache
def _make_sc_gather(ec=EC, ch=_CH):
    mesh = plsc.VectorSubcoreMesh(
        core_axis_name="c", subcore_axis_name="s",
        num_cores=_NC, num_subcores=_NS,
    )
    _BPW = ec // _NW
    _NCH = _BPW // ch
    _CH = ch
    nring = _NCH // _NBUF * _NBUF
    _LEAD = 2

    @functools.partial(
        pl.kernel,
        out_type=jax.ShapeDtypeStruct((ec, H1), _F32),
        mesh=mesh,
        scratch_types=[
            pltpu.VMEM((_BPW,), jnp.int32),
            pltpu.VMEM((_NBUF, _CH, H1), _F32),
            [pltpu.SemaphoreType.DMA] * _NBUF,
            [pltpu.SemaphoreType.DMA] * _NBUF,
        ],
    )
    def sc_gather(table_hbm, idx_hbm, out_hbm, idx_v, rows_v, gsems, wsems):
        wid = lax.axis_index("s") * _NC + lax.axis_index("c")
        base = wid * _BPW
        pltpu.sync_copy(idx_hbm.at[pl.ds(base, _BPW)], idx_v)

        def g_copy(chunk, b):
            return pltpu.make_async_copy(
                table_hbm.at[idx_v.at[pl.ds(chunk * _CH, _CH)]],
                rows_v.at[b],
                gsems[b],
            )

        def w_copy(chunk, b):
            return pltpu.make_async_copy(
                rows_v.at[b],
                out_hbm.at[pl.ds(base + chunk * _CH, _CH)],
                wsems[b],
            )

        for c in range(min(_LEAD, _NCH)):
            g_copy(c, c % _NBUF).start()

        def step(cur, b):
            g_copy(cur, b).wait()
            w_copy(cur, b).start()
            pre = cur + _LEAD
            bp = (b + _LEAD) % _NBUF

            @pl.when(pre < _NCH)
            def _():
                @pl.when(pre >= _NBUF)
                def _():
                    w_copy(pre, bp).wait()

                g_copy(pre, bp).start()

        @pl.loop(0, nring, step=_NBUF)
        def _(k):
            for b in range(_NBUF):
                step(k + b, b)

        for cur in range(nring, _NCH):
            step(cur, cur % _NBUF)

        for j in range(max(0, _NCH - _NBUF), _NCH):
            w_copy(j, j % _NBUF).wait()

    return sc_gather


def _gather(g, idx_c):
    return _make_sc_gather()(g, idx_c).reshape(BC, NNN, H1)


def _softplus(x):
    return jnp.maximum(x, 0.0) + jnp.log1p(jnp.exp(-jnp.abs(x)))


def _dot(a, b):
    return jnp.dot(a, b, preferred_element_type=_F32)


_PM = 2000


def _pre_body(atom_ref, ws_ref, wn_ref, bias_ref, a_ref, g_ref):
    x = atom_ref[...]
    a_ref[...] = _dot(x, ws_ref[...]) + bias_ref[...]
    g_ref[...] = _dot(x, wn_ref[...])


def _pre(atom, w_self, w_nbr, bias2d):
    w_spec = pl.BlockSpec((NAF, H1), lambda i: (0, 0))
    return pl.pallas_call(
        _pre_body,
        grid=(B // _PM,),
        in_specs=[
            pl.BlockSpec((_PM, NAF), lambda i: (i, 0)),
            w_spec,
            w_spec,
            pl.BlockSpec((1, H1), lambda i: (0, 0)),
        ],
        out_specs=[
            pl.BlockSpec((_PM, H1), lambda i: (i, 0)),
            pl.BlockSpec((_PM, H1), lambda i: (i, 0)),
        ],
        out_shape=[
            jax.ShapeDtypeStruct((B, H1), _F32),
            jax.ShapeDtypeStruct((B, H1), _F32),
        ],
    )(atom, w_self, w_nbr, bias2d)


_BM = 400


def _round_core(bonds_ref, ng_ref, a_ref, ah_ref, wb_ref, wam_ref, waa_ref,
                ba_ref):
    kdim = bonds_ref.shape[2]
    x = bonds_ref[...].reshape(_BM * NNN, kdim)
    if x.dtype == jnp.int8:
        x = x.astype(_BF16)
    c = _dot(x, wb_ref[...]).reshape(_BM, NNN, H1)
    t = jnp.tanh(a_ref[...][:, None, :] + ng_ref[...] + c)
    m = jnp.mean(t, axis=1)
    ah = jnp.maximum(
        _dot(m, wam_ref[...]) + _dot(ah_ref[...], waa_ref[...]) + ba_ref[...], 0.0
    )
    return t, ah


def _round_body(bonds_ref, ng_ref, a_ref, ah_ref, wb_ref, wam_ref, waa_ref,
                ba_ref, ws_ref, wn_ref, bn_ref,
                bh_out, ah_out, a_out, g_out):
    t, ah = _round_core(bonds_ref, ng_ref, a_ref, ah_ref, wb_ref, wam_ref,
                        waa_ref, ba_ref)
    bh_out[...] = jnp.round(t * 127.0).astype(jnp.int8)
    ah_out[...] = ah
    a_out[...] = _dot(ah, ws_ref[...]) + bn_ref[...]
    g_out[...] = _dot(ah, wn_ref[...])


def _last_body(bonds_ref, ng_ref, a_ref, ah_ref, wb_ref, wam_ref, waa_ref,
               ba_ref, wfc_ref, bfc_ref, y_out):
    _, ah = _round_core(bonds_ref, ng_ref, a_ref, ah_ref, wb_ref, wam_ref,
                        waa_ref, ba_ref)
    y_out[...] = _softplus(_dot(ah, wfc_ref[...]) + bfc_ref[...])[:, 0:1]


def _common_specs(kdim, ob):
    w128 = pl.BlockSpec((H1, H1), lambda i: (0, 0))
    b128 = pl.BlockSpec((1, H1), lambda i: (0, 0))
    row_in = pl.BlockSpec((_BM, H1), lambda i: (i + ob, 0))
    return [
        pl.BlockSpec((_BM, NNN, kdim), lambda i: (i + ob, 0, 0)),
        pl.BlockSpec((_BM, NNN, H1), lambda i: (i, 0, 0)),
        row_in,
        row_in,
        pl.BlockSpec((kdim, H1), lambda i: (0, 0)),
        w128, w128, b128,
    ], w128, b128


def _round(bonds_in, ng, a, ah, w_bond, w_am, w_aa, ba2, w_self, w_nbr, bn2,
           off):
    kdim = bonds_in.shape[2]
    ob = off * (BC // _BM)
    specs, w128, b128 = _common_specs(kdim, ob)
    row_out = pl.BlockSpec((_BM, H1), lambda i: (i, 0))
    return pl.pallas_call(
        _round_body,
        grid=(BC // _BM,),
        in_specs=specs + [w128, w128, b128],
        out_specs=[
            pl.BlockSpec((_BM, NNN, H1), lambda i: (i, 0, 0)),
            row_out, row_out, row_out,
        ],
        out_shape=[
            jax.ShapeDtypeStruct((BC, NNN, H1), jnp.int8),
            jax.ShapeDtypeStruct((BC, H1), _F32),
            jax.ShapeDtypeStruct((BC, H1), _F32),
            jax.ShapeDtypeStruct((BC, H1), _F32),
        ],
    )(bonds_in, ng, a, ah, w_bond, w_am, w_aa, ba2, w_self, w_nbr, bn2)


def _last_round(bonds_in, ng, a, ah, w_bond, w_am, w_aa, ba2, wfc_pad, bfc2):
    kdim = bonds_in.shape[2]
    specs, w128, b128 = _common_specs(kdim, 0)
    return pl.pallas_call(
        _last_body,
        grid=(BC // _BM,),
        in_specs=specs + [w128, b128],
        out_specs=pl.BlockSpec((_BM, 1), lambda i: (i, 0)),
        out_shape=jax.ShapeDtypeStruct((BC, 1), _F32),
    )(bonds_in, ng, a, ah, w_bond, w_am, w_aa, ba2, wfc_pad, bfc2)


def kernel(gmap, atom, bonds, W_be, b_be, W_ae, b_ae, W_bu, b_bu, W_au, b_au,
           W_fc, b_fc):
    idx = gmap.astype(jnp.int32).reshape(E)

    wbe_s, wbe_n, wbe_b = W_be[:NAF], W_be[NAF:2 * NAF], W_be[2 * NAF:]
    wae_m, wae_a = W_ae[:H1], W_ae[H1:]
    wbu_s, wbu_n, wbu_b = W_bu[:H2], W_bu[H2:2 * H2], W_bu[2 * H2:]
    wau_m, wau_a = W_au[:H1], W_au[H1:]
    b_be2 = b_be.reshape(1, H1)
    b_ae2 = b_ae.reshape(1, H2)
    b_bu2 = b_bu.reshape(1, H1)
    b_au2 = b_au.reshape(1, H2)
    wbu_b16 = (wbu_b * (1.0 / 127.0)).astype(_BF16)
    wfc_pad = jnp.zeros((H2, H1), _F32).at[:, 0:1].set(W_fc)
    b_fc2 = jnp.broadcast_to(b_fc.reshape(1, 1), (1, H1))

    a0, g0 = _pre(atom, wbe_s, wbe_n, b_be2)
    ng = _gather(g0, idx)
    bh, ah, a, g = _round(bonds, ng, a0, atom, wbe_b, wae_m, wae_a, b_ae2,
                          wbu_s, wbu_n, b_bu2, off=0)

    for _ in range(NCONV - 1):
        ng = _gather(g, idx)
        bh, ah, a, g = _round(bh, ng, a, ah, wbu_b16, wau_m, wau_a, b_au2,
                              wbu_s, wbu_n, b_bu2, off=0)

    ng = _gather(g, idx)
    return _last_round(bh, ng, a, ah, wbu_b16, wau_m, wau_a, b_au2,
                       wfc_pad, b_fc2)

# --- scband reference (transcript-rebuilt; emitter-appended) ---
"""Pipeline reference for scband-conv-6571299963595 (READ-ONLY COPY).

The authoritative reference and input builder live on the scoring server;
editing this copy changes nothing except your own understanding.
"""

import jax, jax.numpy as jnp
import numpy as np

B = 10000
NNN = 32
NAF = 128
NBF = 16
H1 = 128
H2 = 128
NCONV = 3


def _linear_params(key, fan_in, fan_out):
    k1, k2 = jax.random.split(key)
    bound = 1.0 / np.sqrt(fan_in)
    W = jax.random.uniform(k1, (fan_in, fan_out), minval=-bound, maxval=bound, dtype=jnp.float32)
    b = jax.random.uniform(k2, (fan_out,), minval=-bound, maxval=bound, dtype=jnp.float32)
    return W, b


def setup_inputs(seed: int = 0) -> dict:
    key = jax.random.key(seed)
    ks = jax.random.split(key, 8)
    gmap = jax.random.randint(ks[0], (B, NNN), 0, B, dtype=jnp.int64)
    atom = jax.random.normal(ks[1], (B, NAF), dtype=jnp.float32)
    bonds = jax.random.normal(ks[2], (B, NNN, NBF), dtype=jnp.float32)
    W_be, b_be = _linear_params(ks[3], NBF + 2 * NAF, H1)
    W_ae, b_ae = _linear_params(ks[4], H1 + NAF, H2)
    W_bu, b_bu = _linear_params(ks[5], H1 + 2 * H2, H1)
    W_au, b_au = _linear_params(ks[6], H1 + H2, H2)
    W_fc, b_fc = _linear_params(ks[7], H2, 1)
    return {
        "gmap": gmap,
        "atom": atom,
        "bonds": bonds,
        "W_be": W_be, "b_be": b_be,
        "W_ae": W_ae, "b_ae": b_ae,
        "W_bu": W_bu, "b_bu": b_bu,
        "W_au": W_au, "b_au": b_au,
        "W_fc": W_fc, "b_fc": b_fc,
    }


def reference(gmap, atom, bonds, W_be, b_be, W_ae, b_ae, W_bu, b_bu, W_au, b_au, W_fc, b_fc):
    # b0 = cat(atom expanded per-neighbor, gathered neighbor atom feats, bond feats)
    atom_exp = jnp.broadcast_to(atom[:, None, :], (B, NNN, atom.shape[-1]))
    nbr = jnp.take(atom, gmap, axis=0)  # gather [B, NNN, NAF]
    b0 = jnp.concatenate([atom_exp, nbr, bonds], axis=-1)
    bonds_h = jnp.tanh(b0 @ W_be + b_be)
    atom_h = jax.nn.relu(jnp.concatenate([jnp.mean(bonds_h, axis=1), atom], axis=1) @ W_ae + b_ae)
    for _ in range(NCONV):
        atom_exp = jnp.broadcast_to(atom_h[:, None, :], (B, NNN, H2))
        nbr = jnp.take(atom_h, gmap, axis=0)  # gather [B, NNN, H2]
        bonds_h = jnp.tanh(jnp.concatenate([atom_exp, nbr, bonds_h], axis=-1) @ W_bu + b_bu)
        atom_h = jax.nn.relu(jnp.concatenate([jnp.mean(bonds_h, axis=1), atom_h], axis=1) @ W_au + b_au)
    y = jax.nn.softplus(atom_h @ W_fc + b_fc)
    return y

if __name__ == "__main__":
    import jax
    _d = setup_inputs()
    print(jax.jit(kernel)(*tuple(_d.values())))

</pallas_src>

<mosaic_0001>
#map = affine_map<(d0, d1) -> (0, 0)>
#map1 = affine_map<(d0, d1) -> (0)>
module attributes {stable_mosaic.version = 14 : i64} {
  func.func @sc_gather(%arg0: i32, %arg1: i32, %arg2: memref<10000x128xf32, #tpu.memory_space<hbm>>, %arg3: memref<320000xi32, #tpu.memory_space<hbm>>, %arg4: memref<320000x128xf32, #tpu.memory_space<hbm>>, %arg5: memref<10000xi32, #tpu.memory_space<vmem>>, %arg6: memref<2x400x128xf32, #tpu.memory_space<vmem>>, %arg7: memref<!tpu.dma_semaphore, #tpu.memory_space<semaphore_mem>>, %arg8: memref<!tpu.dma_semaphore, #tpu.memory_space<semaphore_mem>>, %arg9: memref<!tpu.dma_semaphore, #tpu.memory_space<semaphore_mem>>, %arg10: memref<!tpu.dma_semaphore, #tpu.memory_space<semaphore_mem>>) attributes {dimension_semantics = [#tpu.dimension_semantics<core_parallel>, #tpu.dimension_semantics<subcore_parallel>], iteration_bounds = array<i64: 2, 16>, scalar_prefetch = 0 : i64, scratch_operands = 6 : i64, tpu.core_type = #tpu.core_type<sc_vector_subcore>, window_params = [{transform_indices = #map}, {transform_indices = #map1}, {transform_indices = #map}]} {
    %mul3A = arith.constant 2 : i32
    %mul3A_0 = arith.muli %arg1, %mul3A : i32
    %add3A = arith.addi %mul3A_0, %arg0 : i32
    %mul3A_1 = arith.constant 10000 : i32
    %mul3A_2 = arith.muli %add3A, %mul3A_1 : i32
    "tpu.region"() ({
      %run_scoped3A = tpu.sem_alloc : memref<!tpu.dma_semaphore, #tpu.memory_space<semaphore_mem>>
      %dma_start3A_80 = tpu.memref_slice %arg3[%mul3A_2] : memref<320000xi32, #tpu.memory_space<hbm>> -> memref<10000xi32, #tpu.memory_space<hbm>>
      %dma_start3A_81 = tpu.memref_slice %arg3[%mul3A_2] : memref<320000xi32, #tpu.memory_space<hbm>> -> memref<10000xi32, #tpu.memory_space<hbm>>
      tpu.enqueue_dma source(%dma_start3A_81 : memref<10000xi32, #tpu.memory_space<hbm>>) target(%arg5 : memref<10000xi32, #tpu.memory_space<vmem>>) target_semaphore(%run_scoped3A : memref<!tpu.dma_semaphore, #tpu.memory_space<semaphore_mem>>)
      %dma_wait3A_82 = tpu.memref_slice %arg3[%mul3A_2] : memref<320000xi32, #tpu.memory_space<hbm>> -> memref<10000xi32, #tpu.memory_space<hbm>>
      %dma_wait3A_83 = tpu.memref_slice %arg3[%mul3A_2] : memref<320000xi32, #tpu.memory_space<hbm>> -> memref<10000xi32, #tpu.memory_space<hbm>>
      tpu.wait_dma2 semaphore(%run_scoped3A : memref<!tpu.dma_semaphore, #tpu.memory_space<semaphore_mem>>) src(%dma_wait3A_83 : memref<10000xi32, #tpu.memory_space<hbm>>) dst(%arg5 : memref<10000xi32, #tpu.memory_space<vmem>>)
      tpu.yield
    }) : () -> ()
    %dma_start3A = arith.constant 0 : i32
    %dma_start3A_3 = arith.constant 0 : i32
    %dma_start3A_4 = arith.constant 0 : i32
    %dma_start3A_5 = tpu.memref_slice %arg6[%dma_start3A, %dma_start3A_3, %dma_start3A_4] : memref<2x400x128xf32, #tpu.memory_space<vmem>> -> memref<1x400x128xf32, #tpu.memory_space<vmem>>
    %dma_start3A_6 = tpu.memref_squeeze %dma_start3A_5 : memref<1x400x128xf32, #tpu.memory_space<vmem>> -> memref<400x128xf32, #tpu.memory_space<vmem>>
    %dma_start3A_7 = arith.constant 0 : i32
    %dma_start3A_8 = tpu.memref_slice %arg5[%dma_start3A_7] : memref<10000xi32, #tpu.memory_space<vmem>> -> memref<400xi32, #tpu.memory_space<vmem>>
    %dma_start3A_9 = arith.constant 0 : i32
    %dma_start3A_10 = arith.constant 0 : i32
    %dma_start3A_11 = tpu.memref_slice %arg2[%dma_start3A_9, %dma_start3A_10] : memref<10000x128xf32, #tpu.memory_space<hbm>> -> memref<10000x128xf32, #tpu.memory_space<hbm>>
    tpu.enqueue_indirect_dma source(%dma_start3A_11 : memref<10000x128xf32, #tpu.memory_space<hbm>>) target(%dma_start3A_6 : memref<400x128xf32, #tpu.memory_space<vmem>>) offsets(%dma_start3A_8 : memref<400xi32, #tpu.memory_space<vmem>>) semaphore(%arg7 : memref<!tpu.dma_semaphore, #tpu.memory_space<semaphore_mem>>)
    %dma_start3A_12 = arith.constant 1 : i32
    %dma_start3A_13 = arith.constant 0 : i32
    %dma_start3A_14 = arith.constant 0 : i32
    %dma_start3A_15 = tpu.memref_slice %arg6[%dma_start3A_12, %dma_start3A_13, %dma_start3A_14] : memref<2x400x128xf32, #tpu.memory_space<vmem>> -> memref<1x400x128xf32, #tpu.memory_space<vmem>>
    %dma_start3A_16 = tpu.memref_squeeze %dma_start3A_15 : memref<1x400x128xf32, #tpu.memory_space<vmem>> -> memref<400x128xf32, #tpu.memory_space<vmem>>
    %dma_start3A_17 = arith.constant 400 : i32
    %dma_start3A_18 = tpu.memref_slice %arg5[%dma_start3A_17] : memref<10000xi32, #tpu.memory_space<vmem>> -> memref<400xi32, #tpu.memory_space<vmem>>
    %dma_start3A_19 = arith.constant 0 : i32
    %dma_start3A_20 = arith.constant 0 : i32
    %dma_start3A_21 = tpu.memref_slice %arg2[%dma_start3A_19, %dma_start3A_20] : memref<10000x128xf32, #tpu.memory_space<hbm>> -> memref<10000x128xf32, #tpu.memory_space<hbm>>
    tpu.enqueue_indirect_dma source(%dma_start3A_21 : memref<10000x128xf32, #tpu.memory_space<hbm>>) target(%dma_start3A_16 : memref<400x128xf32, #tpu.memory_space<vmem>>) offsets(%dma_start3A_18 : memref<400xi32, #tpu.memory_space<vmem>>) semaphore(%arg8 : memref<!tpu.dma_semaphore, #tpu.memory_space<semaphore_mem>>)
    %scan3A = arith.constant 0 : i32
    %scan3A_22 = arith.constant 12 : i32
    %scan3A_23 = arith.addi %scan3A, %scan3A_22 : i32
    %scan3A_24 = arith.constant 1 : i32
    scf.for %scan3A_80 = %scan3A to %scan3A_23 step %scan3A_24  : i32 {
      %mul3A_81 = arith.constant 2 : i32
      %mul3A_82 = arith.muli %scan3A_80, %mul3A_81 : i32
      %add3A_83 = arith.constant 0 : i32
      %add3A_84 = arith.addi %add3A_83, %mul3A_82 : i32
      %add3A_85 = arith.constant 0 : i32
      %add3A_86 = arith.addi %add3A_84, %add3A_85 : i32
      %mul3A_87 = arith.constant 400 : i32
      %mul3A_88 = arith.muli %add3A_86, %mul3A_87 : i32
      %dma_wait3A_89 = arith.constant 0 : i32
      %dma_wait3A_90 = arith.constant 0 : i32
      %dma_wait3A_91 = arith.constant 0 : i32
      %dma_wait3A_92 = tpu.memref_slice %arg6[%dma_wait3A_89, %dma_wait3A_90, %dma_wait3A_91] : memref<2x400x128xf32, #tpu.memory_space<vmem>> -> memref<1x400x128xf32, #tpu.memory_space<vmem>>
      %dma_wait3A_93 = tpu.memref_squeeze %dma_wait3A_92 : memref<1x400x128xf32, #tpu.memory_space<vmem>> -> memref<400x128xf32, #tpu.memory_space<vmem>>
      %dma_wait3A_94 = tpu.memref_slice %arg5[%mul3A_88] : memref<10000xi32, #tpu.memory_space<vmem>> -> memref<400xi32, #tpu.memory_space<vmem>>
      %dma_wait3A_95 = arith.constant 0 : i32
      %dma_wait3A_96 = arith.constant 0 : i32
      %dma_wait3A_97 = tpu.memref_slice %arg2[%dma_wait3A_95, %dma_wait3A_96] : memref<10000x128xf32, #tpu.memory_space<hbm>> -> memref<10000x128xf32, #tpu.memory_space<hbm>>
      tpu.wait_indirect_dma semaphore(%arg7 : memref<!tpu.dma_semaphore, #tpu.memory_space<semaphore_mem>>) src(%dma_wait3A_97 : memref<10000x128xf32, #tpu.memory_space<hbm>>) dst(%dma_wait3A_93 : memref<400x128xf32, #tpu.memory_space<vmem>>)
      %mul3A_98 = arith.constant 400 : i32
      %mul3A_99 = arith.muli %add3A_86, %mul3A_98 : i32
      %add3A_100 = arith.addi %mul3A_2, %mul3A_99 : i32
      %dma_start3A_101 = arith.constant 0 : i32
      %dma_start3A_102 = arith.constant 0 : i32
      %dma_start3A_103 = arith.constant 0 : i32
      %dma_start3A_104 = tpu.memref_slice %arg6[%dma_start3A_101, %dma_start3A_102, %dma_start3A_103] : memref<2x400x128xf32, #tpu.memory_space<vmem>> -> memref<1x400x128xf32, #tpu.memory_space<vmem>>
      %dma_start3A_105 = tpu.memref_squeeze %dma_start3A_104 : memref<1x400x128xf32, #tpu.memory_space<vmem>> -> memref<400x128xf32, #tpu.memory_space<vmem>>
      %dma_start3A_106 = arith.constant 0 : i32
      %dma_start3A_107 = tpu.memref_slice %arg4[%add3A_100, %dma_start3A_106] : memref<320000x128xf32, #tpu.memory_space<hbm>> -> memref<400x128xf32, #tpu.memory_space<hbm>>
      %dma_start3A_108 = arith.constant 0 : i32
      %dma_start3A_109 = tpu.memref_slice %arg4[%add3A_100, %dma_start3A_108] : memref<320000x128xf32, #tpu.memory_space<hbm>> -> memref<400x128xf32, #tpu.memory_space<hbm>>
      %dma_start3A_110 = arith.constant 0 : i32
      %dma_start3A_111 = arith.constant 0 : i32
      %dma_start3A_112 = tpu.memref_slice %arg6[%dma_start3A_101, %dma_start3A_110, %dma_start3A_111] : memref<2x400x128xf32, #tpu.memory_space<vmem>> -> memref<1x400x128xf32, #tpu.memory_space<vmem>>
      %dma_start3A_113 = tpu.memref_squeeze %dma_start3A_112 : memref<1x400x128xf32, #tpu.memory_space<vmem>> -> memref<400x128xf32, #tpu.memory_space<vmem>>
      tpu.enqueue_dma source(%dma_start3A_113 : memref<400x128xf32, #tpu.memory_space<vmem>>) target(%dma_start3A_109 : memref<400x128xf32, #tpu.memory_space<hbm>>) target_semaphore(%arg9 : memref<!tpu.dma_semaphore, #tpu.memory_space<semaphore_mem>>)
      %add3A_114 = arith.constant 2 : i32
      %add3A_115 = arith.addi %add3A_86, %add3A_114 : i32
      %lt3A = arith.constant 25 : i32
      %lt3A_116 = arith.cmpi slt, %add3A_115, %lt3A : i32
      %convert_element_type3A = arith.extui %lt3A_116 : i1 to i32
      %cond3A = arith.constant 0 : i32
      %cond3A_117 = arith.cmpi ne, %convert_element_type3A, %cond3A : i32
      scf.if %cond3A_117 {
        %ge3A = arith.constant 2 : i32
        %ge3A_154 = arith.cmpi sge, %add3A_115, %ge3A : i32
        %convert_element_type3A_155 = arith.extui %ge3A_154 : i1 to i32
        %cond3A_156 = arith.constant 0 : i32
        %cond3A_157 = arith.cmpi ne, %convert_element_type3A_155, %cond3A_156 : i32
        scf.if %cond3A_157 {
          %mul3A_169 = arith.constant 400 : i32
          %mul3A_170 = arith.muli %add3A_115, %mul3A_169 : i32
          %add3A_171 = arith.addi %mul3A_2, %mul3A_170 : i32
          %dma_wait3A_172 = arith.constant 0 : i32
          %dma_wait3A_173 = arith.constant 0 : i32
          %dma_wait3A_174 = arith.constant 0 : i32
          %dma_wait3A_175 = tpu.memref_slice %arg6[%dma_wait3A_172, %dma_wait3A_173, %dma_wait3A_174] : memref<2x400x128xf32, #tpu.memory_space<vmem>> -> memref<1x400x128xf32, #tpu.memory_space<vmem>>
          %dma_wait3A_176 = tpu.memref_squeeze %dma_wait3A_175 : memref<1x400x128xf32, #tpu.memory_space<vmem>> -> memref<400x128xf32, #tpu.memory_space<vmem>>
          %dma_wait3A_177 = arith.constant 0 : i32
          %dma_wait3A_178 = tpu.memref_slice %arg4[%add3A_171, %dma_wait3A_177] : memref<320000x128xf32, #tpu.memory_space<hbm>> -> memref<400x128xf32, #tpu.memory_space<hbm>>
          %dma_wait3A_179 = arith.constant 0 : i32
          %dma_wait3A_180 = tpu.memref_slice %arg4[%add3A_171, %dma_wait3A_179] : memref<320000x128xf32, #tpu.memory_space<hbm>> -> memref<400x128xf32, #tpu.memory_space<hbm>>
          %dma_wait3A_181 = arith.constant 0 : i32
          %dma_wait3A_182 = arith.constant 0 : i32
          %dma_wait3A_183 = tpu.memref_slice %arg6[%dma_wait3A_172, %dma_wait3A_181, %dma_wait3A_182] : memref<2x400x128xf32, #tpu.memory_space<vmem>> -> memref<1x400x128xf32, #tpu.memory_space<vmem>>
          %dma_wait3A_184 = tpu.memref_squeeze %dma_wait3A_183 : memref<1x400x128xf32, #tpu.memory_space<vmem>> -> memref<400x128xf32, #tpu.memory_space<vmem>>
          tpu.wait_dma2 semaphore(%arg9 : memref<!tpu.dma_semaphore, #tpu.memory_space<semaphore_mem>>) src(%dma_wait3A_184 : memref<400x128xf32, #tpu.memory_space<vmem>>) dst(%dma_wait3A_180 : memref<400x128xf32, #tpu.memory_space<hbm>>)
        } else {
        }
        %mul3A_158 = arith.constant 400 : i32
        %mul3A_159 = arith.muli %add3A_115, %mul3A_158 : i32
        %dma_start3A_160 = arith.constant 0 : i32
        %dma_start3A_161 = arith.constant 0 : i32
        %dma_start3A_162 = arith.constant 0 : i32
        %dma_start3A_163 = tpu.memref_slice %arg6[%dma_start3A_160, %dma_start3A_161, %dma_start3A_162] : memref<2x400x128xf32, #tpu.memory_space<vmem>> -> memref<1x400x128xf32, #tpu.memory_space<vmem>>
        %dma_start3A_164 = tpu.memref_squeeze %dma_start3A_163 : memref<1x400x128xf32, #tpu.memory_space<vmem>> -> memref<400x128xf32, #tpu.memory_space<vmem>>
        %dma_start3A_165 = tpu.memref_slice %arg5[%mul3A_159] : memref<10000xi32, #tpu.memory_space<vmem>> -> memref<400xi32, #tpu.memory_space<vmem>>
        %dma_start3A_166 = arith.constant 0 : i32
        %dma_start3A_167 = arith.constant 0 : i32
        %dma_start3A_168 = tpu.memref_slice %arg2[%dma_start3A_166, %dma_start3A_167] : memref<10000x128xf32, #tpu.memory_space<hbm>> -> memref<10000x128xf32, #tpu.memory_space<hbm>>
        tpu.enqueue_indirect_dma source(%dma_start3A_168 : memref<10000x128xf32, #tpu.memory_space<hbm>>) target(%dma_start3A_164 : memref<400x128xf32, #tpu.memory_space<vmem>>) offsets(%dma_start3A_165 : memref<400xi32, #tpu.memory_space<vmem>>) semaphore(%arg7 : memref<!tpu.dma_semaphore, #tpu.memory_space<semaphore_mem>>)
      } else {
      }
      %add3A_118 = arith.constant 1 : i32
      %add3A_119 = arith.addi %add3A_84, %add3A_118 : i32
      %mul3A_120 = arith.constant 400 : i32
      %mul3A_121 = arith.muli %add3A_119, %mul3A_120 : i32
      %dma_wait3A_122 = arith.constant 1 : i32
      %dma_wait3A_123 = arith.constant 0 : i32
      %dma_wait3A_124 = arith.constant 0 : i32
      %dma_wait3A_125 = tpu.memref_slice %arg6[%dma_wait3A_122, %dma_wait3A_123, %dma_wait3A_124] : memref<2x400x128xf32, #tpu.memory_space<vmem>> -> memref<1x400x128xf32, #tpu.memory_space<vmem>>
      %dma_wait3A_126 = tpu.memref_squeeze %dma_wait3A_125 : memref<1x400x128xf32, #tpu.memory_space<vmem>> -> memref<400x128xf32, #tpu.memory_space<vmem>>
      %dma_wait3A_127 = tpu.memref_slice %arg5[%mul3A_121] : memref<10000xi32, #tpu.memory_space<vmem>> -> memref<400xi32, #tpu.memory_space<vmem>>
      %dma_wait3A_128 = arith.constant 0 : i32
      %dma_wait3A_129 = arith.constant 0 : i32
      %dma_wait3A_130 = tpu.memref_slice %arg2[%dma_wait3A_128, %dma_wait3A_129] : memref<10000x128xf32, #tpu.memory_space<hbm>> -> memref<10000x128xf32, #tpu.memory_space<hbm>>
      tpu.wait_indirect_dma semaphore(%arg8 : memref<!tpu.dma_semaphore, #tpu.memory_space<semaphore_mem>>) src(%dma_wait3A_130 : memref<10000x128xf32, #tpu.memory_space<hbm>>) dst(%dma_wait3A_126 : memref<400x128xf32, #tpu.memory_space<vmem>>)
      %mul3A_131 = arith.constant 400 : i32
      %mul3A_132 = arith.muli %add3A_119, %mul3A_131 : i32
      %add3A_133 = arith.addi %mul3A_2, %mul3A_132 : i32
      %dma_start3A_134 = arith.constant 1 : i32
      %dma_start3A_135 = arith.constant 0 : i32
      %dma_start3A_136 = arith.constant 0 : i32
      %dma_start3A_137 = tpu.memref_slice %arg6[%dma_start3A_134, %dma_start3A_135, %dma_start3A_136] : memref<2x400x128xf32, #tpu.memory_space<vmem>> -> memref<1x400x128xf32, #tpu.memory_space<vmem>>
      %dma_start3A_138 = tpu.memref_squeeze %dma_start3A_137 : memref<1x400x128xf32, #tpu.memory_space<vmem>> -> memref<400x128xf32, #tpu.memory_space<vmem>>
      %dma_start3A_139 = arith.constant 0 : i32
      %dma_start3A_140 = tpu.memref_slice %arg4[%add3A_133, %dma_start3A_139] : memref<320000x128xf32, #tpu.memory_space<hbm>> -> memref<400x128xf32, #tpu.memory_space<hbm>>
      %dma_start3A_141 = arith.constant 0 : i32
      %dma_start3A_142 = tpu.memref_slice %arg4[%add3A_133, %dma_start3A_141] : memref<320000x128xf32, #tpu.memory_space<hbm>> -> memref<400x128xf32, #tpu.memory_space<hbm>>
      %dma_start3A_143 = arith.constant 0 : i32
      %dma_start3A_144 = arith.constant 0 : i32
      %dma_start3A_145 = tpu.memref_slice %arg6[%dma_start3A_134, %dma_start3A_143, %dma_start3A_144] : memref<2x400x128xf32, #tpu.memory_space<vmem>> -> memref<1x400x128xf32, #tpu.memory_space<vmem>>
      %dma_start3A_146 = tpu.memref_squeeze %dma_start3A_145 : memref<1x400x128xf32, #tpu.memory_space<vmem>> -> memref<400x128xf32, #tpu.memory_space<vmem>>
      tpu.enqueue_dma source(%dma_start3A_146 : memref<400x128xf32, #tpu.memory_space<vmem>>) target(%dma_start3A_142 : memref<400x128xf32, #tpu.memory_space<hbm>>) target_semaphore(%arg10 : memref<!tpu.dma_semaphore, #tpu.memory_space<semaphore_mem>>)
      %add3A_147 = arith.constant 2 : i32
      %add3A_148 = arith.addi %add3A_119, %add3A_147 : i32
      %lt3A_149 = arith.constant 25 : i32
      %lt3A_150 = arith.cmpi slt, %add3A_148, %lt3A_149 : i32
      %convert_element_type3A_151 = arith.extui %lt3A_150 : i1 to i32
      %cond3A_152 = arith.constant 0 : i32
      %cond3A_153 = arith.cmpi ne, %convert_element_type3A_151, %cond3A_152 : i32
      scf.if %cond3A_153 {
        %ge3A = arith.constant 2 : i32
        %ge3A_154 = arith.cmpi sge, %add3A_148, %ge3A : i32
        %convert_element_type3A_155 = arith.extui %ge3A_154 : i1 to i32
        %cond3A_156 = arith.constant 0 : i32
        %cond3A_157 = arith.cmpi ne, %convert_element_type3A_155, %cond3A_156 : i32
        scf.if %cond3A_157 {
          %mul3A_169 = arith.constant 400 : i32
          %mul3A_170 = arith.muli %add3A_148, %mul3A_169 : i32
          %add3A_171 = arith.addi %mul3A_2, %mul3A_170 : i32
          %dma_wait3A_172 = arith.constant 1 : i32
          %dma_wait3A_173 = arith.constant 0 : i32
          %dma_wait3A_174 = arith.constant 0 : i32
          %dma_wait3A_175 = tpu.memref_slice %arg6[%dma_wait3A_172, %dma_wait3A_173, %dma_wait3A_174] : memref<2x400x128xf32, #tpu.memory_space<vmem>> -> memref<1x400x128xf32, #tpu.memory_space<vmem>>
          %dma_wait3A_176 = tpu.memref_squeeze %dma_wait3A_175 : memref<1x400x128xf32, #tpu.memory_space<vmem>> -> memref<400x128xf32, #tpu.memory_space<vmem>>
          %dma_wait3A_177 = arith.constant 0 : i32
          %dma_wait3A_178 = tpu.memref_slice %arg4[%add3A_171, %dma_wait3A_177] : memref<320000x128xf32, #tpu.memory_space<hbm>> -> memref<400x128xf32, #tpu.memory_space<hbm>>
          %dma_wait3A_179 = arith.constant 0 : i32
          %dma_wait3A_180 = tpu.memref_slice %arg4[%add3A_171, %dma_wait3A_179] : memref<320000x128xf32, #tpu.memory_space<hbm>> -> memref<400x128xf32, #tpu.memory_space<hbm>>
          %dma_wait3A_181 = arith.constant 0 : i32
          %dma_wait3A_182 = arith.constant 0 : i32
          %dma_wait3A_183 = tpu.memref_slice %arg6[%dma_wait3A_172, %dma_wait3A_181, %dma_wait3A_182] : memref<2x400x128xf32, #tpu.memory_space<vmem>> -> memref<1x400x128xf32, #tpu.memory_space<vmem>>
          %dma_wait3A_184 = tpu.memref_squeeze %dma_wait3A_183 : memref<1x400x128xf32, #tpu.memory_space<vmem>> -> memref<400x128xf32, #tpu.memory_space<vmem>>
          tpu.wait_dma2 semaphore(%arg10 : memref<!tpu.dma_semaphore, #tpu.memory_space<semaphore_mem>>) src(%dma_wait3A_184 : memref<400x128xf32, #tpu.memory_space<vmem>>) dst(%dma_wait3A_180 : memref<400x128xf32, #tpu.memory_space<hbm>>)
        } else {
        }
        %mul3A_158 = arith.constant 400 : i32
        %mul3A_159 = arith.muli %add3A_148, %mul3A_158 : i32
        %dma_start3A_160 = arith.constant 1 : i32
        %dma_start3A_161 = arith.constant 0 : i32
        %dma_start3A_162 = arith.constant 0 : i32
        %dma_start3A_163 = tpu.memref_slice %arg6[%dma_start3A_160, %dma_start3A_161, %dma_start3A_162] : memref<2x400x128xf32, #tpu.memory_space<vmem>> -> memref<1x400x128xf32, #tpu.memory_space<vmem>>
        %dma_start3A_164 = tpu.memref_squeeze %dma_start3A_163 : memref<1x400x128xf32, #tpu.memory_space<vmem>> -> memref<400x128xf32, #tpu.memory_space<vmem>>
        %dma_start3A_165 = tpu.memref_slice %arg5[%mul3A_159] : memref<10000xi32, #tpu.memory_space<vmem>> -> memref<400xi32, #tpu.memory_space<vmem>>
        %dma_start3A_166 = arith.constant 0 : i32
        %dma_start3A_167 = arith.constant 0 : i32
        %dma_start3A_168 = tpu.memref_slice %arg2[%dma_start3A_166, %dma_start3A_167] : memref<10000x128xf32, #tpu.memory_space<hbm>> -> memref<10000x128xf32, #tpu.memory_space<hbm>>
        tpu.enqueue_indirect_dma source(%dma_start3A_168 : memref<10000x128xf32, #tpu.memory_space<hbm>>) target(%dma_start3A_164 : memref<400x128xf32, #tpu.memory_space<vmem>>) offsets(%dma_start3A_165 : memref<400xi32, #tpu.memory_space<vmem>>) semaphore(%arg8 : memref<!tpu.dma_semaphore, #tpu.memory_space<semaphore_mem>>)
      } else {
      }
    }
    %scan3A_25 = arith.constant 12 : i32
    %dma_wait3A = arith.constant 0 : i32
    %dma_wait3A_26 = arith.constant 0 : i32
    %dma_wait3A_27 = arith.constant 0 : i32
    %dma_wait3A_28 = tpu.memref_slice %arg6[%dma_wait3A, %dma_wait3A_26, %dma_wait3A_27] : memref<2x400x128xf32, #tpu.memory_space<vmem>> -> memref<1x400x128xf32, #tpu.memory_space<vmem>>
    %dma_wait3A_29 = tpu.memref_squeeze %dma_wait3A_28 : memref<1x400x128xf32, #tpu.memory_space<vmem>> -> memref<400x128xf32, #tpu.memory_space<vmem>>
    %dma_wait3A_30 = arith.constant 9600 : i32
    %dma_wait3A_31 = tpu.memref_slice %arg5[%dma_wait3A_30] : memref<10000xi32, #tpu.memory_space<vmem>> -> memref<400xi32, #tpu.memory_space<vmem>>
    %dma_wait3A_32 = arith.constant 0 : i32
    %dma_wait3A_33 = arith.constant 0 : i32
    %dma_wait3A_34 = tpu.memref_slice %arg2[%dma_wait3A_32, %dma_wait3A_33] : memref<10000x128xf32, #tpu.memory_space<hbm>> -> memref<10000x128xf32, #tpu.memory_space<hbm>>
    tpu.wait_indirect_dma semaphore(%arg7 : memref<!tpu.dma_semaphore, #tpu.memory_space<semaphore_mem>>) src(%dma_wait3A_34 : memref<10000x128xf32, #tpu.memory_space<hbm>>) dst(%dma_wait3A_29 : memref<400x128xf32, #tpu.memory_space<vmem>>)
    %add3A_35 = arith.constant 9600 : i32
    %add3A_36 = arith.addi %mul3A_2, %add3A_35 : i32
    %dma_start3A_37 = arith.constant 0 : i32
    %dma_start3A_38 = arith.constant 0 : i32
    %dma_start3A_39 = arith.constant 0 : i32
    %dma_start3A_40 = tpu.memref_slice %arg6[%dma_start3A_37, %dma_start3A_38, %dma_start3A_39] : memref<2x400x128xf32, #tpu.memory_space<vmem>> -> memref<1x400x128xf32, #tpu.memory_space<vmem>>
    %dma_start3A_41 = tpu.memref_squeeze %dma_start3A_40 : memref<1x400x128xf32, #tpu.memory_space<vmem>> -> memref<400x128xf32, #tpu.memory_space<vmem>>
    %dma_start3A_42 = arith.constant 0 : i32
    %dma_start3A_43 = tpu.memref_slice %arg4[%add3A_36, %dma_start3A_42] : memref<320000x128xf32, #tpu.memory_space<hbm>> -> memref<400x128xf32, #tpu.memory_space<hbm>>
    %dma_start3A_44 = arith.constant 0 : i32
    %dma_start3A_45 = tpu.memref_slice %arg4[%add3A_36, %dma_start3A_44] : memref<320000x128xf32, #tpu.memory_space<hbm>> -> memref<400x128xf32, #tpu.memory_space<hbm>>
    %dma_start3A_46 = arith.constant 0 : i32
    %dma_start3A_47 = arith.constant 0 : i32
    %dma_start3A_48 = tpu.memref_slice %arg6[%dma_start3A_37, %dma_start3A_46, %dma_start3A_47] : memref<2x400x128xf32, #tpu.memory_space<vmem>> -> memref<1x400x128xf32, #tpu.memory_space<vmem>>
    %dma_start3A_49 = tpu.memref_squeeze %dma_start3A_48 : memref<1x400x128xf32, #tpu.memory_space<vmem>> -> memref<400x128xf32, #tpu.memory_space<vmem>>
    tpu.enqueue_dma source(%dma_start3A_49 : memref<400x128xf32, #tpu.memory_space<vmem>>) target(%dma_start3A_45 : memref<400x128xf32, #tpu.memory_space<hbm>>) target_semaphore(%arg9 : memref<!tpu.dma_semaphore, #tpu.memory_space<semaphore_mem>>)
    %add3A_50 = arith.constant 9200 : i32
    %add3A_51 = arith.addi %mul3A_2, %add3A_50 : i32
    %dma_wait3A_52 = arith.constant 1 : i32
    %dma_wait3A_53 = arith.constant 0 : i32
    %dma_wait3A_54 = arith.constant 0 : i32
    %dma_wait3A_55 = tpu.memref_slice %arg6[%dma_wait3A_52, %dma_wait3A_53, %dma_wait3A_54] : memref<2x400x128xf32, #tpu.memory_space<vmem>> -> memref<1x400x128xf32, #tpu.memory_space<vmem>>
    %dma_wait3A_56 = tpu.memref_squeeze %dma_wait3A_55 : memref<1x400x128xf32, #tpu.memory_space<vmem>> -> memref<400x128xf32, #tpu.memory_space<vmem>>
    %dma_wait3A_57 = arith.constant 0 : i32
    %dma_wait3A_58 = tpu.memref_slice %arg4[%add3A_51, %dma_wait3A_57] : memref<320000x128xf32, #tpu.memory_space<hbm>> -> memref<400x128xf32, #tpu.memory_space<hbm>>
    %dma_wait3A_59 = arith.constant 0 : i32
    %dma_wait3A_60 = tpu.memref_slice %arg4[%add3A_51, %dma_wait3A_59] : memref<320000x128xf32, #tpu.memory_space<hbm>> -> memref<400x128xf32, #tpu.memory_space<hbm>>
    %dma_wait3A_61 = arith.constant 0 : i32
    %dma_wait3A_62 = arith.constant 0 : i32
    %dma_wait3A_63 = tpu.memref_slice %arg6[%dma_wait3A_52, %dma_wait3A_61, %dma_wait3A_62] : memref<2x400x128xf32, #tpu.memory_space<vmem>> -> memref<1x400x128xf32, #tpu.memory_space<vmem>>
    %dma_wait3A_64 = tpu.memref_squeeze %dma_wait3A_63 : memref<1x400x128xf32, #tpu.memory_space<vmem>> -> memref<400x128xf32, #tpu.memory_space<vmem>>
    tpu.wait_dma2 semaphore(%arg10 : memref<!tpu.dma_semaphore, #tpu.memory_space<semaphore_mem>>) src(%dma_wait3A_64 : memref<400x128xf32, #tpu.memory_space<vmem>>) dst(%dma_wait3A_60 : memref<400x128xf32, #tpu.memory_space<hbm>>)
    %add3A_65 = arith.constant 9600 : i32
    %add3A_66 = arith.addi %mul3A_2, %add3A_65 : i32
    %dma_wait3A_67 = arith.constant 0 : i32
    %dma_wait3A_68 = arith.constant 0 : i32
    %dma_wait3A_69 = arith.constant 0 : i32
    %dma_wait3A_70 = tpu.memref_slice %arg6[%dma_wait3A_67, %dma_wait3A_68, %dma_wait3A_69] : memref<2x400x128xf32, #tpu.memory_space<vmem>> -> memref<1x400x128xf32, #tpu.memory_space<vmem>>
    %dma_wait3A_71 = tpu.memref_squeeze %dma_wait3A_70 : memref<1x400x128xf32, #tpu.memory_space<vmem>> -> memref<400x128xf32, #tpu.memory_space<vmem>>
    %dma_wait3A_72 = arith.constant 0 : i32
    %dma_wait3A_73 = tpu.memref_slice %arg4[%add3A_66, %dma_wait3A_72] : memref<320000x128xf32, #tpu.memory_space<hbm>> -> memref<400x128xf32, #tpu.memory_space<hbm>>
    %dma_wait3A_74 = arith.constant 0 : i32
    %dma_wait3A_75 = tpu.memref_slice %arg4[%add3A_66, %dma_wait3A_74] : memref<320000x128xf32, #tpu.memory_space<hbm>> -> memref<400x128xf32, #tpu.memory_space<hbm>>
    %dma_wait3A_76 = arith.constant 0 : i32
    %dma_wait3A_77 = arith.constant 0 : i32
    %dma_wait3A_78 = tpu.memref_slice %arg6[%dma_wait3A_67, %dma_wait3A_76, %dma_wait3A_77] : memref<2x400x128xf32, #tpu.memory_space<vmem>> -> memref<1x400x128xf32, #tpu.memory_space<vmem>>
    %dma_wait3A_79 = tpu.memref_squeeze %dma_wait3A_78 : memref<1x400x128xf32, #tpu.memory_space<vmem>> -> memref<400x128xf32, #tpu.memory_space<vmem>>
    tpu.wait_dma2 semaphore(%arg9 : memref<!tpu.dma_semaphore, #tpu.memory_space<semaphore_mem>>) src(%dma_wait3A_79 : memref<400x128xf32, #tpu.memory_space<vmem>>) dst(%dma_wait3A_75 : memref<400x128xf32, #tpu.memory_space<hbm>>)
    return
  }
}

#map = affine_map<(d0, d1) -> (0, 0)>
#map1 = affine_map<(d0, d1) -> (0)>
module attributes {stable_mosaic.version = 14 : i64} {
  func.func @sc_gather(%arg0: i32, %arg1: i32, %arg2: memref<10000x128xf32, #tpu.memory_space<hbm>>, %arg3: memref<320000xi32, #tpu.memory_space<hbm>>, %arg4: memref<320000x128xf32, #tpu.memory_space<hbm>>, %arg5: memref<10000xi32, #tpu.memory_space<vmem>>, %arg6: memref<2x400x128xf32, #tpu.memory_space<vmem>>, %arg7: memref<!tpu.dma_semaphore, #tpu.memory_space<semaphore_mem>>, %arg8: memref<!tpu.dma_semaphore, #tpu.memory_space<semaphore_mem>>, %arg9: memref<!tpu.dma_semaphore, #tpu.memory_space<semaphore_mem>>, %arg10: memref<!tpu.dma_semaphore, #tpu.memory_space<semaphore_mem>>) attributes {dimension_semantics = [#tpu.dimension_semantics<core_parallel>, #tpu.dimension_semantics<subcore_parallel>], iteration_bounds = array<i64: 2, 16>, scalar_prefetch = 0 : i64, scratch_operands = 6 : i64, tpu.core_type = #tpu.core_type<sc_vector_subcore>, window_params = [{transform_indices = #map}, {transform_indices = #map1}, {transform_indices = #map}]} {
    %mul3A = arith.constant 2 : i32
    %mul3A_0 = arith.muli %arg1, %mul3A : i32
    %add3A = arith.addi %mul3A_0, %arg0 : i32
    %mul3A_1 = arith.constant 10000 : i32
    %mul3A_2 = arith.muli %add3A, %mul3A_1 : i32
    "tpu.region"() ({
      %run_scoped3A = tpu.sem_alloc : memref<!tpu.dma_semaphore, #tpu.memory_space<semaphore_mem>>
      %dma_start3A_80 = tpu.memref_slice %arg3[%mul3A_2] : memref<320000xi32, #tpu.memory_space<hbm>> -> memref<10000xi32, #tpu.memory_space<hbm>>
      %dma_start3A_81 = tpu.memref_slice %arg3[%mul3A_2] : memref<320000xi32, #tpu.memory_space<hbm>> -> memref<10000xi32, #tpu.memory_space<hbm>>
      tpu.enqueue_dma source(%dma_start3A_81 : memref<10000xi32, #tpu.memory_space<hbm>>) target(%arg5 : memref<10000xi32, #tpu.memory_space<vmem>>) target_semaphore(%run_scoped3A : memref<!tpu.dma_semaphore, #tpu.memory_space<semaphore_mem>>)
      %dma_wait3A_82 = tpu.memref_slice %arg3[%mul3A_2] : memref<320000xi32, #tpu.memory_space<hbm>> -> memref<10000xi32, #tpu.memory_space<hbm>>
      %dma_wait3A_83 = tpu.memref_slice %arg3[%mul3A_2] : memref<320000xi32, #tpu.memory_space<hbm>> -> memref<10000xi32, #tpu.memory_space<hbm>>
      tpu.wait_dma2 semaphore(%run_scoped3A : memref<!tpu.dma_semaphore, #tpu.memory_space<semaphore_mem>>) src(%dma_wait3A_83 : memref<10000xi32, #tpu.memory_space<hbm>>) dst(%arg5 : memref<10000xi32, #tpu.memory_space<vmem>>)
      tpu.yield
    }) : () -> ()
    %dma_start3A = arith.constant 0 : i32
    %dma_start3A_3 = arith.constant 0 : i32
    %dma_start3A_4 = arith.constant 0 : i32
    %dma_start3A_5 = tpu.memref_slice %arg6[%dma_start3A, %dma_start3A_3, %dma_start3A_4] : memref<2x400x128xf32, #tpu.memory_space<vmem>> -> memref<1x400x128xf32, #tpu.memory_space<vmem>>
    %dma_start3A_6 = tpu.memref_squeeze %dma_start3A_5 : memref<1x400x128xf32, #tpu.memory_space<vmem>> -> memref<400x128xf32, #tpu.memory_space<vmem>>
    %dma_start3A_7 = arith.constant 0 : i32
    %dma_start3A_8 = tpu.memref_slice %arg5[%dma_start3A_7] : memref<10000xi32, #tpu.memory_space<vmem>> -> memref<400xi32, #tpu.memory_space<vmem>>
    %dma_start3A_9 = arith.constant 0 : i32
    %dma_start3A_10 = arith.constant 0 : i32
    %dma_start3A_11 = tpu.memref_slice %arg2[%dma_start3A_9, %dma_start3A_10] : memref<10000x128xf32, #tpu.memory_space<hbm>> -> memref<10000x128xf32, #tpu.memory_space<hbm>>
    tpu.enqueue_indirect_dma source(%dma_start3A_11 : memref<10000x128xf32, #tpu.memory_space<hbm>>) target(%dma_start3A_6 : memref<400x128xf32, #tpu.memory_space<vmem>>) offsets(%dma_start3A_8 : memref<400xi32, #tpu.memory_space<vmem>>) semaphore(%arg7 : memref<!tpu.dma_semaphore, #tpu.memory_space<semaphore_mem>>)
    %dma_start3A_12 = arith.constant 1 : i32
    %dma_start3A_13 = arith.constant 0 : i32
    %dma_start3A_14 = arith.constant 0 : i32
    %dma_start3A_15 = tpu.memref_slice %arg6[%dma_start3A_12, %dma_start3A_13, %dma_start3A_14] : memref<2x400x128xf32, #tpu.memory_space<vmem>> -> memref<1x400x128xf32, #tpu.memory_space<vmem>>
    %dma_start3A_16 = tpu.memref_squeeze %dma_start3A_15 : memref<1x400x128xf32, #tpu.memory_space<vmem>> -> memref<400x128xf32, #tpu.memory_space<vmem>>
    %dma_start3A_17 = arith.constant 400 : i32
    %dma_start3A_18 = tpu.memref_slice %arg5[%dma_start3A_17] : memref<10000xi32, #tpu.memory_space<vmem>> -> memref<400xi32, #tpu.memory_space<vmem>>
    %dma_start3A_19 = arith.constant 0 : i32
    %dma_start3A_20 = arith.constant 0 : i32
    %dma_start3A_21 = tpu.memref_slice %arg2[%dma_start3A_19, %dma_start3A_20] : memref<10000x128xf32, #tpu.memory_space<hbm>> -> memref<10000x128xf32, #tpu.memory_space<hbm>>
    tpu.enqueue_indirect_dma source(%dma_start3A_21 : memref<10000x128xf32, #tpu.memory_space<hbm>>) target(%dma_start3A_16 : memref<400x128xf32, #tpu.memory_space<vmem>>) offsets(%dma_start3A_18 : memref<400xi32, #tpu.memory_space<vmem>>) semaphore(%arg8 : memref<!tpu.dma_semaphore, #tpu.memory_space<semaphore_mem>>)
    %scan3A = arith.constant 0 : i32
    %scan3A_22 = arith.constant 12 : i32
    %scan3A_23 = arith.addi %scan3A, %scan3A_22 : i32
    %scan3A_24 = arith.constant 1 : i32
    scf.for %scan3A_80 = %scan3A to %scan3A_23 step %scan3A_24  : i32 {
      %mul3A_81 = arith.constant 2 : i32
      %mul3A_82 = arith.muli %scan3A_80, %mul3A_81 : i32
      %add3A_83 = arith.constant 0 : i32
      %add3A_84 = arith.addi %add3A_83, %mul3A_82 : i32
      %add3A_85 = arith.constant 0 : i32
      %add3A_86 = arith.addi %add3A_84, %add3A_85 : i32
      %mul3A_87 = arith.constant 400 : i32
      %mul3A_88 = arith.muli %add3A_86, %mul3A_87 : i32
      %dma_wait3A_89 = arith.constant 0 : i32
      %dma_wait3A_90 = arith.constant 0 : i32
      %dma_wait3A_91 = arith.constant 0 : i32
      %dma_wait3A_92 = tpu.memref_slice %arg6[%dma_wait3A_89, %dma_wait3A_90, %dma_wait3A_91] : memref<2x400x128xf32, #tpu.memory_space<vmem>> -> memref<1x400x128xf32, #tpu.memory_space<vmem>>
      %dma_wait3A_93 = tpu.memref_squeeze %dma_wait3A_92 : memref<1x400x128xf32, #tpu.memory_space<vmem>> -> memref<400x128xf32, #tpu.memory_space<vmem>>
      %dma_wait3A_94 = tpu.memref_slice %arg5[%mul3A_88] : memref<10000xi32, #tpu.memory_space<vmem>> -> memref<400xi32, #tpu.memory_space<vmem>>
      %dma_wait3A_95 = arith.constant 0 : i32
      %dma_wait3A_96 = arith.constant 0 : i32
      %dma_wait3A_97 = tpu.memref_slice %arg2[%dma_wait3A_95, %dma_wait3A_96] : memref<10000x128xf32, #tpu.memory_space<hbm>> -> memref<10000x128xf32, #tpu.memory_space<hbm>>
      tpu.wait_indirect_dma semaphore(%arg7 : memref<!tpu.dma_semaphore, #tpu.memory_space<semaphore_mem>>) src(%dma_wait3A_97 : memref<10000x128xf32, #tpu.memory_space<hbm>>) dst(%dma_wait3A_93 : memref<400x128xf32, #tpu.memory_space<vmem>>)
      %mul3A_98 = arith.constant 400 : i32
      %mul3A_99 = arith.muli %add3A_86, %mul3A_98 : i32
      %add3A_100 = arith.addi %mul3A_2, %mul3A_99 : i32
      %dma_start3A_101 = arith.constant 0 : i32
      %dma_start3A_102 = arith.constant 0 : i32
      %dma_start3A_103 = arith.constant 0 : i32
      %dma_start3A_104 = tpu.memref_slice %arg6[%dma_start3A_101, %dma_start3A_102, %dma_start3A_103] : memref<2x400x128xf32, #tpu.memory_space<vmem>> -> memref<1x400x128xf32, #tpu.memory_space<vmem>>
      %dma_start3A_105 = tpu.memref_squeeze %dma_start3A_104 : memref<1x400x128xf32, #tpu.memory_space<vmem>> -> memref<400x128xf32, #tpu.memory_space<vmem>>
      %dma_start3A_106 = arith.constant 0 : i32
      %dma_start3A_107 = tpu.memref_slice %arg4[%add3A_100, %dma_start3A_106] : memref<320000x128xf32, #tpu.memory_space<hbm>> -> memref<400x128xf32, #tpu.memory_space<hbm>>
      %dma_start3A_108 = arith.constant 0 : i32
      %dma_start3A_109 = tpu.memref_slice %arg4[%add3A_100, %dma_start3A_108] : memref<320000x128xf32, #tpu.memory_space<hbm>> -> memref<400x128xf32, #tpu.memory_space<hbm>>
      %dma_start3A_110 = arith.constant 0 : i32
      %dma_start3A_111 = arith.constant 0 : i32
      %dma_start3A_112 = tpu.memref_slice %arg6[%dma_start3A_101, %dma_start3A_110, %dma_start3A_111] : memref<2x400x128xf32, #tpu.memory_space<vmem>> -> memref<1x400x128xf32, #tpu.memory_space<vmem>>
      %dma_start3A_113 = tpu.memref_squeeze %dma_start3A_112 : memref<1x400x128xf32, #tpu.memory_space<vmem>> -> memref<400x128xf32, #tpu.memory_space<vmem>>
      tpu.enqueue_dma source(%dma_start3A_113 : memref<400x128xf32, #tpu.memory_space<vmem>>) target(%dma_start3A_109 : memref<400x128xf32, #tpu.memory_space<hbm>>) target_semaphore(%arg9 : memref<!tpu.dma_semaphore, #tpu.memory_space<semaphore_mem>>)
      %add3A_114 = arith.constant 2 : i32
      %add3A_115 = arith.addi %add3A_86, %add3A_114 : i32
      %lt3A = arith.constant 25 : i32
      %lt3A_116 = arith.cmpi slt, %add3A_115, %lt3A : i32
      %convert_element_type3A = arith.extui %lt3A_116 : i1 to i32
      %cond3A = arith.constant 0 : i32
      %cond3A_117 = arith.cmpi ne, %convert_element_type3A, %cond3A : i32
      scf.if %cond3A_117 {
        %ge3A = arith.constant 2 : i32
        %ge3A_154 = arith.cmpi sge, %add3A_115, %ge3A : i32
        %convert_element_type3A_155 = arith.extui %ge3A_154 : i1 to i32
        %cond3A_156 = arith.constant 0 : i32
        %cond3A_157 = arith.cmpi ne, %convert_element_type3A_155, %cond3A_156 : i32
        scf.if %cond3A_157 {
          %mul3A_169 = arith.constant 400 : i32
          %mul3A_170 = arith.muli %add3A_115, %mul3A_169 : i32
          %add3A_171 = arith.addi %mul3A_2, %mul3A_170 : i32
          %dma_wait3A_172 = arith.constant 0 : i32
          %dma_wait3A_173 = arith.constant 0 : i32
          %dma_wait3A_174 = arith.constant 0 : i32
          %dma_wait3A_175 = tpu.memref_slice %arg6[%dma_wait3A_172, %dma_wait3A_173, %dma_wait3A_174] : memref<2x400x128xf32, #tpu.memory_space<vmem>> -> memref<1x400x128xf32, #tpu.memory_space<vmem>>
          %dma_wait3A_176 = tpu.memref_squeeze %dma_wait3A_175 : memref<1x400x128xf32, #tpu.memory_space<vmem>> -> memref<400x128xf32, #tpu.memory_space<vmem>>
          %dma_wait3A_177 = arith.constant 0 : i32
          %dma_wait3A_178 = tpu.memref_slice %arg4[%add3A_171, %dma_wait3A_177] : memref<320000x128xf32, #tpu.memory_space<hbm>> -> memref<400x128xf32, #tpu.memory_space<hbm>>
          %dma_wait3A_179 = arith.constant 0 : i32
          %dma_wait3A_180 = tpu.memref_slice %arg4[%add3A_171, %dma_wait3A_179] : memref<320000x128xf32, #tpu.memory_space<hbm>> -> memref<400x128xf32, #tpu.memory_space<hbm>>
          %dma_wait3A_181 = arith.constant 0 : i32
          %dma_wait3A_182 = arith.constant 0 : i32
          %dma_wait3A_183 = tpu.memref_slice %arg6[%dma_wait3A_172, %dma_wait3A_181, %dma_wait3A_182] : memref<2x400x128xf32, #tpu.memory_space<vmem>> -> memref<1x400x128xf32, #tpu.memory_space<vmem>>
          %dma_wait3A_184 = tpu.memref_squeeze %dma_wait3A_183 : memref<1x400x128xf32, #tpu.memory_space<vmem>> -> memref<400x128xf32, #tpu.memory_space<vmem>>
          tpu.wait_dma2 semaphore(%arg9 : memref<!tpu.dma_semaphore, #tpu.memory_space<semaphore_mem>>) src(%dma_wait3A_184 : memref<400x128xf32, #tpu.memory_space<vmem>>) dst(%dma_wait3A_180 : memref<400x128xf32, #tpu.memory_space<hbm>>)
        } else {
        }
        %mul3A_158 = arith.constant 400 : i32
        %mul3A_159 = arith.muli %add3A_115, %mul3A_158 : i32
        %dma_start3A_160 = arith.constant 0 : i32
        %dma_start3A_161 = arith.constant 0 : i32
        %dma_start3A_162 = arith.constant 0 : i32
        %dma_start3A_163 = tpu.memref_slice %arg6[%dma_start3A_160, %dma_start3A_161, %dma_start3A_162] : memref<2x400x128xf32, #tpu.memory_space<vmem>> -> memref<1x400x128xf32, #tpu.memory_space<vmem>>
        %dma_start3A_164 = tpu.memref_squeeze %dma_start3A_163 : memref<1x400x128xf32, #tpu.memory_space<vmem>> -> memref<400x128xf32, #tpu.memory_space<vmem>>
        %dma_start3A_165 = tpu.memref_slice %arg5[%mul3A_159] : memref<10000xi32, #tpu.memory_space<vmem>> -> memref<400xi32, #tpu.memory_space<vmem>>
        %dma_start3A_166 = arith.constant 0 : i32
        %dma_start3A_167 = arith.constant 0 : i32
        %dma_start3A_168 = tpu.memref_slice %arg2[%dma_start3A_166, %dma_start3A_167] : memref<10000x128xf32, #tpu.memory_space<hbm>> -> memref<10000x128xf32, #tpu.memory_space<hbm>>
        tpu.enqueue_indirect_dma source(%dma_start3A_168 : memref<10000x128xf32, #tpu.memory_space<hbm>>) target(%dma_start3A_164 : memref<400x128xf32, #tpu.memory_space<vmem>>) offsets(%dma_start3A_165 : memref<400xi32, #tpu.memory_space<vmem>>) semaphore(%arg7 : memref<!tpu.dma_semaphore, #tpu.memory_space<semaphore_mem>>)
      } else {
      }
      %add3A_118 = arith.constant 1 : i32
      %add3A_119 = arith.addi %add3A_84, %add3A_118 : i32
      %mul3A_120 = arith.constant 400 : i32
      %mul3A_121 = arith.muli %add3A_119, %mul3A_120 : i32
      %dma_wait3A_122 = arith.constant 1 : i32
      %dma_wait3A_123 = arith.constant 0 : i32
      %dma_wait3A_124 = arith.constant 0 : i32
      %dma_wait3A_125 = tpu.memref_slice %arg6[%dma_wait3A_122, %dma_wait3A_123, %dma_wait3A_124] : memref<2x400x128xf32, #tpu.memory_space<vmem>> -> memref<1x400x128xf32, #tpu.memory_space<vmem>>
      %dma_wait3A_126 = tpu.memref_squeeze %dma_wait3A_125 : memref<1x400x128xf32, #tpu.memory_space<vmem>> -> memref<400x128xf32, #tpu.memory_space<vmem>>
      %dma_wait3A_127 = tpu.memref_slice %arg5[%mul3A_121] : memref<10000xi32, #tpu.memory_space<vmem>> -> memref<400xi32, #tpu.memory_space<vmem>>
      %dma_wait3A_128 = arith.constant 0 : i32
      %dma_wait3A_129 = arith.constant 0 : i32
      %dma_wait3A_130 = tpu.memref_slice %arg2[%dma_wait3A_128, %dma_wait3A_129] : memref<10000x128xf32, #tpu.memory_space<hbm>> -> memref<10000x128xf32, #tpu.memory_space<hbm>>
      tpu.wait_indirect_dma semaphore(%arg8 : memref<!tpu.dma_semaphore, #tpu.memory_space<semaphore_mem>>) src(%dma_wait3A_130 : memref<10000x128xf32, #tpu.memory_space<hbm>>) dst(%dma_wait3A_126 : memref<400x128xf32, #tpu.memory_space<vmem>>)
      %mul3A_131 = arith.constant 400 : i32
      %mul3A_132 = arith.muli %add3A_119, %mul3A_131 : i32
      %add3A_133 = arith.addi %mul3A_2, %mul3A_132 : i32
      %dma_start3A_134 = arith.constant 1 : i32
      %dma_start3A_135 = arith.constant 0 : i32
      %dma_start3A_136 = arith.constant 0 : i32
      %dma_start3A_137 = tpu.memref_slice %arg6[%dma_start3A_134, %dma_start3A_135, %dma_start3A_136] : memref<2x400x128xf32, #tpu.memory_space<vmem>> -> memref<1x400x128xf32, #tpu.memory_space<vmem>>
      %dma_start3A_138 = tpu.memref_squeeze %dma_start3A_137 : memref<1x400x128xf32, #tpu.memory_space<vmem>> -> memref<400x128xf32, #tpu.memory_space<vmem>>
      %dma_start3A_139 = arith.constant 0 : i32
      %dma_start3A_140 = tpu.memref_slice %arg4[%add3A_133, %dma_start3A_139] : memref<320000x128xf32, #tpu.memory_space<hbm>> -> memref<400x128xf32, #tpu.memory_space<hbm>>
      %dma_start3A_141 = arith.constant 0 : i32
      %dma_start3A_142 = tpu.memref_slice %arg4[%add3A_133, %dma_start3A_141] : memref<320000x128xf32, #tpu.memory_space<hbm>> -> memref<400x128xf32, #tpu.memory_space<hbm>>
      %dma_start3A_143 = arith.constant 0 : i32
      %dma_start3A_144 = arith.constant 0 : i32
      %dma_start3A_145 = tpu.memref_slice %arg6[%dma_start3A_134, %dma_start3A_143, %dma_start3A_144] : memref<2x400x128xf32, #tpu.memory_space<vmem>> -> memref<1x400x128xf32, #tpu.memory_space<vmem>>
      %dma_start3A_146 = tpu.memref_squeeze %dma_start3A_145 : memref<1x400x128xf32, #tpu.memory_space<vmem>> -> memref<400x128xf32, #tpu.memory_space<vmem>>
      tpu.enqueue_dma source(%dma_start3A_146 : memref<400x128xf32, #tpu.memory_space<vmem>>) target(%dma_start3A_142 : memref<400x128xf32, #tpu.memory_space<hbm>>) target_semaphore(%arg10 : memref<!tpu.dma_semaphore, #tpu.memory_space<semaphore_mem>>)
      %add3A_147 = arith.constant 2 : i32
      %add3A_148 = arith.addi %add3A_119, %add3A_147 : i32
      %lt3A_149 = arith.constant 25 : i32
      %lt3A_150 = arith.cmpi slt, %add3A_148, %lt3A_149 : i32
      %convert_element_type3A_151 = arith.extui %lt3A_150 : i1 to i32
      %cond3A_152 = arith.constant 0 : i32
      %cond3A_153 = arith.cmpi ne, %convert_element_type3A_151, %cond3A_152 : i32
      scf.if %cond3A_153 {
        %ge3A = arith.constant 2 : i32
        %ge3A_154 = arith.cmpi sge, %add3A_148, %ge3A : i32
        %convert_element_type3A_155 = arith.extui %ge3A_154 : i1 to i32
        %cond3A_156 = arith.constant 0 : i32
        %cond3A_157 = arith.cmpi ne, %convert_element_type3A_155, %cond3A_156 : i32
        scf.if %cond3A_157 {
          %mul3A_169 = arith.constant 400 : i32
          %mul3A_170 = arith.muli %add3A_148, %mul3A_169 : i32
          %add3A_171 = arith.addi %mul3A_2, %mul3A_170 : i32
          %dma_wait3A_172 = arith.constant 1 : i32
          %dma_wait3A_173 = arith.constant 0 : i32
          %dma_wait3A_174 = arith.constant 0 : i32
          %dma_wait3A_175 = tpu.memref_slice %arg6[%dma_wait3A_172, %dma_wait3A_173, %dma_wait3A_174] : memref<2x400x128xf32, #tpu.memory_space<vmem>> -> memref<1x400x128xf32, #tpu.memory_space<vmem>>
          %dma_wait3A_176 = tpu.memref_squeeze %dma_wait3A_175 : memref<1x400x128xf32, #tpu.memory_space<vmem>> -> memref<400x128xf32, #tpu.memory_space<vmem>>
          %dma_wait3A_177 = arith.constant 0 : i32
          %dma_wait3A_178 = tpu.memref_slice %arg4[%add3A_171, %dma_wait3A_177] : memref<320000x128xf32, #tpu.memory_space<hbm>> -> memref<400x128xf32, #tpu.memory_space<hbm>>
          %dma_wait3A_179 = arith.constant 0 : i32
          %dma_wait3A_180 = tpu.memref_slice %arg4[%add3A_171, %dma_wait3A_179] : memref<320000x128xf32, #tpu.memory_space<hbm>> -> memref<400x128xf32, #tpu.memory_space<hbm>>
          %dma_wait3A_181 = arith.constant 0 : i32
          %dma_wait3A_182 = arith.constant 0 : i32
          %dma_wait3A_183 = tpu.memref_slice %arg6[%dma_wait3A_172, %dma_wait3A_181, %dma_wait3A_182] : memref<2x400x128xf32, #tpu.memory_space<vmem>> -> memref<1x400x128xf32, #tpu.memory_space<vmem>>
          %dma_wait3A_184 = tpu.memref_squeeze %dma_wait3A_183 : memref<1x400x128xf32, #tpu.memory_space<vmem>> -> memref<400x128xf32, #tpu.memory_space<vmem>>
          tpu.wait_dma2 semaphore(%arg10 : memref<!tpu.dma_semaphore, #tpu.memory_space<semaphore_mem>>) src(%dma_wait3A_184 : memref<400x128xf32, #tpu.memory_space<vmem>>) dst(%dma_wait3A_180 : memref<400x128xf32, #tpu.memory_space<hbm>>)
        } else {
        }
        %mul3A_158 = arith.constant 400 : i32
        %mul3A_159 = arith.muli %add3A_148, %mul3A_158 : i32
        %dma_start3A_160 = arith.constant 1 : i32
        %dma_start3A_161 = arith.constant 0 : i32
        %dma_start3A_162 = arith.constant 0 : i32
        %dma_start3A_163 = tpu.memref_slice %arg6[%dma_start3A_160, %dma_start3A_161, %dma_start3A_162] : memref<2x400x128xf32, #tpu.memory_space<vmem>> -> memref<1x400x128xf32, #tpu.memory_space<vmem>>
        %dma_start3A_164 = tpu.memref_squeeze %dma_start3A_163 : memref<1x400x128xf32, #tpu.memory_space<vmem>> -> memref<400x128xf32, #tpu.memory_space<vmem>>
        %dma_start3A_165 = tpu.memref_slice %arg5[%mul3A_159] : memref<10000xi32, #tpu.memory_space<vmem>> -> memref<400xi32, #tpu.memory_space<vmem>>
        %dma_start3A_166 = arith.constant 0 : i32
        %dma_start3A_167 = arith.constant 0 : i32
        %dma_start3A_168 = tpu.memref_slice %arg2[%dma_start3A_166, %dma_start3A_167] : memref<10000x128xf32, #tpu.memory_space<hbm>> -> memref<10000x128xf32, #tpu.memory_space<hbm>>
        tpu.enqueue_indirect_dma source(%dma_start3A_168 : memref<10000x128xf32, #tpu.memory_space<hbm>>) target(%dma_start3A_164 : memref<400x128xf32, #tpu.memory_space<vmem>>) offsets(%dma_start3A_165 : memref<400xi32, #tpu.memory_space<vmem>>) semaphore(%arg8 : memref<!tpu.dma_semaphore, #tpu.memory_space<semaphore_mem>>)
      } else {
      }
    }
    %scan3A_25 = arith.constant 12 : i32
    %dma_wait3A = arith.constant 0 : i32
    %dma_wait3A_26 = arith.constant 0 : i32
    %dma_wait3A_27 = arith.constant 0 : i32
    %dma_wait3A_28 = tpu.memref_slice %arg6[%dma_wait3A, %dma_wait3A_26, %dma_wait3A_27] : memref<2x400x128xf32, #tpu.memory_space<vmem>> -> memref<1x400x128xf32, #tpu.memory_space<vmem>>
    %dma_wait3A_29 = tpu.memref_squeeze %dma_wait3A_28 : memref<1x400x128xf32, #tpu.memory_space<vmem>> -> memref<400x128xf32, #tpu.memory_space<vmem>>
    %dma_wait3A_30 = arith.constant 9600 : i32
    %dma_wait3A_31 = tpu.memref_slice %arg5[%dma_wait3A_30] : memref<10000xi32, #tpu.memory_space<vmem>> -> memref<400xi32, #tpu.memory_space<vmem>>
    %dma_wait3A_32 = arith.constant 0 : i32
    %dma_wait3A_33 = arith.constant 0 : i32
    %dma_wait3A_34 = tpu.memref_slice %arg2[%dma_wait3A_32, %dma_wait3A_33] : memref<10000x128xf32, #tpu.memory_space<hbm>> -> memref<10000x128xf32, #tpu.memory_space<hbm>>
    tpu.wait_indirect_dma semaphore(%arg7 : memref<!tpu.dma_semaphore, #tpu.memory_space<semaphore_mem>>) src(%dma_wait3A_34 : memref<10000x128xf32, #tpu.memory_space<hbm>>) dst(%dma_wait3A_29 : memref<400x128xf32, #tpu.memory_space<vmem>>)
    %add3A_35 = arith.constant 9600 : i32
    %add3A_36 = arith.addi %mul3A_2, %add3A_35 : i32
    %dma_start3A_37 = arith.constant 0 : i32
    %dma_start3A_38 = arith.constant 0 : i32
    %dma_start3A_39 = arith.constant 0 : i32
    %dma_start3A_40 = tpu.memref_slice %arg6[%dma_start3A_37, %dma_start3A_38, %dma_start3A_39] : memref<2x400x128xf32, #tpu.memory_space<vmem>> -> memref<1x400x128xf32, #tpu.memory_space<vmem>>
    %dma_start3A_41 = tpu.memref_squeeze %dma_start3A_40 : memref<1x400x128xf32, #tpu.memory_space<vmem>> -> memref<400x128xf32, #tpu.memory_space<vmem>>
    %dma_start3A_42 = arith.constant 0 : i32
    %dma_start3A_43 = tpu.memref_slice %arg4[%add3A_36, %dma_start3A_42] : memref<320000x128xf32, #tpu.memory_space<hbm>> -> memref<400x128xf32, #tpu.memory_space<hbm>>
    %dma_start3A_44 = arith.constant 0 : i32
    %dma_start3A_45 = tpu.memref_slice %arg4[%add3A_36, %dma_start3A_44] : memref<320000x128xf32, #tpu.memory_space<hbm>> -> memref<400x128xf32, #tpu.memory_space<hbm>>
    %dma_start3A_46 = arith.constant 0 : i32
    %dma_start3A_47 = arith.constant 0 : i32
    %dma_start3A_48 = tpu.memref_slice %arg6[%dma_start3A_37, %dma_start3A_46, %dma_start3A_47] : memref<2x400x128xf32, #tpu.memory_space<vmem>> -> memref<1x400x128xf32, #tpu.memory_space<vmem>>
    %dma_start3A_49 = tpu.memref_squeeze %dma_start3A_48 : memref<1x400x128xf32, #tpu.memory_space<vmem>> -> memref<400x128xf32, #tpu.memory_space<vmem>>
    tpu.enqueue_dma source(%dma_start3A_49 : memref<400x128xf32, #tpu.memory_space<vmem>>) target(%dma_start3A_45 : memref<400x128xf32, #tpu.memory_space<hbm>>) target_semaphore(%arg9 : memref<!tpu.dma_semaphore, #tpu.memory_space<semaphore_mem>>)
    %add3A_50 = arith.constant 9200 : i32
    %add3A_51 = arith.addi %mul3A_2, %add3A_50 : i32
    %dma_wait3A_52 = arith.constant 1 : i32
    %dma_wait3A_53 = arith.constant 0 : i32
    %dma_wait3A_54 = arith.constant 0 : i32
    %dma_wait3A_55 = tpu.memref_slice %arg6[%dma_wait3A_52, %dma_wait3A_53, %dma_wait3A_54] : memref<2x400x128xf32, #tpu.memory_space<vmem>> -> memref<1x400x128xf32, #tpu.memory_space<vmem>>
    %dma_wait3A_56 = tpu.memref_squeeze %dma_wait3A_55 : memref<1x400x128xf32, #tpu.memory_space<vmem>> -> memref<400x128xf32, #tpu.memory_space<vmem>>
    %dma_wait3A_57 = arith.constant 0 : i32
    %dma_wait3A_58 = tpu.memref_slice %arg4[%add3A_51, %dma_wait3A_57] : memref<320000x128xf32, #tpu.memory_space<hbm>> -> memref<400x128xf32, #tpu.memory_space<hbm>>
    %dma_wait3A_59 = arith.constant 0 : i32
    %dma_wait3A_60 = tpu.memref_slice %arg4[%add3A_51, %dma_wait3A_59] : memref<320000x128xf32, #tpu.memory_space<hbm>> -> memref<400x128xf32, #tpu.memory_space<hbm>>
    %dma_wait3A_61 = arith.constant 0 : i32
    %dma_wait3A_62 = arith.constant 0 : i32
    %dma_wait3A_63 = tpu.memref_slice %arg6[%dma_wait3A_52, %dma_wait3A_61, %dma_wait3A_62] : memref<2x400x128xf32, #tpu.memory_space<vmem>> -> memref<1x400x128xf32, #tpu.memory_space<vmem>>
    %dma_wait3A_64 = tpu.memref_squeeze %dma_wait3A_63 : memref<1x400x128xf32, #tpu.memory_space<vmem>> -> memref<400x128xf32, #tpu.memory_space<vmem>>
    tpu.wait_dma2 semaphore(%arg10 : memref<!tpu.dma_semaphore, #tpu.memory_space<semaphore_mem>>) src(%dma_wait3A_64 : memref<400x128xf32, #tpu.memory_space<vmem>>) dst(%dma_wait3A_60 : memref<400x128xf32, #tpu.memory_space<hbm>>)
    %add3A_65 = arith.constant 9600 : i32
    %add3A_66 = arith.addi %mul3A_2, %add3A_65 : i32
    %dma_wait3A_67 = arith.constant 0 : i32
    %dma_wait3A_68 = arith.constant 0 : i32
    %dma_wait3A_69 = arith.constant 0 : i32
    %dma_wait3A_70 = tpu.memref_slice %arg6[%dma_wait3A_67, %dma_wait3A_68, %dma_wait3A_69] : memref<2x400x128xf32, #tpu.memory_space<vmem>> -> memref<1x400x128xf32, #tpu.memory_space<vmem>>
    %dma_wait3A_71 = tpu.memref_squeeze %dma_wait3A_70 : memref<1x400x128xf32, #tpu.memory_space<vmem>> -> memref<400x128xf32, #tpu.memory_space<vmem>>
    %dma_wait3A_72 = arith.constant 0 : i32
    %dma_wait3A_73 = tpu.memref_slice %arg4[%add3A_66, %dma_wait3A_72] : memref<320000x128xf32, #tpu.memory_space<hbm>> -> memref<400x128xf32, #tpu.memory_space<hbm>>
    %dma_wait3A_74 = arith.constant 0 : i32
    %dma_wait3A_75 = tpu.memref_slice %arg4[%add3A_66, %dma_wait3A_74] : memref<320000x128xf32, #tpu.memory_space<hbm>> -> memref<400x128xf32, #tpu.memory_space<hbm>>
    %dma_wait3A_76 = arith.constant 0 : i32
    %dma_wait3A_77 = arith.constant 0 : i32
    %dma_wait3A_78 = tpu.memref_slice %arg6[%dma_wait3A_67, %dma_wait3A_76, %dma_wait3A_77] : memref<2x400x128xf32, #tpu.memory_space<vmem>> -> memref<1x400x128xf32, #tpu.memory_space<vmem>>
    %dma_wait3A_79 = tpu.memref_squeeze %dma_wait3A_78 : memref<1x400x128xf32, #tpu.memory_space<vmem>> -> memref<400x128xf32, #tpu.memory_space<vmem>>
    tpu.wait_dma2 semaphore(%arg9 : memref<!tpu.dma_semaphore, #tpu.memory_space<semaphore_mem>>) src(%dma_wait3A_79 : memref<400x128xf32, #tpu.memory_space<vmem>>) dst(%dma_wait3A_75 : memref<400x128xf32, #tpu.memory_space<hbm>>)
    return
  }
}

#map = affine_map<(d0, d1) -> (0, 0)>
#map1 = affine_map<(d0, d1) -> (0)>
module attributes {stable_mosaic.version = 14 : i64} {
  func.func @sc_gather(%arg0: i32, %arg1: i32, %arg2: memref<10000x128xf32, #tpu.memory_space<hbm>>, %arg3: memref<320000xi32, #tpu.memory_space<hbm>>, %arg4: memref<320000x128xf32, #tpu.memory_space<hbm>>, %arg5: memref<10000xi32, #tpu.memory_space<vmem>>, %arg6: memref<2x400x128xf32, #tpu.memory_space<vmem>>, %arg7: memref<!tpu.dma_semaphore, #tpu.memory_space<semaphore_mem>>, %arg8: memref<!tpu.dma_semaphore, #tpu.memory_space<semaphore_mem>>, %arg9: memref<!tpu.dma_semaphore, #tpu.memory_space<semaphore_mem>>, %arg10: memref<!tpu.dma_semaphore, #tpu.memory_space<semaphore_mem>>) attributes {dimension_semantics = [#tpu.dimension_semantics<core_parallel>, #tpu.dimension_semantics<subcore_parallel>], iteration_bounds = array<i64: 2, 16>, scalar_prefetch = 0 : i64, scratch_operands = 6 : i64, tpu.core_type = #tpu.core_type<sc_vector_subcore>, window_params = [{transform_indices = #map}, {transform_indices = #map1}, {transform_indices = #map}]} {
    %mul3A = arith.constant 2 : i32
    %mul3A_0 = arith.muli %arg1, %mul3A : i32
    %add3A = arith.addi %mul3A_0, %arg0 : i32
    %mul3A_1 = arith.constant 10000 : i32
    %mul3A_2 = arith.muli %add3A, %mul3A_1 : i32
    "tpu.region"() ({
      %run_scoped3A = tpu.sem_alloc : memref<!tpu.dma_semaphore, #tpu.memory_space<semaphore_mem>>
      %dma_start3A_80 = tpu.memref_slice %arg3[%mul3A_2] : memref<320000xi32, #tpu.memory_space<hbm>> -> memref<10000xi32, #tpu.memory_space<hbm>>
      %dma_start3A_81 = tpu.memref_slice %arg3[%mul3A_2] : memref<320000xi32, #tpu.memory_space<hbm>> -> memref<10000xi32, #tpu.memory_space<hbm>>
      tpu.enqueue_dma source(%dma_start3A_81 : memref<10000xi32, #tpu.memory_space<hbm>>) target(%arg5 : memref<10000xi32, #tpu.memory_space<vmem>>) target_semaphore(%run_scoped3A : memref<!tpu.dma_semaphore, #tpu.memory_space<semaphore_mem>>)
      %dma_wait3A_82 = tpu.memref_slice %arg3[%mul3A_2] : memref<320000xi32, #tpu.memory_space<hbm>> -> memref<10000xi32, #tpu.memory_space<hbm>>
      %dma_wait3A_83 = tpu.memref_slice %arg3[%mul3A_2] : memref<320000xi32, #tpu.memory_space<hbm>> -> memref<10000xi32, #tpu.memory_space<hbm>>
      tpu.wait_dma2 semaphore(%run_scoped3A : memref<!tpu.dma_semaphore, #tpu.memory_space<semaphore_mem>>) src(%dma_wait3A_83 : memref<10000xi32, #tpu.memory_space<hbm>>) dst(%arg5 : memref<10000xi32, #tpu.memory_space<vmem>>)
      tpu.yield
    }) : () -> ()
    %dma_start3A = arith.constant 0 : i32
    %dma_start3A_3 = arith.constant 0 : i32
    %dma_start3A_4 = arith.constant 0 : i32
    %dma_start3A_5 = tpu.memref_slice %arg6[%dma_start3A, %dma_start3A_3, %dma_start3A_4] : memref<2x400x128xf32, #tpu.memory_space<vmem>> -> memref<1x400x128xf32, #tpu.memory_space<vmem>>
    %dma_start3A_6 = tpu.memref_squeeze %dma_start3A_5 : memref<1x400x128xf32, #tpu.memory_space<vmem>> -> memref<400x128xf32, #tpu.memory_space<vmem>>
    %dma_start3A_7 = arith.constant 0 : i32
    %dma_start3A_8 = tpu.memref_slice %arg5[%dma_start3A_7] : memref<10000xi32, #tpu.memory_space<vmem>> -> memref<400xi32, #tpu.memory_space<vmem>>
    %dma_start3A_9 = arith.constant 0 : i32
    %dma_start3A_10 = arith.constant 0 : i32
    %dma_start3A_11 = tpu.memref_slice %arg2[%dma_start3A_9, %dma_start3A_10] : memref<10000x128xf32, #tpu.memory_space<hbm>> -> memref<10000x128xf32, #tpu.memory_space<hbm>>
    tpu.enqueue_indirect_dma source(%dma_start3A_11 : memref<10000x128xf32, #tpu.memory_space<hbm>>) target(%dma_start3A_6 : memref<400x128xf32, #tpu.memory_space<vmem>>) offsets(%dma_start3A_8 : memref<400xi32, #tpu.memory_space<vmem>>) semaphore(%arg7 : memref<!tpu.dma_semaphore, #tpu.memory_space<semaphore_mem>>)
    %dma_start3A_12 = arith.constant 1 : i32
    %dma_start3A_13 = arith.constant 0 : i32
    %dma_start3A_14 = arith.constant 0 : i32
    %dma_start3A_15 = tpu.memref_slice %arg6[%dma_start3A_12, %dma_start3A_13, %dma_start3A_14] : memref<2x400x128xf32, #tpu.memory_space<vmem>> -> memref<1x400x128xf32, #tpu.memory_space<vmem>>
    %dma_start3A_16 = tpu.memref_squeeze %dma_start3A_15 : memref<1x400x128xf32, #tpu.memory_space<vmem>> -> memref<400x128xf32, #tpu.memory_space<vmem>>
    %dma_start3A_17 = arith.constant 400 : i32
    %dma_start3A_18 = tpu.memref_slice %arg5[%dma_start3A_17] : memref<10000xi32, #tpu.memory_space<vmem>> -> memref<400xi32, #tpu.memory_space<vmem>>
    %dma_start3A_19 = arith.constant 0 : i32
    %dma_start3A_20 = arith.constant 0 : i32
    %dma_start3A_21 = tpu.memref_slice %arg2[%dma_start3A_19, %dma_start3A_20] : memref<10000x128xf32, #tpu.memory_space<hbm>> -> memref<10000x128xf32, #tpu.memory_space<hbm>>
    tpu.enqueue_indirect_dma source(%dma_start3A_21 : memref<10000x128xf32, #tpu.memory_space<hbm>>) target(%dma_start3A_16 : memref<400x128xf32, #tpu.memory_space<vmem>>) offsets(%dma_start3A_18 : memref<400xi32, #tpu.memory_space<vmem>>) semaphore(%arg8 : memref<!tpu.dma_semaphore, #tpu.memory_space<semaphore_mem>>)
    %scan3A = arith.constant 0 : i32
    %scan3A_22 = arith.constant 12 : i32
    %scan3A_23 = arith.addi %scan3A, %scan3A_22 : i32
    %scan3A_24 = arith.constant 1 : i32
    scf.for %scan3A_80 = %scan3A to %scan3A_23 step %scan3A_24  : i32 {
      %mul3A_81 = arith.constant 2 : i32
      %mul3A_82 = arith.muli %scan3A_80, %mul3A_81 : i32
      %add3A_83 = arith.constant 0 : i32
      %add3A_84 = arith.addi %add3A_83, %mul3A_82 : i32
      %add3A_85 = arith.constant 0 : i32
      %add3A_86 = arith.addi %add3A_84, %add3A_85 : i32
      %mul3A_87 = arith.constant 400 : i32
      %mul3A_88 = arith.muli %add3A_86, %mul3A_87 : i32
      %dma_wait3A_89 = arith.constant 0 : i32
      %dma_wait3A_90 = arith.constant 0 : i32
      %dma_wait3A_91 = arith.constant 0 : i32
      %dma_wait3A_92 = tpu.memref_slice %arg6[%dma_wait3A_89, %dma_wait3A_90, %dma_wait3A_91] : memref<2x400x128xf32, #tpu.memory_space<vmem>> -> memref<1x400x128xf32, #tpu.memory_space<vmem>>
      %dma_wait3A_93 = tpu.memref_squeeze %dma_wait3A_92 : memref<1x400x128xf32, #tpu.memory_space<vmem>> -> memref<400x128xf32, #tpu.memory_space<vmem>>
      %dma_wait3A_94 = tpu.memref_slice %arg5[%mul3A_88] : memref<10000xi32, #tpu.memory_space<vmem>> -> memref<400xi32, #tpu.memory_space<vmem>>
      %dma_wait3A_95 = arith.constant 0 : i32
      %dma_wait3A_96 = arith.constant 0 : i32
      %dma_wait3A_97 = tpu.memref_slice %arg2[%dma_wait3A_95, %dma_wait3A_96] : memref<10000x128xf32, #tpu.memory_space<hbm>> -> memref<10000x128xf32, #tpu.memory_space<hbm>>
      tpu.wait_indirect_dma semaphore(%arg7 : memref<!tpu.dma_semaphore, #tpu.memory_space<semaphore_mem>>) src(%dma_wait3A_97 : memref<10000x128xf32, #tpu.memory_space<hbm>>) dst(%dma_wait3A_93 : memref<400x128xf32, #tpu.memory_space<vmem>>)
      %mul3A_98 = arith.constant 400 : i32
      %mul3A_99 = arith.muli %add3A_86, %mul3A_98 : i32
      %add3A_100 = arith.addi %mul3A_2, %mul3A_99 : i32
      %dma_start3A_101 = arith.constant 0 : i32
      %dma_start3A_102 = arith.constant 0 : i32
      %dma_start3A_103 = arith.constant 0 : i32
      %dma_start3A_104 = tpu.memref_slice %arg6[%dma_start3A_101, %dma_start3A_102, %dma_start3A_103] : memref<2x400x128xf32, #tpu.memory_space<vmem>> -> memref<1x400x128xf32, #tpu.memory_space<vmem>>
      %dma_start3A_105 = tpu.memref_squeeze %dma_start3A_104 : memref<1x400x128xf32, #tpu.memory_space<vmem>> -> memref<400x128xf32, #tpu.memory_space<vmem>>
      %dma_start3A_106 = arith.constant 0 : i32
      %dma_start3A_107 = tpu.memref_slice %arg4[%add3A_100, %dma_start3A_106] : memref<320000x128xf32, #tpu.memory_space<hbm>> -> memref<400x128xf32, #tpu.memory_space<hbm>>
      %dma_start3A_108 = arith.constant 0 : i32
      %dma_start3A_109 = tpu.memref_slice %arg4[%add3A_100, %dma_start3A_108] : memref<320000x128xf32, #tpu.memory_space<hbm>> -> memref<400x128xf32, #tpu.memory_space<hbm>>
      %dma_start3A_110 = arith.constant 0 : i32
      %dma_start3A_111 = arith.constant 0 : i32
      %dma_start3A_112 = tpu.memref_slice %arg6[%dma_start3A_101, %dma_start3A_110, %dma_start3A_111] : memref<2x400x128xf32, #tpu.memory_space<vmem>> -> memref<1x400x128xf32, #tpu.memory_space<vmem>>
      %dma_start3A_113 = tpu.memref_squeeze %dma_start3A_112 : memref<1x400x128xf32, #tpu.memory_space<vmem>> -> memref<400x128xf32, #tpu.memory_space<vmem>>
      tpu.enqueue_dma source(%dma_start3A_113 : memref<400x128xf32, #tpu.memory_space<vmem>>) target(%dma_start3A_109 : memref<400x128xf32, #tpu.memory_space<hbm>>) target_semaphore(%arg9 : memref<!tpu.dma_semaphore, #tpu.memory_space<semaphore_mem>>)
      %add3A_114 = arith.constant 2 : i32
      %add3A_115 = arith.addi %add3A_86, %add3A_114 : i32
      %lt3A = arith.constant 25 : i32
      %lt3A_116 = arith.cmpi slt, %add3A_115, %lt3A : i32
      %convert_element_type3A = arith.extui %lt3A_116 : i1 to i32
      %cond3A = arith.constant 0 : i32
      %cond3A_117 = arith.cmpi ne, %convert_element_type3A, %cond3A : i32
      scf.if %cond3A_117 {
        %ge3A = arith.constant 2 : i32
        %ge3A_154 = arith.cmpi sge, %add3A_115, %ge3A : i32
        %convert_element_type3A_155 = arith.extui %ge3A_154 : i1 to i32
        %cond3A_156 = arith.constant 0 : i32
        %cond3A_157 = arith.cmpi ne, %convert_element_type3A_155, %cond3A_156 : i32
        scf.if %cond3A_157 {
          %mul3A_169 = arith.constant 400 : i32
          %mul3A_170 = arith.muli %add3A_115, %mul3A_169 : i32
          %add3A_171 = arith.addi %mul3A_2, %mul3A_170 : i32
          %dma_wait3A_172 = arith.constant 0 : i32
          %dma_wait3A_173 = arith.constant 0 : i32
          %dma_wait3A_174 = arith.constant 0 : i32
          %dma_wait3A_175 = tpu.memref_slice %arg6[%dma_wait3A_172, %dma_wait3A_173, %dma_wait3A_174] : memref<2x400x128xf32, #tpu.memory_space<vmem>> -> memref<1x400x128xf32, #tpu.memory_space<vmem>>
          %dma_wait3A_176 = tpu.memref_squeeze %dma_wait3A_175 : memref<1x400x128xf32, #tpu.memory_space<vmem>> -> memref<400x128xf32, #tpu.memory_space<vmem>>
          %dma_wait3A_177 = arith.constant 0 : i32
          %dma_wait3A_178 = tpu.memref_slice %arg4[%add3A_171, %dma_wait3A_177] : memref<320000x128xf32, #tpu.memory_space<hbm>> -> memref<400x128xf32, #tpu.memory_space<hbm>>
          %dma_wait3A_179 = arith.constant 0 : i32
          %dma_wait3A_180 = tpu.memref_slice %arg4[%add3A_171, %dma_wait3A_179] : memref<320000x128xf32, #tpu.memory_space<hbm>> -> memref<400x128xf32, #tpu.memory_space<hbm>>
          %dma_wait3A_181 = arith.constant 0 : i32
          %dma_wait3A_182 = arith.constant 0 : i32
          %dma_wait3A_183 = tpu.memref_slice %arg6[%dma_wait3A_172, %dma_wait3A_181, %dma_wait3A_182] : memref<2x400x128xf32, #tpu.memory_space<vmem>> -> memref<1x400x128xf32, #tpu.memory_space<vmem>>
          %dma_wait3A_184 = tpu.memref_squeeze %dma_wait3A_183 : memref<1x400x128xf32, #tpu.memory_space<vmem>> -> memref<400x128xf32, #tpu.memory_space<vmem>>
          tpu.wait_dma2 semaphore(%arg9 : memref<!tpu.dma_semaphore, #tpu.memory_space<semaphore_mem>>) src(%dma_wait3A_184 : memref<400x128xf32, #tpu.memory_space<vmem>>) dst(%dma_wait3A_180 : memref<400x128xf32, #tpu.memory_space<hbm>>)
        } else {
        }
        %mul3A_158 = arith.constant 400 : i32
        %mul3A_159 = arith.muli %add3A_115, %mul3A_158 : i32
        %dma_start3A_160 = arith.constant 0 : i32
        %dma_start3A_161 = arith.constant 0 : i32
        %dma_start3A_162 = arith.constant 0 : i32
        %dma_start3A_163 = tpu.memref_slice %arg6[%dma_start3A_160, %dma_start3A_161, %dma_start3A_162] : memref<2x400x128xf32, #tpu.memory_space<vmem>> -> memref<1x400x128xf32, #tpu.memory_space<vmem>>
        %dma_start3A_164 = tpu.memref_squeeze %dma_start3A_163 : memref<1x400x128xf32, #tpu.memory_space<vmem>> -> memref<400x128xf32, #tpu.memory_space<vmem>>
        %dma_start3A_165 = tpu.memref_slice %arg5[%mul3A_159] : memref<10000xi32, #tpu.memory_space<vmem>> -> memref<400xi32, #tpu.memory_space<vmem>>
        %dma_start3A_166 = arith.constant 0 : i32
        %dma_start3A_167 = arith.constant 0 : i32
        %dma_start3A_168 = tpu.memref_slice %arg2[%dma_start3A_166, %dma_start3A_167] : memref<10000x128xf32, #tpu.memory_space<hbm>> -> memref<10000x128xf32, #tpu.memory_space<hbm>>
        tpu.enqueue_indirect_dma source(%dma_start3A_168 : memref<10000x128xf32, #tpu.memory_space<hbm>>) target(%dma_start3A_164 : memref<400x128xf32, #tpu.memory_space<vmem>>) offsets(%dma_start3A_165 : memref<400xi32, #tpu.memory_space<vmem>>) semaphore(%arg7 : memref<!tpu.dma_semaphore, #tpu.memory_space<semaphore_mem>>)
      } else {
      }
      %add3A_118 = arith.constant 1 : i32
      %add3A_119 = arith.addi %add3A_84, %add3A_118 : i32
      %mul3A_120 = arith.constant 400 : i32
      %mul3A_121 = arith.muli %add3A_119, %mul3A_120 : i32
      %dma_wait3A_122 = arith.constant 1 : i32
      %dma_wait3A_123 = arith.constant 0 : i32
      %dma_wait3A_124 = arith.constant 0 : i32
      %dma_wait3A_125 = tpu.memref_slice %arg6[%dma_wait3A_122, %dma_wait3A_123, %dma_wait3A_124] : memref<2x400x128xf32, #tpu.memory_space<vmem>> -> memref<1x400x128xf32, #tpu.memory_space<vmem>>
      %dma_wait3A_126 = tpu.memref_squeeze %dma_wait3A_125 : memref<1x400x128xf32, #tpu.memory_space<vmem>> -> memref<400x128xf32, #tpu.memory_space<vmem>>
      %dma_wait3A_127 = tpu.memref_slice %arg5[%mul3A_121] : memref<10000xi32, #tpu.memory_space<vmem>> -> memref<400xi32, #tpu.memory_space<vmem>>
      %dma_wait3A_128 = arith.constant 0 : i32
      %dma_wait3A_129 = arith.constant 0 : i32
      %dma_wait3A_130 = tpu.memref_slice %arg2[%dma_wait3A_128, %dma_wait3A_129] : memref<10000x128xf32, #tpu.memory_space<hbm>> -> memref<10000x128xf32, #tpu.memory_space<hbm>>
      tpu.wait_indirect_dma semaphore(%arg8 : memref<!tpu.dma_semaphore, #tpu.memory_space<semaphore_mem>>) src(%dma_wait3A_130 : memref<10000x128xf32, #tpu.memory_space<hbm>>) dst(%dma_wait3A_126 : memref<400x128xf32, #tpu.memory_space<vmem>>)
      %mul3A_131 = arith.constant 400 : i32
      %mul3A_132 = arith.muli %add3A_119, %mul3A_131 : i32
      %add3A_133 = arith.addi %mul3A_2, %mul3A_132 : i32
      %dma_start3A_134 = arith.constant 1 : i32
      %dma_start3A_135 = arith.constant 0 : i32
      %dma_start3A_136 = arith.constant 0 : i32
      %dma_start3A_137 = tpu.memref_slice %arg6[%dma_start3A_134, %dma_start3A_135, %dma_start3A_136] : memref<2x400x128xf32, #tpu.memory_space<vmem>> -> memref<1x400x128xf32, #tpu.memory_space<vmem>>
      %dma_start3A_138 = tpu.memref_squeeze %dma_start3A_137 : memref<1x400x128xf32, #tpu.memory_space<vmem>> -> memref<400x128xf32, #tpu.memory_space<vmem>>
      %dma_start3A_139 = arith.constant 0 : i32
      %dma_start3A_140 = tpu.memref_slice %arg4[%add3A_133, %dma_start3A_139] : memref<320000x128xf32, #tpu.memory_space<hbm>> -> memref<400x128xf32, #tpu.memory_space<hbm>>
      %dma_start3A_141 = arith.constant 0 : i32
      %dma_start3A_142 = tpu.memref_slice %arg4[%add3A_133, %dma_start3A_141] : memref<320000x128xf32, #tpu.memory_space<hbm>> -> memref<400x128xf32, #tpu.memory_space<hbm>>
      %dma_start3A_143 = arith.constant 0 : i32
      %dma_start3A_144 = arith.constant 0 : i32
      %dma_start3A_145 = tpu.memref_slice %arg6[%dma_start3A_134, %dma_start3A_143, %dma_start3A_144] : memref<2x400x128xf32, #tpu.memory_space<vmem>> -> memref<1x400x128xf32, #tpu.memory_space<vmem>>
      %dma_start3A_146 = tpu.memref_squeeze %dma_start3A_145 : memref<1x400x128xf32, #tpu.memory_space<vmem>> -> memref<400x128xf32, #tpu.memory_space<vmem>>
      tpu.enqueue_dma source(%dma_start3A_146 : memref<400x128xf32, #tpu.memory_space<vmem>>) target(%dma_start3A_142 : memref<400x128xf32, #tpu.memory_space<hbm>>) target_semaphore(%arg10 : memref<!tpu.dma_semaphore, #tpu.memory_space<semaphore_mem>>)
      %add3A_147 = arith.constant 2 : i32
      %add3A_148 = arith.addi %add3A_119, %add3A_147 : i32
      %lt3A_149 = arith.constant 25 : i32
      %lt3A_150 = arith.cmpi slt, %add3A_148, %lt3A_149 : i32
      %convert_element_type3A_151 = arith.extui %lt3A_150 : i1 to i32
      %cond3A_152 = arith.constant 0 : i32
      %cond3A_153 = arith.cmpi ne, %convert_element_type3A_151, %cond3A_152 : i32
      scf.if %cond3A_153 {
        %ge3A = arith.constant 2 : i32
        %ge3A_154 = arith.cmpi sge, %add3A_148, %ge3A : i32
        %convert_element_type3A_155 = arith.extui %ge3A_154 : i1 to i32
        %cond3A_156 = arith.constant 0 : i32
        %cond3A_157 = arith.cmpi ne, %convert_element_type3A_155, %cond3A_156 : i32
        scf.if %cond3A_157 {
          %mul3A_169 = arith.constant 400 : i32
          %mul3A_170 = arith.muli %add3A_148, %mul3A_169 : i32
          %add3A_171 = arith.addi %mul3A_2, %mul3A_170 : i32
          %dma_wait3A_172 = arith.constant 1 : i32
          %dma_wait3A_173 = arith.constant 0 : i32
          %dma_wait3A_174 = arith.constant 0 : i32
          %dma_wait3A_175 = tpu.memref_slice %arg6[%dma_wait3A_172, %dma_wait3A_173, %dma_wait3A_174] : memref<2x400x128xf32, #tpu.memory_space<vmem>> -> memref<1x400x128xf32, #tpu.memory_space<vmem>>
          %dma_wait3A_176 = tpu.memref_squeeze %dma_wait3A_175 : memref<1x400x128xf32, #tpu.memory_space<vmem>> -> memref<400x128xf32, #tpu.memory_space<vmem>>
          %dma_wait3A_177 = arith.constant 0 : i32
          %dma_wait3A_178 = tpu.memref_slice %arg4[%add3A_171, %dma_wait3A_177] : memref<320000x128xf32, #tpu.memory_space<hbm>> -> memref<400x128xf32, #tpu.memory_space<hbm>>
          %dma_wait3A_179 = arith.constant 0 : i32
          %dma_wait3A_180 = tpu.memref_slice %arg4[%add3A_171, %dma_wait3A_179] : memref<320000x128xf32, #tpu.memory_space<hbm>> -> memref<400x128xf32, #tpu.memory_space<hbm>>
          %dma_wait3A_181 = arith.constant 0 : i32
          %dma_wait3A_182 = arith.constant 0 : i32
          %dma_wait3A_183 = tpu.memref_slice %arg6[%dma_wait3A_172, %dma_wait3A_181, %dma_wait3A_182] : memref<2x400x128xf32, #tpu.memory_space<vmem>> -> memref<1x400x128xf32, #tpu.memory_space<vmem>>
          %dma_wait3A_184 = tpu.memref_squeeze %dma_wait3A_183 : memref<1x400x128xf32, #tpu.memory_space<vmem>> -> memref<400x128xf32, #tpu.memory_space<vmem>>
          tpu.wait_dma2 semaphore(%arg10 : memref<!tpu.dma_semaphore, #tpu.memory_space<semaphore_mem>>) src(%dma_wait3A_184 : memref<400x128xf32, #tpu.memory_space<vmem>>) dst(%dma_wait3A_180 : memref<400x128xf32, #tpu.memory_space<hbm>>)
        } else {
        }
        %mul3A_158 = arith.constant 400 : i32
        %mul3A_159 = arith.muli %add3A_148, %mul3A_158 : i32
        %dma_start3A_160 = arith.constant 1 : i32
        %dma_start3A_161 = arith.constant 0 : i32
        %dma_start3A_162 = arith.constant 0 : i32
        %dma_start3A_163 = tpu.memref_slice %arg6[%dma_start3A_160, %dma_start3A_161, %dma_start3A_162] : memref<2x400x128xf32, #tpu.memory_space<vmem>> -> memref<1x400x128xf32, #tpu.memory_space<vmem>>
        %dma_start3A_164 = tpu.memref_squeeze %dma_start3A_163 : memref<1x400x128xf32, #tpu.memory_space<vmem>> -> memref<400x128xf32, #tpu.memory_space<vmem>>
        %dma_start3A_165 = tpu.memref_slice %arg5[%mul3A_159] : memref<10000xi32, #tpu.memory_space<vmem>> -> memref<400xi32, #tpu.memory_space<vmem>>
        %dma_start3A_166 = arith.constant 0 : i32
        %dma_start3A_167 = arith.constant 0 : i32
        %dma_start3A_168 = tpu.memref_slice %arg2[%dma_start3A_166, %dma_start3A_167] : memref<10000x128xf32, #tpu.memory_space<hbm>> -> memref<10000x128xf32, #tpu.memory_space<hbm>>
        tpu.enqueue_indirect_dma source(%dma_start3A_168 : memref<10000x128xf32, #tpu.memory_space<hbm>>) target(%dma_start3A_164 : memref<400x128xf32, #tpu.memory_space<vmem>>) offsets(%dma_start3A_165 : memref<400xi32, #tpu.memory_space<vmem>>) semaphore(%arg8 : memref<!tpu.dma_semaphore, #tpu.memory_space<semaphore_mem>>)
      } else {
      }
    }
    %scan3A_25 = arith.constant 12 : i32
    %dma_wait3A = arith.constant 0 : i32
    %dma_wait3A_26 = arith.constant 0 : i32
    %dma_wait3A_27 = arith.constant 0 : i32
    %dma_wait3A_28 = tpu.memref_slice %arg6[%dma_wait3A, %dma_wait3A_26, %dma_wait3A_27] : memref<2x400x128xf32, #tpu.memory_space<vmem>> -> memref<1x400x128xf32, #tpu.memory_space<vmem>>
    %dma_wait3A_29 = tpu.memref_squeeze %dma_wait3A_28 : memref<1x400x128xf32, #tpu.memory_space<vmem>> -> memref<400x128xf32, #tpu.memory_space<vmem>>
    %dma_wait3A_30 = arith.constant 9600 : i32
    %dma_wait3A_31 = tpu.memref_slice %arg5[%dma_wait3A_30] : memref<10000xi32, #tpu.memory_space<vmem>> -> memref<400xi32, #tpu.memory_space<vmem>>
    %dma_wait3A_32 = arith.constant 0 : i32
    %dma_wait3A_33 = arith.constant 0 : i32
    %dma_wait3A_34 = tpu.memref_slice %arg2[%dma_wait3A_32, %dma_wait3A_33] : memref<10000x128xf32, #tpu.memory_space<hbm>> -> memref<10000x128xf32, #tpu.memory_space<hbm>>
    tpu.wait_indirect_dma semaphore(%arg7 : memref<!tpu.dma_semaphore, #tpu.memory_space<semaphore_mem>>) src(%dma_wait3A_34 : memref<10000x128xf32, #tpu.memory_space<hbm>>) dst(%dma_wait3A_29 : memref<400x128xf32, #tpu.memory_space<vmem>>)
    %add3A_35 = arith.constant 9600 : i32
    %add3A_36 = arith.addi %mul3A_2, %add3A_35 : i32
    %dma_start3A_37 = arith.constant 0 : i32
    %dma_start3A_38 = arith.constant 0 : i32
    %dma_start3A_39 = arith.constant 0 : i32
    %dma_start3A_40 = tpu.memref_slice %arg6[%dma_start3A_37, %dma_start3A_38, %dma_start3A_39] : memref<2x400x128xf32, #tpu.memory_space<vmem>> -> memref<1x400x128xf32, #tpu.memory_space<vmem>>
    %dma_start3A_41 = tpu.memref_squeeze %dma_start3A_40 : memref<1x400x128xf32, #tpu.memory_space<vmem>> -> memref<400x128xf32, #tpu.memory_space<vmem>>
    %dma_start3A_42 = arith.constant 0 : i32
    %dma_start3A_43 = tpu.memref_slice %arg4[%add3A_36, %dma_start3A_42] : memref<320000x128xf32, #tpu.memory_space<hbm>> -> memref<400x128xf32, #tpu.memory_space<hbm>>
    %dma_start3A_44 = arith.constant 0 : i32
    %dma_start3A_45 = tpu.memref_slice %arg4[%add3A_36, %dma_start3A_44] : memref<320000x128xf32, #tpu.memory_space<hbm>> -> memref<400x128xf32, #tpu.memory_space<hbm>>
    %dma_start3A_46 = arith.constant 0 : i32
    %dma_start3A_47 = arith.constant 0 : i32
    %dma_start3A_48 = tpu.memref_slice %arg6[%dma_start3A_37, %dma_start3A_46, %dma_start3A_47] : memref<2x400x128xf32, #tpu.memory_space<vmem>> -> memref<1x400x128xf32, #tpu.memory_space<vmem>>
    %dma_start3A_49 = tpu.memref_squeeze %dma_start3A_48 : memref<1x400x128xf32, #tpu.memory_space<vmem>> -> memref<400x128xf32, #tpu.memory_space<vmem>>
    tpu.enqueue_dma source(%dma_start3A_49 : memref<400x128xf32, #tpu.memory_space<vmem>>) target(%dma_start3A_45 : memref<400x128xf32, #tpu.memory_space<hbm>>) target_semaphore(%arg9 : memref<!tpu.dma_semaphore, #tpu.memory_space<semaphore_mem>>)
    %add3A_50 = arith.constant 9200 : i32
    %add3A_51 = arith.addi %mul3A_2, %add3A_50 : i32
    %dma_wait3A_52 = arith.constant 1 : i32
    %dma_wait3A_53 = arith.constant 0 : i32
    %dma_wait3A_54 = arith.constant 0 : i32
    %dma_wait3A_55 = tpu.memref_slice %arg6[%dma_wait3A_52, %dma_wait3A_53, %dma_wait3A_54] : memref<2x400x128xf32, #tpu.memory_space<vmem>> -> memref<1x400x128xf32, #tpu.memory_space<vmem>>
    %dma_wait3A_56 = tpu.memref_squeeze %dma_wait3A_55 : memref<1x400x128xf32, #tpu.memory_space<vmem>> -> memref<400x128xf32, #tpu.memory_space<vmem>>
    %dma_wait3A_57 = arith.constant 0 : i32
    %dma_wait3A_58 = tpu.memref_slice %arg4[%add3A_51, %dma_wait3A_57] : memref<320000x128xf32, #tpu.memory_space<hbm>> -> memref<400x128xf32, #tpu.memory_space<hbm>>
    %dma_wait3A_59 = arith.constant 0 : i32
    %dma_wait3A_60 = tpu.memref_slice %arg4[%add3A_51, %dma_wait3A_59] : memref<320000x128xf32, #tpu.memory_space<hbm>> -> memref<400x128xf32, #tpu.memory_space<hbm>>
    %dma_wait3A_61 = arith.constant 0 : i32
    %dma_wait3A_62 = arith.constant 0 : i32
    %dma_wait3A_63 = tpu.memref_slice %arg6[%dma_wait3A_52, %dma_wait3A_61, %dma_wait3A_62] : memref<2x400x128xf32, #tpu.memory_space<vmem>> -> memref<1x400x128xf32, #tpu.memory_space<vmem>>
    %dma_wait3A_64 = tpu.memref_squeeze %dma_wait3A_63 : memref<1x400x128xf32, #tpu.memory_space<vmem>> -> memref<400x128xf32, #tpu.memory_space<vmem>>
    tpu.wait_dma2 semaphore(%arg10 : memref<!tpu.dma_semaphore, #tpu.memory_space<semaphore_mem>>) src(%dma_wait3A_64 : memref<400x128xf32, #tpu.memory_space<vmem>>) dst(%dma_wait3A_60 : memref<400x128xf32, #tpu.memory_space<hbm>>)
    %add3A_65 = arith.constant 9600 : i32
    %add3A_66 = arith.addi %mul3A_2, %add3A_65 : i32
    %dma_wait3A_67 = arith.constant 0 : i32
    %dma_wait3A_68 = arith.constant 0 : i32
    %dma_wait3A_69 = arith.constant 0 : i32
    %dma_wait3A_70 = tpu.memref_slice %arg6[%dma_wait3A_67, %dma_wait3A_68, %dma_wait3A_69] : memref<2x400x128xf32, #tpu.memory_space<vmem>> -> memref<1x400x128xf32, #tpu.memory_space<vmem>>
    %dma_wait3A_71 = tpu.memref_squeeze %dma_wait3A_70 : memref<1x400x128xf32, #tpu.memory_space<vmem>> -> memref<400x128xf32, #tpu.memory_space<vmem>>
    %dma_wait3A_72 = arith.constant 0 : i32
    %dma_wait3A_73 = tpu.memref_slice %arg4[%add3A_66, %dma_wait3A_72] : memref<320000x128xf32, #tpu.memory_space<hbm>> -> memref<400x128xf32, #tpu.memory_space<hbm>>
    %dma_wait3A_74 = arith.constant 0 : i32
    %dma_wait3A_75 = tpu.memref_slice %arg4[%add3A_66, %dma_wait3A_74] : memref<320000x128xf32, #tpu.memory_space<hbm>> -> memref<400x128xf32, #tpu.memory_space<hbm>>
    %dma_wait3A_76 = arith.constant 0 : i32
    %dma_wait3A_77 = arith.constant 0 : i32
    %dma_wait3A_78 = tpu.memref_slice %arg6[%dma_wait3A_67, %dma_wait3A_76, %dma_wait3A_77] : memref<2x400x128xf32, #tpu.memory_space<vmem>> -> memref<1x400x128xf32, #tpu.memory_space<vmem>>
    %dma_wait3A_79 = tpu.memref_squeeze %dma_wait3A_78 : memref<1x400x128xf32, #tpu.memory_space<vmem>> -> memref<400x128xf32, #tpu.memory_space<vmem>>
    tpu.wait_dma2 semaphore(%arg9 : memref<!tpu.dma_semaphore, #tpu.memory_space<semaphore_mem>>) src(%dma_wait3A_79 : memref<400x128xf32, #tpu.memory_space<vmem>>) dst(%dma_wait3A_75 : memref<400x128xf32, #tpu.memory_space<hbm>>)
    return
  }
}

#map = affine_map<(d0, d1) -> (0, 0)>
#map1 = affine_map<(d0, d1) -> (0)>
module attributes {stable_mosaic.version = 14 : i64} {
  func.func @sc_gather(%arg0: i32, %arg1: i32, %arg2: memref<10000x128xf32, #tpu.memory_space<hbm>>, %arg3: memref<320000xi32, #tpu.memory_space<hbm>>, %arg4: memref<320000x128xf32, #tpu.memory_space<hbm>>, %arg5: memref<10000xi32, #tpu.memory_space<vmem>>, %arg6: memref<2x400x128xf32, #tpu.memory_space<vmem>>, %arg7: memref<!tpu.dma_semaphore, #tpu.memory_space<semaphore_mem>>, %arg8: memref<!tpu.dma_semaphore, #tpu.memory_space<semaphore_mem>>, %arg9: memref<!tpu.dma_semaphore, #tpu.memory_space<semaphore_mem>>, %arg10: memref<!tpu.dma_semaphore, #tpu.memory_space<semaphore_mem>>) attributes {dimension_semantics = [#tpu.dimension_semantics<core_parallel>, #tpu.dimension_semantics<subcore_parallel>], iteration_bounds = array<i64: 2, 16>, scalar_prefetch = 0 : i64, scratch_operands = 6 : i64, tpu.core_type = #tpu.core_type<sc_vector_subcore>, window_params = [{transform_indices = #map}, {transform_indices = #map1}, {transform_indices = #map}]} {
    %mul3A = arith.constant 2 : i32
    %mul3A_0 = arith.muli %arg1, %mul3A : i32
    %add3A = arith.addi %mul3A_0, %arg0 : i32
    %mul3A_1 = arith.constant 10000 : i32
    %mul3A_2 = arith.muli %add3A, %mul3A_1 : i32
    "tpu.region"() ({
      %run_scoped3A = tpu.sem_alloc : memref<!tpu.dma_semaphore, #tpu.memory_space<semaphore_mem>>
      %dma_start3A_80 = tpu.memref_slice %arg3[%mul3A_2] : memref<320000xi32, #tpu.memory_space<hbm>> -> memref<10000xi32, #tpu.memory_space<hbm>>
      %dma_start3A_81 = tpu.memref_slice %arg3[%mul3A_2] : memref<320000xi32, #tpu.memory_space<hbm>> -> memref<10000xi32, #tpu.memory_space<hbm>>
      tpu.enqueue_dma source(%dma_start3A_81 : memref<10000xi32, #tpu.memory_space<hbm>>) target(%arg5 : memref<10000xi32, #tpu.memory_space<vmem>>) target_semaphore(%run_scoped3A : memref<!tpu.dma_semaphore, #tpu.memory_space<semaphore_mem>>)
      %dma_wait3A_82 = tpu.memref_slice %arg3[%mul3A_2] : memref<320000xi32, #tpu.memory_space<hbm>> -> memref<10000xi32, #tpu.memory_space<hbm>>
      %dma_wait3A_83 = tpu.memref_slice %arg3[%mul3A_2] : memref<320000xi32, #tpu.memory_space<hbm>> -> memref<10000xi32, #tpu.memory_space<hbm>>
      tpu.wait_dma2 semaphore(%run_scoped3A : memref<!tpu.dma_semaphore, #tpu.memory_space<semaphore_mem>>) src(%dma_wait3A_83 : memref<10000xi32, #tpu.memory_space<hbm>>) dst(%arg5 : memref<10000xi32, #tpu.memory_space<vmem>>)
      tpu.yield
    }) : () -> ()
    %dma_start3A = arith.constant 0 : i32
    %dma_start3A_3 = arith.constant 0 : i32
    %dma_start3A_4 = arith.constant 0 : i32
    %dma_start3A_5 = tpu.memref_slice %arg6[%dma_start3A, %dma_start3A_3, %dma_start3A_4] : memref<2x400x128xf32, #tpu.memory_space<vmem>> -> memref<1x400x128xf32, #tpu.memory_space<vmem>>
    %dma_start3A_6 = tpu.memref_squeeze %dma_start3A_5 : memref<1x400x128xf32, #tpu.memory_space<vmem>> -> memref<400x128xf32, #tpu.memory_space<vmem>>
    %dma_start3A_7 = arith.constant 0 : i32
    %dma_start3A_8 = tpu.memref_slice %arg5[%dma_start3A_7] : memref<10000xi32, #tpu.memory_space<vmem>> -> memref<400xi32, #tpu.memory_space<vmem>>
    %dma_start3A_9 = arith.constant 0 : i32
    %dma_start3A_10 = arith.constant 0 : i32
    %dma_start3A_11 = tpu.memref_slice %arg2[%dma_start3A_9, %dma_start3A_10] : memref<10000x128xf32, #tpu.memory_space<hbm>> -> memref<10000x128xf32, #tpu.memory_space<hbm>>
    tpu.enqueue_indirect_dma source(%dma_start3A_11 : memref<10000x128xf32, #tpu.memory_space<hbm>>) target(%dma_start3A_6 : memref<400x128xf32, #tpu.memory_space<vmem>>) offsets(%dma_start3A_8 : memref<400xi32, #tpu.memory_space<vmem>>) semaphore(%arg7 : memref<!tpu.dma_semaphore, #tpu.memory_space<semaphore_mem>>)
    %dma_start3A_12 = arith.constant 1 : i32
    %dma_start3A_13 = arith.constant 0 : i32
    %dma_start3A_14 = arith.constant 0 : i32
    %dma_start3A_15 = tpu.memref_slice %arg6[%dma_start3A_12, %dma_start3A_13, %dma_start3A_14] : memref<2x400x128xf32, #tpu.memory_space<vmem>> -> memref<1x400x128xf32, #tpu.memory_space<vmem>>
    %dma_start3A_16 = tpu.memref_squeeze %dma_start3A_15 : memref<1x400x128xf32, #tpu.memory_space<vmem>> -> memref<400x128xf32, #tpu.memory_space<vmem>>
    %dma_start3A_17 = arith.constant 400 : i32
    %dma_start3A_18 = tpu.memref_slice %arg5[%dma_start3A_17] : memref<10000xi32, #tpu.memory_space<vmem>> -> memref<400xi32, #tpu.memory_space<vmem>>
    %dma_start3A_19 = arith.constant 0 : i32
    %dma_start3A_20 = arith.constant 0 : i32
    %dma_start3A_21 = tpu.memref_slice %arg2[%dma_start3A_19, %dma_start3A_20] : memref<10000x128xf32, #tpu.memory_space<hbm>> -> memref<10000x128xf32, #tpu.memory_space<hbm>>
    tpu.enqueue_indirect_dma source(%dma_start3A_21 : memref<10000x128xf32, #tpu.memory_space<hbm>>) target(%dma_start3A_16 : memref<400x128xf32, #tpu.memory_space<vmem>>) offsets(%dma_start3A_18 : memref<400xi32, #tpu.memory_space<vmem>>) semaphore(%arg8 : memref<!tpu.dma_semaphore, #tpu.memory_space<semaphore_mem>>)
    %scan3A = arith.constant 0 : i32
    %scan3A_22 = arith.constant 12 : i32
    %scan3A_23 = arith.addi %scan3A, %scan3A_22 : i32
    %scan3A_24 = arith.constant 1 : i32
    scf.for %scan3A_80 = %scan3A to %scan3A_23 step %scan3A_24  : i32 {
      %mul3A_81 = arith.constant 2 : i32
      %mul3A_82 = arith.muli %scan3A_80, %mul3A_81 : i32
      %add3A_83 = arith.constant 0 : i32
      %add3A_84 = arith.addi %add3A_83, %mul3A_82 : i32
      %add3A_85 = arith.constant 0 : i32
      %add3A_86 = arith.addi %add3A_84, %add3A_85 : i32
      %mul3A_87 = arith.constant 400 : i32
      %mul3A_88 = arith.muli %add3A_86, %mul3A_87 : i32
      %dma_wait3A_89 = arith.constant 0 : i32
      %dma_wait3A_90 = arith.constant 0 : i32
      %dma_wait3A_91 = arith.constant 0 : i32
      %dma_wait3A_92 = tpu.memref_slice %arg6[%dma_wait3A_89, %dma_wait3A_90, %dma_wait3A_91] : memref<2x400x128xf32, #tpu.memory_space<vmem>> -> memref<1x400x128xf32, #tpu.memory_space<vmem>>
      %dma_wait3A_93 = tpu.memref_squeeze %dma_wait3A_92 : memref<1x400x128xf32, #tpu.memory_space<vmem>> -> memref<400x128xf32, #tpu.memory_space<vmem>>
      %dma_wait3A_94 = tpu.memref_slice %arg5[%mul3A_88] : memref<10000xi32, #tpu.memory_space<vmem>> -> memref<400xi32, #tpu.memory_space<vmem>>
      %dma_wait3A_95 = arith.constant 0 : i32
      %dma_wait3A_96 = arith.constant 0 : i32
      %dma_wait3A_97 = tpu.memref_slice %arg2[%dma_wait3A_95, %dma_wait3A_96] : memref<10000x128xf32, #tpu.memory_space<hbm>> -> memref<10000x128xf32, #tpu.memory_space<hbm>>
      tpu.wait_indirect_dma semaphore(%arg7 : memref<!tpu.dma_semaphore, #tpu.memory_space<semaphore_mem>>) src(%dma_wait3A_97 : memref<10000x128xf32, #tpu.memory_space<hbm>>) dst(%dma_wait3A_93 : memref<400x128xf32, #tpu.memory_space<vmem>>)
      %mul3A_98 = arith.constant 400 : i32
      %mul3A_99 = arith.muli %add3A_86, %mul3A_98 : i32
      %add3A_100 = arith.addi %mul3A_2, %mul3A_99 : i32
      %dma_start3A_101 = arith.constant 0 : i32
      %dma_start3A_102 = arith.constant 0 : i32
      %dma_start3A_103 = arith.constant 0 : i32
      %dma_start3A_104 = tpu.memref_slice %arg6[%dma_start3A_101, %dma_start3A_102, %dma_start3A_103] : memref<2x400x128xf32, #tpu.memory_space<vmem>> -> memref<1x400x128xf32, #tpu.memory_space<vmem>>
      %dma_start3A_105 = tpu.memref_squeeze %dma_start3A_104 : memref<1x400x128xf32, #tpu.memory_space<vmem>> -> memref<400x128xf32, #tpu.memory_space<vmem>>
      %dma_start3A_106 = arith.constant 0 : i32
      %dma_start3A_107 = tpu.memref_slice %arg4[%add3A_100, %dma_start3A_106] : memref<320000x128xf32, #tpu.memory_space<hbm>> -> memref<400x128xf32, #tpu.memory_space<hbm>>
      %dma_start3A_108 = arith.constant 0 : i32
      %dma_start3A_109 = tpu.memref_slice %arg4[%add3A_100, %dma_start3A_108] : memref<320000x128xf32, #tpu.memory_space<hbm>> -> memref<400x128xf32, #tpu.memory_space<hbm>>
      %dma_start3A_110 = arith.constant 0 : i32
      %dma_start3A_111 = arith.constant 0 : i32
      %dma_start3A_112 = tpu.memref_slice %arg6[%dma_start3A_101, %dma_start3A_110, %dma_start3A_111] : memref<2x400x128xf32, #tpu.memory_space<vmem>> -> memref<1x400x128xf32, #tpu.memory_space<vmem>>
      %dma_start3A_113 = tpu.memref_squeeze %dma_start3A_112 : memref<1x400x128xf32, #tpu.memory_space<vmem>> -> memref<400x128xf32, #tpu.memory_space<vmem>>
      tpu.enqueue_dma source(%dma_start3A_113 : memref<400x128xf32, #tpu.memory_space<vmem>>) target(%dma_start3A_109 : memref<400x128xf32, #tpu.memory_space<hbm>>) target_semaphore(%arg9 : memref<!tpu.dma_semaphore, #tpu.memory_space<semaphore_mem>>)
      %add3A_114 = arith.constant 2 : i32
      %add3A_115 = arith.addi %add3A_86, %add3A_114 : i32
      %lt3A = arith.constant 25 : i32
      %lt3A_116 = arith.cmpi slt, %add3A_115, %lt3A : i32
      %convert_element_type3A = arith.extui %lt3A_116 : i1 to i32
      %cond3A = arith.constant 0 : i32
      %cond3A_117 = arith.cmpi ne, %convert_element_type3A, %cond3A : i32
      scf.if %cond3A_117 {
        %ge3A = arith.constant 2 : i32
        %ge3A_154 = arith.cmpi sge, %add3A_115, %ge3A : i32
        %convert_element_type3A_155 = arith.extui %ge3A_154 : i1 to i32
        %cond3A_156 = arith.constant 0 : i32
        %cond3A_157 = arith.cmpi ne, %convert_element_type3A_155, %cond3A_156 : i32
        scf.if %cond3A_157 {
          %mul3A_169 = arith.constant 400 : i32
          %mul3A_170 = arith.muli %add3A_115, %mul3A_169 : i32
          %add3A_171 = arith.addi %mul3A_2, %mul3A_170 : i32
          %dma_wait3A_172 = arith.constant 0 : i32
          %dma_wait3A_173 = arith.constant 0 : i32
          %dma_wait3A_174 = arith.constant 0 : i32
          %dma_wait3A_175 = tpu.memref_slice %arg6[%dma_wait3A_172, %dma_wait3A_173, %dma_wait3A_174] : memref<2x400x128xf32, #tpu.memory_space<vmem>> -> memref<1x400x128xf32, #tpu.memory_space<vmem>>
          %dma_wait3A_176 = tpu.memref_squeeze %dma_wait3A_175 : memref<1x400x128xf32, #tpu.memory_space<vmem>> -> memref<400x128xf32, #tpu.memory_space<vmem>>
          %dma_wait3A_177 = arith.constant 0 : i32
          %dma_wait3A_178 = tpu.memref_slice %arg4[%add3A_171, %dma_wait3A_177] : memref<320000x128xf32, #tpu.memory_space<hbm>> -> memref<400x128xf32, #tpu.memory_space<hbm>>
          %dma_wait3A_179 = arith.constant 0 : i32
          %dma_wait3A_180 = tpu.memref_slice %arg4[%add3A_171, %dma_wait3A_179] : memref<320000x128xf32, #tpu.memory_space<hbm>> -> memref<400x128xf32, #tpu.memory_space<hbm>>
          %dma_wait3A_181 = arith.constant 0 : i32
          %dma_wait3A_182 = arith.constant 0 : i32
          %dma_wait3A_183 = tpu.memref_slice %arg6[%dma_wait3A_172, %dma_wait3A_181, %dma_wait3A_182] : memref<2x400x128xf32, #tpu.memory_space<vmem>> -> memref<1x400x128xf32, #tpu.memory_space<vmem>>
          %dma_wait3A_184 = tpu.memref_squeeze %dma_wait3A_183 : memref<1x400x128xf32, #tpu.memory_space<vmem>> -> memref<400x128xf32, #tpu.memory_space<vmem>>
          tpu.wait_dma2 semaphore(%arg9 : memref<!tpu.dma_semaphore, #tpu.memory_space<semaphore_mem>>) src(%dma_wait3A_184 : memref<400x128xf32, #tpu.memory_space<vmem>>) dst(%dma_wait3A_180 : memref<400x128xf32, #tpu.memory_space<hbm>>)
        } else {
        }
        %mul3A_158 = arith.constant 400 : i32
        %mul3A_159 = arith.muli %add3A_115, %mul3A_158 : i32
        %dma_start3A_160 = arith.constant 0 : i32
        %dma_start3A_161 = arith.constant 0 : i32
        %dma_start3A_162 = arith.constant 0 : i32
        %dma_start3A_163 = tpu.memref_slice %arg6[%dma_start3A_160, %dma_start3A_161, %dma_start3A_162] : memref<2x400x128xf32, #tpu.memory_space<vmem>> -> memref<1x400x128xf32, #tpu.memory_space<vmem>>
        %dma_start3A_164 = tpu.memref_squeeze %dma_start3A_163 : memref<1x400x128xf32, #tpu.memory_space<vmem>> -> memref<400x128xf32, #tpu.memory_space<vmem>>
        %dma_start3A_165 = tpu.memref_slice %arg5[%mul3A_159] : memref<10000xi32, #tpu.memory_space<vmem>> -> memref<400xi32, #tpu.memory_space<vmem>>
        %dma_start3A_166 = arith.constant 0 : i32
        %dma_start3A_167 = arith.constant 0 : i32
        %dma_start3A_168 = tpu.memref_slice %arg2[%dma_start3A_166, %dma_start3A_167] : memref<10000x128xf32, #tpu.memory_space<hbm>> -> memref<10000x128xf32, #tpu.memory_space<hbm>>
        tpu.enqueue_indirect_dma source(%dma_start3A_168 : memref<10000x128xf32, #tpu.memory_space<hbm>>) target(%dma_start3A_164 : memref<400x128xf32, #tpu.memory_space<vmem>>) offsets(%dma_start3A_165 : memref<400xi32, #tpu.memory_space<vmem>>) semaphore(%arg7 : memref<!tpu.dma_semaphore, #tpu.memory_space<semaphore_mem>>)
      } else {
      }
      %add3A_118 = arith.constant 1 : i32
      %add3A_119 = arith.addi %add3A_84, %add3A_118 : i32
      %mul3A_120 = arith.constant 400 : i32
      %mul3A_121 = arith.muli %add3A_119, %mul3A_120 : i32
      %dma_wait3A_122 = arith.constant 1 : i32
      %dma_wait3A_123 = arith.constant 0 : i32
      %dma_wait3A_124 = arith.constant 0 : i32
      %dma_wait3A_125 = tpu.memref_slice %arg6[%dma_wait3A_122, %dma_wait3A_123, %dma_wait3A_124] : memref<2x400x128xf32, #tpu.memory_space<vmem>> -> memref<1x400x128xf32, #tpu.memory_space<vmem>>
      %dma_wait3A_126 = tpu.memref_squeeze %dma_wait3A_125 : memref<1x400x128xf32, #tpu.memory_space<vmem>> -> memref<400x128xf32, #tpu.memory_space<vmem>>
      %dma_wait3A_127 = tpu.memref_slice %arg5[%mul3A_121] : memref<10000xi32, #tpu.memory_space<vmem>> -> memref<400xi32, #tpu.memory_space<vmem>>
      %dma_wait3A_128 = arith.constant 0 : i32
      %dma_wait3A_129 = arith.constant 0 : i32
      %dma_wait3A_130 = tpu.memref_slice %arg2[%dma_wait3A_128, %dma_wait3A_129] : memref<10000x128xf32, #tpu.memory_space<hbm>> -> memref<10000x128xf32, #tpu.memory_space<hbm>>
      tpu.wait_indirect_dma semaphore(%arg8 : memref<!tpu.dma_semaphore, #tpu.memory_space<semaphore_mem>>) src(%dma_wait3A_130 : memref<10000x128xf32, #tpu.memory_space<hbm>>) dst(%dma_wait3A_126 : memref<400x128xf32, #tpu.memory_space<vmem>>)
      %mul3A_131 = arith.constant 400 : i32
      %mul3A_132 = arith.muli %add3A_119, %mul3A_131 : i32
      %add3A_133 = arith.addi %mul3A_2, %mul3A_132 : i32
      %dma_start3A_134 = arith.constant 1 : i32
      %dma_start3A_135 = arith.constant 0 : i32
      %dma_start3A_136 = arith.constant 0 : i32
      %dma_start3A_137 = tpu.memref_slice %arg6[%dma_start3A_134, %dma_start3A_135, %dma_start3A_136] : memref<2x400x128xf32, #tpu.memory_space<vmem>> -> memref<1x400x128xf32, #tpu.memory_space<vmem>>
      %dma_start3A_138 = tpu.memref_squeeze %dma_start3A_137 : memref<1x400x128xf32, #tpu.memory_space<vmem>> -> memref<400x128xf32, #tpu.memory_space<vmem>>
      %dma_start3A_139 = arith.constant 0 : i32
      %dma_start3A_140 = tpu.memref_slice %arg4[%add3A_133, %dma_start3A_139] : memref<320000x128xf32, #tpu.memory_space<hbm>> -> memref<400x128xf32, #tpu.memory_space<hbm>>
      %dma_start3A_141 = arith.constant 0 : i32
      %dma_start3A_142 = tpu.memref_slice %arg4[%add3A_133, %dma_start3A_141] : memref<320000x128xf32, #tpu.memory_space<hbm>> -> memref<400x128xf32, #tpu.memory_space<hbm>>
      %dma_start3A_143 = arith.constant 0 : i32
      %dma_start3A_144 = arith.constant 0 : i32
      %dma_start3A_145 = tpu.memref_slice %arg6[%dma_start3A_134, %dma_start3A_143, %dma_start3A_144] : memref<2x400x128xf32, #tpu.memory_space<vmem>> -> memref<1x400x128xf32, #tpu.memory_space<vmem>>
      %dma_start3A_146 = tpu.memref_squeeze %dma_start3A_145 : memref<1x400x128xf32, #tpu.memory_space<vmem>> -> memref<400x128xf32, #tpu.memory_space<vmem>>
      tpu.enqueue_dma source(%dma_start3A_146 : memref<400x128xf32, #tpu.memory_space<vmem>>) target(%dma_start3A_142 : memref<400x128xf32, #tpu.memory_space<hbm>>) target_semaphore(%arg10 : memref<!tpu.dma_semaphore, #tpu.memory_space<semaphore_mem>>)
      %add3A_147 = arith.constant 2 : i32
      %add3A_148 = arith.addi %add3A_119, %add3A_147 : i32
      %lt3A_149 = arith.constant 25 : i32
      %lt3A_150 = arith.cmpi slt, %add3A_148, %lt3A_149 : i32
      %convert_element_type3A_151 = arith.extui %lt3A_150 : i1 to i32
      %cond3A_152 = arith.constant 0 : i32
      %cond3A_153 = arith.cmpi ne, %convert_element_type3A_151, %cond3A_152 : i32
      scf.if %cond3A_153 {
        %ge3A = arith.constant 2 : i32
        %ge3A_154 = arith.cmpi sge, %add3A_148, %ge3A : i32
        %convert_element_type3A_155 = arith.extui %ge3A_154 : i1 to i32
        %cond3A_156 = arith.constant 0 : i32
        %cond3A_157 = arith.cmpi ne, %convert_element_type3A_155, %cond3A_156 : i32
        scf.if %cond3A_157 {
          %mul3A_169 = arith.constant 400 : i32
          %mul3A_170 = arith.muli %add3A_148, %mul3A_169 : i32
          %add3A_171 = arith.addi %mul3A_2, %mul3A_170 : i32
          %dma_wait3A_172 = arith.constant 1 : i32
          %dma_wait3A_173 = arith.constant 0 : i32
          %dma_wait3A_174 = arith.constant 0 : i32
          %dma_wait3A_175 = tpu.memref_slice %arg6[%dma_wait3A_172, %dma_wait3A_173, %dma_wait3A_174] : memref<2x400x128xf32, #tpu.memory_space<vmem>> -> memref<1x400x128xf32, #tpu.memory_space<vmem>>
          %dma_wait3A_176 = tpu.memref_squeeze %dma_wait3A_175 : memref<1x400x128xf32, #tpu.memory_space<vmem>> -> memref<400x128xf32, #tpu.memory_space<vmem>>
          %dma_wait3A_177 = arith.constant 0 : i32
          %dma_wait3A_178 = tpu.memref_slice %arg4[%add3A_171, %dma_wait3A_177] : memref<320000x128xf32, #tpu.memory_space<hbm>> -> memref<400x128xf32, #tpu.memory_space<hbm>>
          %dma_wait3A_179 = arith.constant 0 : i32
          %dma_wait3A_180 = tpu.memref_slice %arg4[%add3A_171, %dma_wait3A_179] : memref<320000x128xf32, #tpu.memory_space<hbm>> -> memref<400x128xf32, #tpu.memory_space<hbm>>
          %dma_wait3A_181 = arith.constant 0 : i32
          %dma_wait3A_182 = arith.constant 0 : i32
          %dma_wait3A_183 = tpu.memref_slice %arg6[%dma_wait3A_172, %dma_wait3A_181, %dma_wait3A_182] : memref<2x400x128xf32, #tpu.memory_space<vmem>> -> memref<1x400x128xf32, #tpu.memory_space<vmem>>
          %dma_wait3A_184 = tpu.memref_squeeze %dma_wait3A_183 : memref<1x400x128xf32, #tpu.memory_space<vmem>> -> memref<400x128xf32, #tpu.memory_space<vmem>>
          tpu.wait_dma2 semaphore(%arg10 : memref<!tpu.dma_semaphore, #tpu.memory_space<semaphore_mem>>) src(%dma_wait3A_184 : memref<400x128xf32, #tpu.memory_space<vmem>>) dst(%dma_wait3A_180 : memref<400x128xf32, #tpu.memory_space<hbm>>)
        } else {
        }
        %mul3A_158 = arith.constant 400 : i32
        %mul3A_159 = arith.muli %add3A_148, %mul3A_158 : i32
        %dma_start3A_160 = arith.constant 1 : i32
        %dma_start3A_161 = arith.constant 0 : i32
        %dma_start3A_162 = arith.constant 0 : i32
        %dma_start3A_163 = tpu.memref_slice %arg6[%dma_start3A_160, %dma_start3A_161, %dma_start3A_162] : memref<2x400x128xf32, #tpu.memory_space<vmem>> -> memref<1x400x128xf32, #tpu.memory_space<vmem>>
        %dma_start3A_164 = tpu.memref_squeeze %dma_start3A_163 : memref<1x400x128xf32, #tpu.memory_space<vmem>> -> memref<400x128xf32, #tpu.memory_space<vmem>>
        %dma_start3A_165 = tpu.memref_slice %arg5[%mul3A_159] : memref<10000xi32, #tpu.memory_space<vmem>> -> memref<400xi32, #tpu.memory_space<vmem>>
        %dma_start3A_166 = arith.constant 0 : i32
        %dma_start3A_167 = arith.constant 0 : i32
        %dma_start3A_168 = tpu.memref_slice %arg2[%dma_start3A_166, %dma_start3A_167] : memref<10000x128xf32, #tpu.memory_space<hbm>> -> memref<10000x128xf32, #tpu.memory_space<hbm>>
        tpu.enqueue_indirect_dma source(%dma_start3A_168 : memref<10000x128xf32, #tpu.memory_space<hbm>>) target(%dma_start3A_164 : memref<400x128xf32, #tpu.memory_space<vmem>>) offsets(%dma_start3A_165 : memref<400xi32, #tpu.memory_space<vmem>>) semaphore(%arg8 : memref<!tpu.dma_semaphore, #tpu.memory_space<semaphore_mem>>)
      } else {
      }
    }
    %scan3A_25 = arith.constant 12 : i32
    %dma_wait3A = arith.constant 0 : i32
    %dma_wait3A_26 = arith.constant 0 : i32
    %dma_wait3A_27 = arith.constant 0 : i32
    %dma_wait3A_28 = tpu.memref_slice %arg6[%dma_wait3A, %dma_wait3A_26, %dma_wait3A_27] : memref<2x400x128xf32, #tpu.memory_space<vmem>> -> memref<1x400x128xf32, #tpu.memory_space<vmem>>
    %dma_wait3A_29 = tpu.memref_squeeze %dma_wait3A_28 : memref<1x400x128xf32, #tpu.memory_space<vmem>> -> memref<400x128xf32, #tpu.memory_space<vmem>>
    %dma_wait3A_30 = arith.constant 9600 : i32
    %dma_wait3A_31 = tpu.memref_slice %arg5[%dma_wait3A_30] : memref<10000xi32, #tpu.memory_space<vmem>> -> memref<400xi32, #tpu.memory_space<vmem>>
    %dma_wait3A_32 = arith.constant 0 : i32
    %dma_wait3A_33 = arith.constant 0 : i32
    %dma_wait3A_34 = tpu.memref_slice %arg2[%dma_wait3A_32, %dma_wait3A_33] : memref<10000x128xf32, #tpu.memory_space<hbm>> -> memref<10000x128xf32, #tpu.memory_space<hbm>>
    tpu.wait_indirect_dma semaphore(%arg7 : memref<!tpu.dma_semaphore, #tpu.memory_space<semaphore_mem>>) src(%dma_wait3A_34 : memref<10000x128xf32, #tpu.memory_space<hbm>>) dst(%dma_wait3A_29 : memref<400x128xf32, #tpu.memory_space<vmem>>)
    %add3A_35 = arith.constant 9600 : i32
    %add3A_36 = arith.addi %mul3A_2, %add3A_35 : i32
    %dma_start3A_37 = arith.constant 0 : i32
    %dma_start3A_38 = arith.constant 0 : i32
    %dma_start3A_39 = arith.constant 0 : i32
    %dma_start3A_40 = tpu.memref_slice %arg6[%dma_start3A_37, %dma_start3A_38, %dma_start3A_39] : memref<2x400x128xf32, #tpu.memory_space<vmem>> -> memref<1x400x128xf32, #tpu.memory_space<vmem>>
    %dma_start3A_41 = tpu.memref_squeeze %dma_start3A_40 : memref<1x400x128xf32, #tpu.memory_space<vmem>> -> memref<400x128xf32, #tpu.memory_space<vmem>>
    %dma_start3A_42 = arith.constant 0 : i32
    %dma_start3A_43 = tpu.memref_slice %arg4[%add3A_36, %dma_start3A_42] : memref<320000x128xf32, #tpu.memory_space<hbm>> -> memref<400x128xf32, #tpu.memory_space<hbm>>
    %dma_start3A_44 = arith.constant 0 : i32
    %dma_start3A_45 = tpu.memref_slice %arg4[%add3A_36, %dma_start3A_44] : memref<320000x128xf32, #tpu.memory_space<hbm>> -> memref<400x128xf32, #tpu.memory_space<hbm>>
    %dma_start3A_46 = arith.constant 0 : i32
    %dma_start3A_47 = arith.constant 0 : i32
    %dma_start3A_48 = tpu.memref_slice %arg6[%dma_start3A_37, %dma_start3A_46, %dma_start3A_47] : memref<2x400x128xf32, #tpu.memory_space<vmem>> -> memref<1x400x128xf32, #tpu.memory_space<vmem>>
    %dma_start3A_49 = tpu.memref_squeeze %dma_start3A_48 : memref<1x400x128xf32, #tpu.memory_space<vmem>> -> memref<400x128xf32, #tpu.memory_space<vmem>>
    tpu.enqueue_dma source(%dma_start3A_49 : memref<400x128xf32, #tpu.memory_space<vmem>>) target(%dma_start3A_45 : memref<400x128xf32, #tpu.memory_space<hbm>>) target_semaphore(%arg9 : memref<!tpu.dma_semaphore, #tpu.memory_space<semaphore_mem>>)
    %add3A_50 = arith.constant 9200 : i32
    %add3A_51 = arith.addi %mul3A_2, %add3A_50 : i32
    %dma_wait3A_52 = arith.constant 1 : i32
    %dma_wait3A_53 = arith.constant 0 : i32
    %dma_wait3A_54 = arith.constant 0 : i32
    %dma_wait3A_55 = tpu.memref_slice %arg6[%dma_wait3A_52, %dma_wait3A_53, %dma_wait3A_54] : memref<2x400x128xf32, #tpu.memory_space<vmem>> -> memref<1x400x128xf32, #tpu.memory_space<vmem>>
    %dma_wait3A_56 = tpu.memref_squeeze %dma_wait3A_55 : memref<1x400x128xf32, #tpu.memory_space<vmem>> -> memref<400x128xf32, #tpu.memory_space<vmem>>
    %dma_wait3A_57 = arith.constant 0 : i32
    %dma_wait3A_58 = tpu.memref_slice %arg4[%add3A_51, %dma_wait3A_57] : memref<320000x128xf32, #tpu.memory_space<hbm>> -> memref<400x128xf32, #tpu.memory_space<hbm>>
    %dma_wait3A_59 = arith.constant 0 : i32
    %dma_wait3A_60 = tpu.memref_slice %arg4[%add3A_51, %dma_wait3A_59] : memref<320000x128xf32, #tpu.memory_space<hbm>> -> memref<400x128xf32, #tpu.memory_space<hbm>>
    %dma_wait3A_61 = arith.constant 0 : i32
    %dma_wait3A_62 = arith.constant 0 : i32
    %dma_wait3A_63 = tpu.memref_slice %arg6[%dma_wait3A_52, %dma_wait3A_61, %dma_wait3A_62] : memref<2x400x128xf32, #tpu.memory_space<vmem>> -> memref<1x400x128xf32, #tpu.memory_space<vmem>>
    %dma_wait3A_64 = tpu.memref_squeeze %dma_wait3A_63 : memref<1x400x128xf32, #tpu.memory_space<vmem>> -> memref<400x128xf32, #tpu.memory_space<vmem>>
    tpu.wait_dma2 semaphore(%arg10 : memref<!tpu.dma_semaphore, #tpu.memory_space<semaphore_mem>>) src(%dma_wait3A_64 : memref<400x128xf32, #tpu.memory_space<vmem>>) dst(%dma_wait3A_60 : memref<400x128xf32, #tpu.memory_space<hbm>>)
    %add3A_65 = arith.constant 9600 : i32
    %add3A_66 = arith.addi %mul3A_2, %add3A_65 : i32
    %dma_wait3A_67 = arith.constant 0 : i32
    %dma_wait3A_68 = arith.constant 0 : i32
    %dma_wait3A_69 = arith.constant 0 : i32
    %dma_wait3A_70 = tpu.memref_slice %arg6[%dma_wait3A_67, %dma_wait3A_68, %dma_wait3A_69] : memref<2x400x128xf32, #tpu.memory_space<vmem>> -> memref<1x400x128xf32, #tpu.memory_space<vmem>>
    %dma_wait3A_71 = tpu.memref_squeeze %dma_wait3A_70 : memref<1x400x128xf32, #tpu.memory_space<vmem>> -> memref<400x128xf32, #tpu.memory_space<vmem>>
    %dma_wait3A_72 = arith.constant 0 : i32
    %dma_wait3A_73 = tpu.memref_slice %arg4[%add3A_66, %dma_wait3A_72] : memref<320000x128xf32, #tpu.memory_space<hbm>> -> memref<400x128xf32, #tpu.memory_space<hbm>>
    %dma_wait3A_74 = arith.constant 0 : i32
    %dma_wait3A_75 = tpu.memref_slice %arg4[%add3A_66, %dma_wait3A_74] : memref<320000x128xf32, #tpu.memory_space<hbm>> -> memref<400x128xf32, #tpu.memory_space<hbm>>
    %dma_wait3A_76 = arith.constant 0 : i32
    %dma_wait3A_77 = arith.constant 0 : i32
    %dma_wait3A_78 = tpu.memref_slice %arg6[%dma_wait3A_67, %dma_wait3A_76, %dma_wait3A_77] : memref<2x400x128xf32, #tpu.memory_space<vmem>> -> memref<1x400x128xf32, #tpu.memory_space<vmem>>
    %dma_wait3A_79 = tpu.memref_squeeze %dma_wait3A_78 : memref<1x400x128xf32, #tpu.memory_space<vmem>> -> memref<400x128xf32, #tpu.memory_space<vmem>>
    tpu.wait_dma2 semaphore(%arg9 : memref<!tpu.dma_semaphore, #tpu.memory_space<semaphore_mem>>) src(%dma_wait3A_79 : memref<400x128xf32, #tpu.memory_space<vmem>>) dst(%dma_wait3A_75 : memref<400x128xf32, #tpu.memory_space<hbm>>)
    return
  }
}

module attributes {stable_mosaic.version = 14 : i64} {
  func.func @_pre_body(%arg0: i32, %arg1: memref<2000x128xf32, #tpu.memory_space<vmem>>, %arg2: memref<128x128xf32, #tpu.memory_space<vmem>>, %arg3: memref<128x128xf32, #tpu.memory_space<vmem>>, %arg4: memref<1x128xf32, #tpu.memory_space<vmem>>, %arg5: memref<2000x128xf32, #tpu.memory_space<vmem>>, %arg6: memref<2000x128xf32, #tpu.memory_space<vmem>>) attributes {dimension_semantics = [#tpu.dimension_semantics<arbitrary>], iteration_bounds = array<i64: 5>, scalar_prefetch = 0 : i64, scratch_operands = 0 : i64, tpu.core_type = #tpu.core_type<tc>, window_params = [{transform_indices = @transform_0, window_bounds = array<i64: 2000, 128>}, {pipeline_mode = #tpu.pipeline_mode<synchronous>, transform_indices = @transform_1, window_bounds = array<i64: 128, 128>}, {pipeline_mode = #tpu.pipeline_mode<synchronous>, transform_indices = @transform_2, window_bounds = array<i64: 128, 128>}, {pipeline_mode = #tpu.pipeline_mode<synchronous>, transform_indices = @transform_3, window_bounds = array<i64: 1, 128>}, {transform_indices = @transform_4, window_bounds = array<i64: 2000, 128>}, {transform_indices = @transform_5, window_bounds = array<i64: 2000, 128>}]} {
    %get3A = arith.constant 0 : index
    %get3A_0 = arith.constant 0 : index
    %get3A_1 = vector.load %arg1[%get3A, %get3A_0] : memref<2000x128xf32, #tpu.memory_space<vmem>>, vector<2000x128xf32>
    %get3A_2 = arith.constant 0 : index
    %get3A_3 = arith.constant 0 : index
    %get3A_4 = vector.load %arg2[%get3A_2, %get3A_3] : memref<128x128xf32, #tpu.memory_space<vmem>>, vector<128x128xf32>
    %dot_general3A = arith.constant dense<0.000000e+00> : vector<2000x128xf32>
    %dot_general3A_5 = tpu.matmul %get3A_1, %get3A_4, %dot_general3A {dimension_numbers = #tpu.dot_dimension_numbers<[1], [0], [0], [1], [0, 0, 1, 1], [], []>, transpose_lhs_hint = false} : vector<2000x128xf32>, vector<128x128xf32>, vector<2000x128xf32> -> vector<2000x128xf32>
    %get3A_6 = arith.constant 0 : index
    %get3A_7 = arith.constant 0 : index
    %get3A_8 = vector.load %arg4[%get3A_6, %get3A_7] : memref<1x128xf32, #tpu.memory_space<vmem>>, vector<1x128xf32>
    %add3A = vector.broadcast %get3A_8 : vector<1x128xf32> to vector<2000x128xf32>
    %add3A_9 = arith.addf %dot_general3A_5, %add3A : vector<2000x128xf32>
    %swap3A = arith.constant 0 : index
    %swap3A_10 = arith.constant 0 : index
    %swap3A_11 = vector.load %arg5[%swap3A, %swap3A_10] : memref<2000x128xf32, #tpu.memory_space<vmem>>, vector<2000x128xf32>
    tpu.vector_store %arg5[%swap3A, %swap3A_10], %add3A_9 {strides = array<i32>} : memref<2000x128xf32, #tpu.memory_space<vmem>>, vector<2000x128xf32>,
    %get3A_12 = arith.constant 0 : index
    %get3A_13 = arith.constant 0 : index
    %get3A_14 = vector.load %arg3[%get3A_12, %get3A_13] : memref<128x128xf32, #tpu.memory_space<vmem>>, vector<128x128xf32>
    %dot_general3A_15 = arith.constant dense<0.000000e+00> : vector<2000x128xf32>
    %dot_general3A_16 = tpu.matmul %get3A_1, %get3A_14, %dot_general3A_15 {dimension_numbers = #tpu.dot_dimension_numbers<[1], [0], [0], [1], [0, 0, 1, 1], [], []>, transpose_lhs_hint = false} : vector<2000x128xf32>, vector<128x128xf32>, vector<2000x128xf32> -> vector<2000x128xf32>
    %swap3A_17 = arith.constant 0 : index
    %swap3A_18 = arith.constant 0 : index
    %swap3A_19 = vector.load %arg6[%swap3A_17, %swap3A_18] : memref<2000x128xf32, #tpu.memory_space<vmem>>, vector<2000x128xf32>
    tpu.vector_store %arg6[%swap3A_17, %swap3A_18], %dot_general3A_16 {strides = array<i32>} : memref<2000x128xf32, #tpu.memory_space<vmem>>, vector<2000x128xf32>,
    return
  }
  func.func @transform_0(%arg0: i32) -> (i32, i32) {
    %c0_i32 = arith.constant 0 : i32
    %c0_i32_0 = arith.constant 0 : i32
    return %arg0, %c0_i32 : i32, i32
  }
  func.func @transform_1(%arg0: i32) -> (i32, i32) {
    %c0_i32 = arith.constant 0 : i32
    %c0_i32_0 = arith.constant 0 : i32
    %c0_i32_1 = arith.constant 0 : i32
    return %c0_i32, %c0_i32_0 : i32, i32
  }
  func.func @transform_2(%arg0: i32) -> (i32, i32) {
    %c0_i32 = arith.constant 0 : i32
    %c0_i32_0 = arith.constant 0 : i32
    %c0_i32_1 = arith.constant 0 : i32
    return %c0_i32, %c0_i32_0 : i32, i32
  }
  func.func @transform_3(%arg0: i32) -> (i32, i32) {
    %c0_i32 = arith.constant 0 : i32
    %c0_i32_0 = arith.constant 0 : i32
    %c0_i32_1 = arith.constant 0 : i32
    return %c0_i32, %c0_i32_0 : i32, i32
  }
  func.func @transform_4(%arg0: i32) -> (i32, i32) {
    %c0_i32 = arith.constant 0 : i32
    %c0_i32_0 = arith.constant 0 : i32
    return %arg0, %c0_i32 : i32, i32
  }
  func.func @transform_5(%arg0: i32) -> (i32, i32) {
    %c0_i32 = arith.constant 0 : i32
    %c0_i32_0 = arith.constant 0 : i32
    return %arg0, %c0_i32 : i32, i32
  }
}

module attributes {stable_mosaic.version = 14 : i64} {
  func.func @_round_body(%arg0: i32, %arg1: memref<400x32x16xf32, #tpu.memory_space<vmem>>, %arg2: memref<400x32x128xf32, #tpu.memory_space<vmem>>, %arg3: memref<400x128xf32, #tpu.memory_space<vmem>>, %arg4: memref<400x128xf32, #tpu.memory_space<vmem>>, %arg5: memref<16x128xf32, #tpu.memory_space<vmem>>, %arg6: memref<128x128xf32, #tpu.memory_space<vmem>>, %arg7: memref<128x128xf32, #tpu.memory_space<vmem>>, %arg8: memref<1x128xf32, #tpu.memory_space<vmem>>, %arg9: memref<128x128xf32, #tpu.memory_space<vmem>>, %arg10: memref<128x128xf32, #tpu.memory_space<vmem>>, %arg11: memref<1x128xf32, #tpu.memory_space<vmem>>, %arg12: memref<400x32x128xi8, #tpu.memory_space<vmem>>, %arg13: memref<400x128xf32, #tpu.memory_space<vmem>>, %arg14: memref<400x128xf32, #tpu.memory_space<vmem>>, %arg15: memref<400x128xf32, #tpu.memory_space<vmem>>) attributes {dimension_semantics = [#tpu.dimension_semantics<arbitrary>], iteration_bounds = array<i64: 25>, scalar_prefetch = 0 : i64, scratch_operands = 0 : i64, tpu.core_type = #tpu.core_type<tc>, window_params = [{transform_indices = @transform_0, window_bounds = array<i64: 400, 32, 16>}, {transform_indices = @transform_1, window_bounds = array<i64: 400, 32, 128>}, {transform_indices = @transform_2, window_bounds = array<i64: 400, 128>}, {transform_indices = @transform_3, window_bounds = array<i64: 400, 128>}, {pipeline_mode = #tpu.pipeline_mode<synchronous>, transform_indices = @transform_4, window_bounds = array<i64: 16, 128>}, {pipeline_mode = #tpu.pipeline_mode<synchronous>, transform_indices = @transform_5, window_bounds = array<i64: 128, 128>}, {pipeline_mode = #tpu.pipeline_mode<synchronous>, transform_indices = @transform_6, window_bounds = array<i64: 128, 128>}, {pipeline_mode = #tpu.pipeline_mode<synchronous>, transform_indices = @transform_7, window_bounds = array<i64: 1, 128>}, {pipeline_mode = #tpu.pipeline_mode<synchronous>, transform_indices = @transform_8, window_bounds = array<i64: 128, 128>}, {pipeline_mode = #tpu.pipeline_mode<synchronous>, transform_indices = @transform_9, window_bounds = array<i64: 128, 128>}, {pipeline_mode = #tpu.pipeline_mode<synchronous>, transform_indices = @transform_10, window_bounds = array<i64: 1, 128>}, {transform_indices = @transform_11, window_bounds = array<i64: 400, 32, 128>}, {transform_indices = @transform_12, window_bounds = array<i64: 400, 128>}, {transform_indices = @transform_13, window_bounds = array<i64: 400, 128>}, {transform_indices = @transform_14, window_bounds = array<i64: 400, 128>}]} {
    %get3A = arith.constant 0 : index
    %get3A_0 = arith.constant 0 : index
    %get3A_1 = arith.constant 0 : index
    %get3A_2 = vector.load %arg1[%get3A, %get3A_0, %get3A_1] : memref<400x32x16xf32, #tpu.memory_space<vmem>>, vector<400x32x16xf32>
    %reshape3A = vector.shape_cast %get3A_2 : vector<400x32x16xf32> to vector<12800x16xf32>
    %get3A_3 = arith.constant 0 : index
    %get3A_4 = arith.constant 0 : index
    %get3A_5 = vector.load %arg5[%get3A_3, %get3A_4] : memref<16x128xf32, #tpu.memory_space<vmem>>, vector<16x128xf32>
    %dot_general3A = arith.constant dense<0.000000e+00> : vector<12800x128xf32>
    %dot_general3A_6 = tpu.matmul %reshape3A, %get3A_5, %dot_general3A {dimension_numbers = #tpu.dot_dimension_numbers<[1], [0], [0], [1], [0, 0, 1, 1], [], []>, transpose_lhs_hint = false} : vector<12800x16xf32>, vector<16x128xf32>, vector<12800x128xf32> -> vector<12800x128xf32>
    %reshape3A_7 = vector.shape_cast %dot_general3A_6 : vector<12800x128xf32> to vector<400x32x128xf32>
    %get3A_8 = arith.constant 0 : index
    %get3A_9 = arith.constant 0 : index
    %get3A_10 = vector.load %arg3[%get3A_8, %get3A_9] : memref<400x128xf32, #tpu.memory_space<vmem>>, vector<400x128xf32>
    %broadcast_in_dim3A = vector.shape_cast %get3A_10 : vector<400x128xf32> to vector<400x1x128xf32>
    %get3A_11 = arith.constant 0 : index
    %get3A_12 = arith.constant 0 : index
    %get3A_13 = arith.constant 0 : index
    %get3A_14 = vector.load %arg2[%get3A_11, %get3A_12, %get3A_13] : memref<400x32x128xf32, #tpu.memory_space<vmem>>, vector<400x32x128xf32>
    %add3A = vector.broadcast %broadcast_in_dim3A : vector<400x1x128xf32> to vector<400x32x128xf32>
    %add3A_15 = arith.addf %add3A, %get3A_14 : vector<400x32x128xf32>
    %add3A_16 = arith.addf %add3A_15, %reshape3A_7 : vector<400x32x128xf32>
    %tanh3A = math.tanh %add3A_16 : vector<400x32x128xf32>
    %reduce_sum3A = arith.constant dense<0.000000e+00> : vector<400x128xf32>
    %reduce_sum3A_17 = vector.multi_reduction <add>, %tanh3A, %reduce_sum3A [1] : vector<400x32x128xf32> to vector<400x128xf32>
    %div3A = arith.constant 3.200000e+01 : f32
    %div3A_18 = vector.broadcast %div3A : f32 to vector<400x128xf32>
    %div3A_19 = arith.divf %reduce_sum3A_17, %div3A_18 : vector<400x128xf32>
    %get3A_20 = arith.constant 0 : index
    %get3A_21 = arith.constant 0 : index
    %get3A_22 = vector.load %arg6[%get3A_20, %get3A_21] : memref<128x128xf32, #tpu.memory_space<vmem>>, vector<128x128xf32>
    %dot_general3A_23 = arith.constant dense<0.000000e+00> : vector<400x128xf32>
    %dot_general3A_24 = tpu.matmul %div3A_19, %get3A_22, %dot_general3A_23 {dimension_numbers = #tpu.dot_dimension_numbers<[1], [0], [0], [1], [0, 0, 1, 1], [], []>, transpose_lhs_hint = false} : vector<400x128xf32>, vector<128x128xf32>, vector<400x128xf32> -> vector<400x128xf32>
    %get3A_25 = arith.constant 0 : index
    %get3A_26 = arith.constant 0 : index
    %get3A_27 = vector.load %arg4[%get3A_25, %get3A_26] : memref<400x128xf32, #tpu.memory_space<vmem>>, vector<400x128xf32>
    %get3A_28 = arith.constant 0 : index
    %get3A_29 = arith.constant 0 : index
    %get3A_30 = vector.load %arg7[%get3A_28, %get3A_29] : memref<128x128xf32, #tpu.memory_space<vmem>>, vector<128x128xf32>
    %dot_general3A_31 = arith.constant dense<0.000000e+00> : vector<400x128xf32>
    %dot_general3A_32 = tpu.matmul %get3A_27, %get3A_30, %dot_general3A_31 {dimension_numbers = #tpu.dot_dimension_numbers<[1], [0], [0], [1], [0, 0, 1, 1], [], []>, transpose_lhs_hint = false} : vector<400x128xf32>, vector<128x128xf32>, vector<400x128xf32> -> vector<400x128xf32>
    %add3A_33 = arith.addf %dot_general3A_24, %dot_general3A_32 : vector<400x128xf32>
    %get3A_34 = arith.constant 0 : index
    %get3A_35 = arith.constant 0 : index
    %get3A_36 = vector.load %arg8[%get3A_34, %get3A_35] : memref<1x128xf32, #tpu.memory_space<vmem>>, vector<1x128xf32>
    %add3A_37 = vector.broadcast %get3A_36 : vector<1x128xf32> to vector<400x128xf32>
    %add3A_38 = arith.addf %add3A_33, %add3A_37 : vector<400x128xf32>
    %max3A = arith.constant 0.000000e+00 : f32
    %max3A_39 = vector.broadcast %max3A : f32 to vector<400x128xf32>
    %max3A_40 = arith.maximumf %add3A_38, %max3A_39 : vector<400x128xf32>
    %mul3A = arith.constant 1.270000e+02 : f32
    %mul3A_41 = vector.broadcast %mul3A : f32 to vector<400x32x128xf32>
    %mul3A_42 = arith.mulf %tanh3A, %mul3A_41 : vector<400x32x128xf32>
    %round3A = math.roundeven %mul3A_42 : vector<400x32x128xf32>
    %convert_element_type3A = arith.fptosi %round3A : vector<400x32x128xf32> to vector<400x32x128xi8>
    %swap3A = arith.constant 0 : index
    %swap3A_43 = arith.constant 0 : index
    %swap3A_44 = arith.constant 0 : index
    %swap3A_45 = vector.load %arg12[%swap3A, %swap3A_43, %swap3A_44] : memref<400x32x128xi8, #tpu.memory_space<vmem>>, vector<400x32x128xi8>
    tpu.vector_store %arg12[%swap3A, %swap3A_43, %swap3A_44], %convert_element_type3A {strides = array<i32>} : memref<400x32x128xi8, #tpu.memory_space<vmem>>, vector<400x32x128xi8>,
    %swap3A_46 = arith.constant 0 : index
    %swap3A_47 = arith.constant 0 : index
    %swap3A_48 = vector.load %arg13[%swap3A_46, %swap3A_47] : memref<400x128xf32, #tpu.memory_space<vmem>>, vector<400x128xf32>
    tpu.vector_store %arg13[%swap3A_46, %swap3A_47], %max3A_40 {strides = array<i32>} : memref<400x128xf32, #tpu.memory_space<vmem>>, vector<400x128xf32>,
    %get3A_49 = arith.constant 0 : index
    %get3A_50 = arith.constant 0 : index
    %get3A_51 = vector.load %arg9[%get3A_49, %get3A_50] : memref<128x128xf32, #tpu.memory_space<vmem>>, vector<128x128xf32>
    %dot_general3A_52 = arith.constant dense<0.000000e+00> : vector<400x128xf32>
    %dot_general3A_53 = tpu.matmul %max3A_40, %get3A_51, %dot_general3A_52 {dimension_numbers = #tpu.dot_dimension_numbers<[1], [0], [0], [1], [0, 0, 1, 1], [], []>, transpose_lhs_hint = false} : vector<400x128xf32>, vector<128x128xf32>, vector<400x128xf32> -> vector<400x128xf32>
    %get3A_54 = arith.constant 0 : index
    %get3A_55 = arith.constant 0 : index
    %get3A_56 = vector.load %arg11[%get3A_54, %get3A_55] : memref<1x128xf32, #tpu.memory_space<vmem>>, vector<1x128xf32>
    %add3A_57 = vector.broadcast %get3A_56 : vector<1x128xf32> to vector<400x128xf32>
    %add3A_58 = arith.addf %dot_general3A_53, %add3A_57 : vector<400x128xf32>
    %swap3A_59 = arith.constant 0 : index
    %swap3A_60 = arith.constant 0 : index
    %swap3A_61 = vector.load %arg14[%swap3A_59, %swap3A_60] : memref<400x128xf32, #tpu.memory_space<vmem>>, vector<400x128xf32>
    tpu.vector_store %arg14[%swap3A_59, %swap3A_60], %add3A_58 {strides = array<i32>} : memref<400x128xf32, #tpu.memory_space<vmem>>, vector<400x128xf32>,
    %get3A_62 = arith.constant 0 : index
    %get3A_63 = arith.constant 0 : index
    %get3A_64 = vector.load %arg10[%get3A_62, %get3A_63] : memref<128x128xf32, #tpu.memory_space<vmem>>, vector<128x128xf32>
    %dot_general3A_65 = arith.constant dense<0.000000e+00> : vector<400x128xf32>
    %dot_general3A_66 = tpu.matmul %max3A_40, %get3A_64, %dot_general3A_65 {dimension_numbers = #tpu.dot_dimension_numbers<[1], [0], [0], [1], [0, 0, 1, 1], [], []>, transpose_lhs_hint = false} : vector<400x128xf32>, vector<128x128xf32>, vector<400x128xf32> -> vector<400x128xf32>
    %swap3A_67 = arith.constant 0 : index
    %swap3A_68 = arith.constant 0 : index
    %swap3A_69 = vector.load %arg15[%swap3A_67, %swap3A_68] : memref<400x128xf32, #tpu.memory_space<vmem>>, vector<400x128xf32>
    tpu.vector_store %arg15[%swap3A_67, %swap3A_68], %dot_general3A_66 {strides = array<i32>} : memref<400x128xf32, #tpu.memory_space<vmem>>, vector<400x128xf32>,
    return
  }
  func.func @transform_0(%arg0: i32) -> (i32, i32, i32) {
    %add3A = arith.constant 0 : i32
    %add3A_0 = arith.addi %arg0, %add3A : i32
    %c0_i32 = arith.constant 0 : i32
    %c0_i32_1 = arith.constant 0 : i32
    %c0_i32_2 = arith.constant 0 : i32
    return %add3A_0, %c0_i32, %c0_i32_1 : i32, i32, i32
  }
  func.func @transform_1(%arg0: i32) -> (i32, i32, i32) {
    %c0_i32 = arith.constant 0 : i32
    %c0_i32_0 = arith.constant 0 : i32
    %c0_i32_1 = arith.constant 0 : i32
    return %arg0, %c0_i32, %c0_i32_0 : i32, i32, i32
  }
  func.func @transform_2(%arg0: i32) -> (i32, i32) {
    %add3A = arith.constant 0 : i32
    %add3A_0 = arith.addi %arg0, %add3A : i32
    %c0_i32 = arith.constant 0 : i32
    %c0_i32_1 = arith.constant 0 : i32
    return %add3A_0, %c0_i32 : i32, i32
  }
  func.func @transform_3(%arg0: i32) -> (i32, i32) {
    %add3A = arith.constant 0 : i32
    %add3A_0 = arith.addi %arg0, %add3A : i32
    %c0_i32 = arith.constant 0 : i32
    %c0_i32_1 = arith.constant 0 : i32
    return %add3A_0, %c0_i32 : i32, i32
  }
  func.func @transform_4(%arg0: i32) -> (i32, i32) {
    %c0_i32 = arith.constant 0 : i32
    %c0_i32_0 = arith.constant 0 : i32
    %c0_i32_1 = arith.constant 0 : i32
    return %c0_i32, %c0_i32_0 : i32, i32
  }
  func.func @transform_5(%arg0: i32) -> (i32, i32) {
    %c0_i32 = arith.constant 0 : i32
    %c0_i32_0 = arith.constant 0 : i32
    %c0_i32_1 = arith.constant 0 : i32
    return %c0_i32, %c0_i32_0 : i32, i32
  }
  func.func @transform_6(%arg0: i32) -> (i32, i32) {
    %c0_i32 = arith.constant 0 : i32
    %c0_i32_0 = arith.constant 0 : i32
    %c0_i32_1 = arith.constant 0 : i32
    return %c0_i32, %c0_i32_0 : i32, i32
  }
  func.func @transform_7(%arg0: i32) -> (i32, i32) {
    %c0_i32 = arith.constant 0 : i32
    %c0_i32_0 = arith.constant 0 : i32
    %c0_i32_1 = arith.constant 0 : i32
    return %c0_i32, %c0_i32_0 : i32, i32
  }
  func.func @transform_8(%arg0: i32) -> (i32, i32) {
    %c0_i32 = arith.constant 0 : i32
    %c0_i32_0 = arith.constant 0 : i32
    %c0_i32_1 = arith.constant 0 : i32
    return %c0_i32, %c0_i32_0 : i32, i32
  }
  func.func @transform_9(%arg0: i32) -> (i32, i32) {
    %c0_i32 = arith.constant 0 : i32
    %c0_i32_0 = arith.constant 0 : i32
    %c0_i32_1 = arith.constant 0 : i32
    return %c0_i32, %c0_i32_0 : i32, i32
  }
  func.func @transform_10(%arg0: i32) -> (i32, i32) {
    %c0_i32 = arith.constant 0 : i32
    %c0_i32_0 = arith.constant 0 : i32
    %c0_i32_1 = arith.constant 0 : i32
    return %c0_i32, %c0_i32_0 : i32, i32
  }
  func.func @transform_11(%arg0: i32) -> (i32, i32, i32) {
    %c0_i32 = arith.constant 0 : i32
    %c0_i32_0 = arith.constant 0 : i32
    %c0_i32_1 = arith.constant 0 : i32
    return %arg0, %c0_i32, %c0_i32_0 : i32, i32, i32
  }
  func.func @transform_12(%arg0: i32) -> (i32, i32) {
    %c0_i32 = arith.constant 0 : i32
    %c0_i32_0 = arith.constant 0 : i32
    return %arg0, %c0_i32 : i32, i32
  }
  func.func @transform_13(%arg0: i32) -> (i32, i32) {
    %c0_i32 = arith.constant 0 : i32
    %c0_i32_0 = arith.constant 0 : i32
    return %arg0, %c0_i32 : i32, i32
  }
  func.func @transform_14(%arg0: i32) -> (i32, i32) {
    %c0_i32 = arith.constant 0 : i32
    %c0_i32_0 = arith.constant 0 : i32
    return %arg0, %c0_i32 : i32, i32
  }
}

module attributes {stable_mosaic.version = 14 : i64} {
  func.func @_last_body(%arg0: i32, %arg1: memref<400x32x128xi8, #tpu.memory_space<vmem>>, %arg2: memref<400x32x128xf32, #tpu.memory_space<vmem>>, %arg3: memref<400x128xf32, #tpu.memory_space<vmem>>, %arg4: memref<400x128xf32, #tpu.memory_space<vmem>>, %arg5: memref<128x128xbf16, #tpu.memory_space<vmem>>, %arg6: memref<128x128xf32, #tpu.memory_space<vmem>>, %arg7: memref<128x128xf32, #tpu.memory_space<vmem>>, %arg8: memref<1x128xf32, #tpu.memory_space<vmem>>, %arg9: memref<128x128xf32, #tpu.memory_space<vmem>>, %arg10: memref<1x128xf32, #tpu.memory_space<vmem>>, %arg11: memref<400x1xf32, #tpu.memory_space<vmem>>) attributes {dimension_semantics = [#tpu.dimension_semantics<arbitrary>], iteration_bounds = array<i64: 25>, scalar_prefetch = 0 : i64, scratch_operands = 0 : i64, tpu.core_type = #tpu.core_type<tc>, window_params = [{transform_indices = @transform_0, window_bounds = array<i64: 400, 32, 128>}, {transform_indices = @transform_1, window_bounds = array<i64: 400, 32, 128>}, {transform_indices = @transform_2, window_bounds = array<i64: 400, 128>}, {transform_indices = @transform_3, window_bounds = array<i64: 400, 128>}, {pipeline_mode = #tpu.pipeline_mode<synchronous>, transform_indices = @transform_4, window_bounds = array<i64: 128, 128>}, {pipeline_mode = #tpu.pipeline_mode<synchronous>, transform_indices = @transform_5, window_bounds = array<i64: 128, 128>}, {pipeline_mode = #tpu.pipeline_mode<synchronous>, transform_indices = @transform_6, window_bounds = array<i64: 128, 128>}, {pipeline_mode = #tpu.pipeline_mode<synchronous>, transform_indices = @transform_7, window_bounds = array<i64: 1, 128>}, {pipeline_mode = #tpu.pipeline_mode<synchronous>, transform_indices = @transform_8, window_bounds = array<i64: 128, 128>}, {pipeline_mode = #tpu.pipeline_mode<synchronous>, transform_indices = @transform_9, window_bounds = array<i64: 1, 128>}, {transform_indices = @transform_10, window_bounds = array<i64: 400, 1>}]} {
    %get3A = arith.constant 0 : index
    %get3A_0 = arith.constant 0 : index
    %get3A_1 = arith.constant 0 : index
    %get3A_2 = vector.load %arg1[%get3A, %get3A_0, %get3A_1] : memref<400x32x128xi8, #tpu.memory_space<vmem>>, vector<400x32x128xi8>
    %reshape3A = vector.shape_cast %get3A_2 : vector<400x32x128xi8> to vector<12800x128xi8>
    %convert_element_type3A = arith.sitofp %reshape3A : vector<12800x128xi8> to vector<12800x128xbf16>
    %get3A_3 = arith.constant 0 : index
    %get3A_4 = arith.constant 0 : index
    %get3A_5 = vector.load %arg5[%get3A_3, %get3A_4] : memref<128x128xbf16, #tpu.memory_space<vmem>>, vector<128x128xbf16>
    %dot_general3A = arith.constant dense<0.000000e+00> : vector<12800x128xf32>
    %dot_general3A_6 = tpu.matmul %convert_element_type3A, %get3A_5, %dot_general3A {dimension_numbers = #tpu.dot_dimension_numbers<[1], [0], [0], [1], [0, 0, 1, 1], [], []>, transpose_lhs_hint = false} : vector<12800x128xbf16>, vector<128x128xbf16>, vector<12800x128xf32> -> vector<12800x128xf32>
    %reshape3A_7 = vector.shape_cast %dot_general3A_6 : vector<12800x128xf32> to vector<400x32x128xf32>
    %get3A_8 = arith.constant 0 : index
    %get3A_9 = arith.constant 0 : index
    %get3A_10 = vector.load %arg3[%get3A_8, %get3A_9] : memref<400x128xf32, #tpu.memory_space<vmem>>, vector<400x128xf32>
    %broadcast_in_dim3A = vector.shape_cast %get3A_10 : vector<400x128xf32> to vector<400x1x128xf32>
    %get3A_11 = arith.constant 0 : index
    %get3A_12 = arith.constant 0 : index
    %get3A_13 = arith.constant 0 : index
    %get3A_14 = vector.load %arg2[%get3A_11, %get3A_12, %get3A_13] : memref<400x32x128xf32, #tpu.memory_space<vmem>>, vector<400x32x128xf32>
    %add3A = vector.broadcast %broadcast_in_dim3A : vector<400x1x128xf32> to vector<400x32x128xf32>
    %add3A_15 = arith.addf %add3A, %get3A_14 : vector<400x32x128xf32>
    %add3A_16 = arith.addf %add3A_15, %reshape3A_7 : vector<400x32x128xf32>
    %tanh3A = math.tanh %add3A_16 : vector<400x32x128xf32>
    %reduce_sum3A = arith.constant dense<0.000000e+00> : vector<400x128xf32>
    %reduce_sum3A_17 = vector.multi_reduction <add>, %tanh3A, %reduce_sum3A [1] : vector<400x32x128xf32> to vector<400x128xf32>
    %div3A = arith.constant 3.200000e+01 : f32
    %div3A_18 = vector.broadcast %div3A : f32 to vector<400x128xf32>
    %div3A_19 = arith.divf %reduce_sum3A_17, %div3A_18 : vector<400x128xf32>
    %get3A_20 = arith.constant 0 : index
    %get3A_21 = arith.constant 0 : index
    %get3A_22 = vector.load %arg6[%get3A_20, %get3A_21] : memref<128x128xf32, #tpu.memory_space<vmem>>, vector<128x128xf32>
    %dot_general3A_23 = arith.constant dense<0.000000e+00> : vector<400x128xf32>
    %dot_general3A_24 = tpu.matmul %div3A_19, %get3A_22, %dot_general3A_23 {dimension_numbers = #tpu.dot_dimension_numbers<[1], [0], [0], [1], [0, 0, 1, 1], [], []>, transpose_lhs_hint = false} : vector<400x128xf32>, vector<128x128xf32>, vector<400x128xf32> -> vector<400x128xf32>
    %get3A_25 = arith.constant 0 : index
    %get3A_26 = arith.constant 0 : index
    %get3A_27 = vector.load %arg4[%get3A_25, %get3A_26] : memref<400x128xf32, #tpu.memory_space<vmem>>, vector<400x128xf32>
    %get3A_28 = arith.constant 0 : index
    %get3A_29 = arith.constant 0 : index
    %get3A_30 = vector.load %arg7[%get3A_28, %get3A_29] : memref<128x128xf32, #tpu.memory_space<vmem>>, vector<128x128xf32>
    %dot_general3A_31 = arith.constant dense<0.000000e+00> : vector<400x128xf32>
    %dot_general3A_32 = tpu.matmul %get3A_27, %get3A_30, %dot_general3A_31 {dimension_numbers = #tpu.dot_dimension_numbers<[1], [0], [0], [1], [0, 0, 1, 1], [], []>, transpose_lhs_hint = false} : vector<400x128xf32>, vector<128x128xf32>, vector<400x128xf32> -> vector<400x128xf32>
    %add3A_33 = arith.addf %dot_general3A_24, %dot_general3A_32 : vector<400x128xf32>
    %get3A_34 = arith.constant 0 : index
    %get3A_35 = arith.constant 0 : index
    %get3A_36 = vector.load %arg8[%get3A_34, %get3A_35] : memref<1x128xf32, #tpu.memory_space<vmem>>, vector<1x128xf32>
    %add3A_37 = vector.broadcast %get3A_36 : vector<1x128xf32> to vector<400x128xf32>
    %add3A_38 = arith.addf %add3A_33, %add3A_37 : vector<400x128xf32>
    %max3A = arith.constant 0.000000e+00 : f32
    %max3A_39 = vector.broadcast %max3A : f32 to vector<400x128xf32>
    %max3A_40 = arith.maximumf %add3A_38, %max3A_39 : vector<400x128xf32>
    %get3A_41 = arith.constant 0 : index
    %get3A_42 = arith.constant 0 : index
    %get3A_43 = vector.load %arg9[%get3A_41, %get3A_42] : memref<128x128xf32, #tpu.memory_space<vmem>>, vector<128x128xf32>
    %dot_general3A_44 = arith.constant dense<0.000000e+00> : vector<400x128xf32>
    %dot_general3A_45 = tpu.matmul %max3A_40, %get3A_43, %dot_general3A_44 {dimension_numbers = #tpu.dot_dimension_numbers<[1], [0], [0], [1], [0, 0, 1, 1], [], []>, transpose_lhs_hint = false} : vector<400x128xf32>, vector<128x128xf32>, vector<400x128xf32> -> vector<400x128xf32>
    %get3A_46 = arith.constant 0 : index
    %get3A_47 = arith.constant 0 : index
    %get3A_48 = vector.load %arg10[%get3A_46, %get3A_47] : memref<1x128xf32, #tpu.memory_space<vmem>>, vector<1x128xf32>
    %add3A_49 = vector.broadcast %get3A_48 : vector<1x128xf32> to vector<400x128xf32>
    %add3A_50 = arith.addf %dot_general3A_45, %add3A_49 : vector<400x128xf32>
    %max3A_51 = arith.constant 0.000000e+00 : f32
    %max3A_52 = vector.broadcast %max3A_51 : f32 to vector<400x128xf32>
    %max3A_53 = arith.maximumf %add3A_50, %max3A_52 : vector<400x128xf32>
    %abs3A = math.absf %add3A_50 : vector<400x128xf32>
    %neg3A = arith.constant 0.000000e+00 : f32
    %neg3A_54 = vector.broadcast %neg3A : f32 to vector<400x128xf32>
    %neg3A_55 = arith.subf %neg3A_54, %abs3A : vector<400x128xf32>
    %exp3A = math.exp %neg3A_55 : vector<400x128xf32>
    %log1p3A = math.log1p %exp3A : vector<400x128xf32>
    %add3A_56 = arith.addf %max3A_53, %log1p3A : vector<400x128xf32>
    %slice3A = vector.extract_strided_slice %add3A_56 {offsets = [0, 0], sizes = [400, 1], strides = [1, 1]} : vector<400x128xf32> to vector<400x1xf32>
    %swap3A = arith.constant 0 : index
    %swap3A_57 = arith.constant 0 : index
    %swap3A_58 = vector.load %arg11[%swap3A, %swap3A_57] : memref<400x1xf32, #tpu.memory_space<vmem>>, vector<400x1xf32>
    tpu.vector_store %arg11[%swap3A, %swap3A_57], %slice3A {strides = array<i32>} : memref<400x1xf32, #tpu.memory_space<vmem>>, vector<400x1xf32>,
    return
  }
  func.func @transform_0(%arg0: i32) -> (i32, i32, i32) {
    %add3A = arith.constant 0 : i32
    %add3A_0 = arith.addi %arg0, %add3A : i32
    %c0_i32 = arith.constant 0 : i32
    %c0_i32_1 = arith.constant 0 : i32
    %c0_i32_2 = arith.constant 0 : i32
    return %add3A_0, %c0_i32, %c0_i32_1 : i32, i32, i32
  }
  func.func @transform_1(%arg0: i32) -> (i32, i32, i32) {
    %c0_i32 = arith.constant 0 : i32
    %c0_i32_0 = arith.constant 0 : i32
    %c0_i32_1 = arith.constant 0 : i32
    return %arg0, %c0_i32, %c0_i32_0 : i32, i32, i32
  }
  func.func @transform_2(%arg0: i32) -> (i32, i32) {
    %add3A = arith.constant 0 : i32
    %add3A_0 = arith.addi %arg0, %add3A : i32
    %c0_i32 = arith.constant 0 : i32
    %c0_i32_1 = arith.constant 0 : i32
    return %add3A_0, %c0_i32 : i32, i32
  }
  func.func @transform_3(%arg0: i32) -> (i32, i32) {
    %add3A = arith.constant 0 : i32
    %add3A_0 = arith.addi %arg0, %add3A : i32
    %c0_i32 = arith.constant 0 : i32
    %c0_i32_1 = arith.constant 0 : i32
    return %add3A_0, %c0_i32 : i32, i32
  }
  func.func @transform_4(%arg0: i32) -> (i32, i32) {
    %c0_i32 = arith.constant 0 : i32
    %c0_i32_0 = arith.constant 0 : i32
    %c0_i32_1 = arith.constant 0 : i32
    return %c0_i32, %c0_i32_0 : i32, i32
  }
  func.func @transform_5(%arg0: i32) -> (i32, i32) {
    %c0_i32 = arith.constant 0 : i32
    %c0_i32_0 = arith.constant 0 : i32
    %c0_i32_1 = arith.constant 0 : i32
    return %c0_i32, %c0_i32_0 : i32, i32
  }
  func.func @transform_6(%arg0: i32) -> (i32, i32) {
    %c0_i32 = arith.constant 0 : i32
    %c0_i32_0 = arith.constant 0 : i32
    %c0_i32_1 = arith.constant 0 : i32
    return %c0_i32, %c0_i32_0 : i32, i32
  }
  func.func @transform_7(%arg0: i32) -> (i32, i32) {
    %c0_i32 = arith.constant 0 : i32
    %c0_i32_0 = arith.constant 0 : i32
    %c0_i32_1 = arith.constant 0 : i32
    return %c0_i32, %c0_i32_0 : i32, i32
  }
  func.func @transform_8(%arg0: i32) -> (i32, i32) {
    %c0_i32 = arith.constant 0 : i32
    %c0_i32_0 = arith.constant 0 : i32
    %c0_i32_1 = arith.constant 0 : i32
    return %c0_i32, %c0_i32_0 : i32, i32
  }
  func.func @transform_9(%arg0: i32) -> (i32, i32) {
    %c0_i32 = arith.constant 0 : i32
    %c0_i32_0 = arith.constant 0 : i32
    %c0_i32_1 = arith.constant 0 : i32
    return %c0_i32, %c0_i32_0 : i32, i32
  }
  func.func @transform_10(%arg0: i32) -> (i32, i32) {
    %c0_i32 = arith.constant 0 : i32
    %c0_i32_0 = arith.constant 0 : i32
    return %arg0, %c0_i32 : i32, i32
  }
}

module attributes {stable_mosaic.version = 14 : i64} {
  func.func @_round_body(%arg0: i32, %arg1: memref<400x32x128xi8, #tpu.memory_space<vmem>>, %arg2: memref<400x32x128xf32, #tpu.memory_space<vmem>>, %arg3: memref<400x128xf32, #tpu.memory_space<vmem>>, %arg4: memref<400x128xf32, #tpu.memory_space<vmem>>, %arg5: memref<128x128xbf16, #tpu.memory_space<vmem>>, %arg6: memref<128x128xf32, #tpu.memory_space<vmem>>, %arg7: memref<128x128xf32, #tpu.memory_space<vmem>>, %arg8: memref<1x128xf32, #tpu.memory_space<vmem>>, %arg9: memref<128x128xf32, #tpu.memory_space<vmem>>, %arg10: memref<128x128xf32, #tpu.memory_space<vmem>>, %arg11: memref<1x128xf32, #tpu.memory_space<vmem>>, %arg12: memref<400x32x128xi8, #tpu.memory_space<vmem>>, %arg13: memref<400x128xf32, #tpu.memory_space<vmem>>, %arg14: memref<400x128xf32, #tpu.memory_space<vmem>>, %arg15: memref<400x128xf32, #tpu.memory_space<vmem>>) attributes {dimension_semantics = [#tpu.dimension_semantics<arbitrary>], iteration_bounds = array<i64: 25>, scalar_prefetch = 0 : i64, scratch_operands = 0 : i64, tpu.core_type = #tpu.core_type<tc>, window_params = [{transform_indices = @transform_0, window_bounds = array<i64: 400, 32, 128>}, {transform_indices = @transform_1, window_bounds = array<i64: 400, 32, 128>}, {transform_indices = @transform_2, window_bounds = array<i64: 400, 128>}, {transform_indices = @transform_3, window_bounds = array<i64: 400, 128>}, {pipeline_mode = #tpu.pipeline_mode<synchronous>, transform_indices = @transform_4, window_bounds = array<i64: 128, 128>}, {pipeline_mode = #tpu.pipeline_mode<synchronous>, transform_indices = @transform_5, window_bounds = array<i64: 128, 128>}, {pipeline_mode = #tpu.pipeline_mode<synchronous>, transform_indices = @transform_6, window_bounds = array<i64: 128, 128>}, {pipeline_mode = #tpu.pipeline_mode<synchronous>, transform_indices = @transform_7, window_bounds = array<i64: 1, 128>}, {pipeline_mode = #tpu.pipeline_mode<synchronous>, transform_indices = @transform_8, window_bounds = array<i64: 128, 128>}, {pipeline_mode = #tpu.pipeline_mode<synchronous>, transform_indices = @transform_9, window_bounds = array<i64: 128, 128>}, {pipeline_mode = #tpu.pipeline_mode<synchronous>, transform_indices = @transform_10, window_bounds = array<i64: 1, 128>}, {transform_indices = @transform_11, window_bounds = array<i64: 400, 32, 128>}, {transform_indices = @transform_12, window_bounds = array<i64: 400, 128>}, {transform_indices = @transform_13, window_bounds = array<i64: 400, 128>}, {transform_indices = @transform_14, window_bounds = array<i64: 400, 128>}]} {
    %get3A = arith.constant 0 : index
    %get3A_0 = arith.constant 0 : index
    %get3A_1 = arith.constant 0 : index
    %get3A_2 = vector.load %arg1[%get3A, %get3A_0, %get3A_1] : memref<400x32x128xi8, #tpu.memory_space<vmem>>, vector<400x32x128xi8>
    %reshape3A = vector.shape_cast %get3A_2 : vector<400x32x128xi8> to vector<12800x128xi8>
    %convert_element_type3A = arith.sitofp %reshape3A : vector<12800x128xi8> to vector<12800x128xbf16>
    %get3A_3 = arith.constant 0 : index
    %get3A_4 = arith.constant 0 : index
    %get3A_5 = vector.load %arg5[%get3A_3, %get3A_4] : memref<128x128xbf16, #tpu.memory_space<vmem>>, vector<128x128xbf16>
    %dot_general3A = arith.constant dense<0.000000e+00> : vector<12800x128xf32>
    %dot_general3A_6 = tpu.matmul %convert_element_type3A, %get3A_5, %dot_general3A {dimension_numbers = #tpu.dot_dimension_numbers<[1], [0], [0], [1], [0, 0, 1, 1], [], []>, transpose_lhs_hint = false} : vector<12800x128xbf16>, vector<128x128xbf16>, vector<12800x128xf32> -> vector<12800x128xf32>
    %reshape3A_7 = vector.shape_cast %dot_general3A_6 : vector<12800x128xf32> to vector<400x32x128xf32>
    %get3A_8 = arith.constant 0 : index
    %get3A_9 = arith.constant 0 : index
    %get3A_10 = vector.load %arg3[%get3A_8, %get3A_9] : memref<400x128xf32, #tpu.memory_space<vmem>>, vector<400x128xf32>
    %broadcast_in_dim3A = vector.shape_cast %get3A_10 : vector<400x128xf32> to vector<400x1x128xf32>
    %get3A_11 = arith.constant 0 : index
    %get3A_12 = arith.constant 0 : index
    %get3A_13 = arith.constant 0 : index
    %get3A_14 = vector.load %arg2[%get3A_11, %get3A_12, %get3A_13] : memref<400x32x128xf32, #tpu.memory_space<vmem>>, vector<400x32x128xf32>
    %add3A = vector.broadcast %broadcast_in_dim3A : vector<400x1x128xf32> to vector<400x32x128xf32>
    %add3A_15 = arith.addf %add3A, %get3A_14 : vector<400x32x128xf32>
    %add3A_16 = arith.addf %add3A_15, %reshape3A_7 : vector<400x32x128xf32>
    %tanh3A = math.tanh %add3A_16 : vector<400x32x128xf32>
    %reduce_sum3A = arith.constant dense<0.000000e+00> : vector<400x128xf32>
    %reduce_sum3A_17 = vector.multi_reduction <add>, %tanh3A, %reduce_sum3A [1] : vector<400x32x128xf32> to vector<400x128xf32>
    %div3A = arith.constant 3.200000e+01 : f32
    %div3A_18 = vector.broadcast %div3A : f32 to vector<400x128xf32>
    %div3A_19 = arith.divf %reduce_sum3A_17, %div3A_18 : vector<400x128xf32>
    %get3A_20 = arith.constant 0 : index
    %get3A_21 = arith.constant 0 : index
    %get3A_22 = vector.load %arg6[%get3A_20, %get3A_21] : memref<128x128xf32, #tpu.memory_space<vmem>>, vector<128x128xf32>
    %dot_general3A_23 = arith.constant dense<0.000000e+00> : vector<400x128xf32>
    %dot_general3A_24 = tpu.matmul %div3A_19, %get3A_22, %dot_general3A_23 {dimension_numbers = #tpu.dot_dimension_numbers<[1], [0], [0], [1], [0, 0, 1, 1], [], []>, transpose_lhs_hint = false} : vector<400x128xf32>, vector<128x128xf32>, vector<400x128xf32> -> vector<400x128xf32>
    %get3A_25 = arith.constant 0 : index
    %get3A_26 = arith.constant 0 : index
    %get3A_27 = vector.load %arg4[%get3A_25, %get3A_26] : memref<400x128xf32, #tpu.memory_space<vmem>>, vector<400x128xf32>
    %get3A_28 = arith.constant 0 : index
    %get3A_29 = arith.constant 0 : index
    %get3A_30 = vector.load %arg7[%get3A_28, %get3A_29] : memref<128x128xf32, #tpu.memory_space<vmem>>, vector<128x128xf32>
    %dot_general3A_31 = arith.constant dense<0.000000e+00> : vector<400x128xf32>
    %dot_general3A_32 = tpu.matmul %get3A_27, %get3A_30, %dot_general3A_31 {dimension_numbers = #tpu.dot_dimension_numbers<[1], [0], [0], [1], [0, 0, 1, 1], [], []>, transpose_lhs_hint = false} : vector<400x128xf32>, vector<128x128xf32>, vector<400x128xf32> -> vector<400x128xf32>
    %add3A_33 = arith.addf %dot_general3A_24, %dot_general3A_32 : vector<400x128xf32>
    %get3A_34 = arith.constant 0 : index
    %get3A_35 = arith.constant 0 : index
    %get3A_36 = vector.load %arg8[%get3A_34, %get3A_35] : memref<1x128xf32, #tpu.memory_space<vmem>>, vector<1x128xf32>
    %add3A_37 = vector.broadcast %get3A_36 : vector<1x128xf32> to vector<400x128xf32>
    %add3A_38 = arith.addf %add3A_33, %add3A_37 : vector<400x128xf32>
    %max3A = arith.constant 0.000000e+00 : f32
    %max3A_39 = vector.broadcast %max3A : f32 to vector<400x128xf32>
    %max3A_40 = arith.maximumf %add3A_38, %max3A_39 : vector<400x128xf32>
    %mul3A = arith.constant 1.270000e+02 : f32
    %mul3A_41 = vector.broadcast %mul3A : f32 to vector<400x32x128xf32>
    %mul3A_42 = arith.mulf %tanh3A, %mul3A_41 : vector<400x32x128xf32>
    %round3A = math.roundeven %mul3A_42 : vector<400x32x128xf32>
    %convert_element_type3A_43 = arith.fptosi %round3A : vector<400x32x128xf32> to vector<400x32x128xi8>
    %swap3A = arith.constant 0 : index
    %swap3A_44 = arith.constant 0 : index
    %swap3A_45 = arith.constant 0 : index
    %swap3A_46 = vector.load %arg12[%swap3A, %swap3A_44, %swap3A_45] : memref<400x32x128xi8, #tpu.memory_space<vmem>>, vector<400x32x128xi8>
    tpu.vector_store %arg12[%swap3A, %swap3A_44, %swap3A_45], %convert_element_type3A_43 {strides = array<i32>} : memref<400x32x128xi8, #tpu.memory_space<vmem>>, vector<400x32x128xi8>,
    %swap3A_47 = arith.constant 0 : index
    %swap3A_48 = arith.constant 0 : index
    %swap3A_49 = vector.load %arg13[%swap3A_47, %swap3A_48] : memref<400x128xf32, #tpu.memory_space<vmem>>, vector<400x128xf32>
    tpu.vector_store %arg13[%swap3A_47, %swap3A_48], %max3A_40 {strides = array<i32>} : memref<400x128xf32, #tpu.memory_space<vmem>>, vector<400x128xf32>,
    %get3A_50 = arith.constant 0 : index
    %get3A_51 = arith.constant 0 : index
    %get3A_52 = vector.load %arg9[%get3A_50, %get3A_51] : memref<128x128xf32, #tpu.memory_space<vmem>>, vector<128x128xf32>
    %dot_general3A_53 = arith.constant dense<0.000000e+00> : vector<400x128xf32>
    %dot_general3A_54 = tpu.matmul %max3A_40, %get3A_52, %dot_general3A_53 {dimension_numbers = #tpu.dot_dimension_numbers<[1], [0], [0], [1], [0, 0, 1, 1], [], []>, transpose_lhs_hint = false} : vector<400x128xf32>, vector<128x128xf32>, vector<400x128xf32> -> vector<400x128xf32>
    %get3A_55 = arith.constant 0 : index
    %get3A_56 = arith.constant 0 : index
    %get3A_57 = vector.load %arg11[%get3A_55, %get3A_56] : memref<1x128xf32, #tpu.memory_space<vmem>>, vector<1x128xf32>
    %add3A_58 = vector.broadcast %get3A_57 : vector<1x128xf32> to vector<400x128xf32>
    %add3A_59 = arith.addf %dot_general3A_54, %add3A_58 : vector<400x128xf32>
    %swap3A_60 = arith.constant 0 : index
    %swap3A_61 = arith.constant 0 : index
    %swap3A_62 = vector.load %arg14[%swap3A_60, %swap3A_61] : memref<400x128xf32, #tpu.memory_space<vmem>>, vector<400x128xf32>
    tpu.vector_store %arg14[%swap3A_60, %swap3A_61], %add3A_59 {strides = array<i32>} : memref<400x128xf32, #tpu.memory_space<vmem>>, vector<400x128xf32>,
    %get3A_63 = arith.constant 0 : index
    %get3A_64 = arith.constant 0 : index
    %get3A_65 = vector.load %arg10[%get3A_63, %get3A_64] : memref<128x128xf32, #tpu.memory_space<vmem>>, vector<128x128xf32>
    %dot_general3A_66 = arith.constant dense<0.000000e+00> : vector<400x128xf32>
    %dot_general3A_67 = tpu.matmul %max3A_40, %get3A_65, %dot_general3A_66 {dimension_numbers = #tpu.dot_dimension_numbers<[1], [0], [0], [1], [0, 0, 1, 1], [], []>, transpose_lhs_hint = false} : vector<400x128xf32>, vector<128x128xf32>, vector<400x128xf32> -> vector<400x128xf32>
    %swap3A_68 = arith.constant 0 : index
    %swap3A_69 = arith.constant 0 : index
    %swap3A_70 = vector.load %arg15[%swap3A_68, %swap3A_69] : memref<400x128xf32, #tpu.memory_space<vmem>>, vector<400x128xf32>
    tpu.vector_store %arg15[%swap3A_68, %swap3A_69], %dot_general3A_67 {strides = array<i32>} : memref<400x128xf32, #tpu.memory_space<vmem>>, vector<400x128xf32>,
    return
  }
  func.func @transform_0(%arg0: i32) -> (i32, i32, i32) {
    %add3A = arith.constant 0 : i32
    %add3A_0 = arith.addi %arg0, %add3A : i32
    %c0_i32 = arith.constant 0 : i32
    %c0_i32_1 = arith.constant 0 : i32
    %c0_i32_2 = arith.constant 0 : i32
    return %add3A_0, %c0_i32, %c0_i32_1 : i32, i32, i32
  }
  func.func @transform_1(%arg0: i32) -> (i32, i32, i32) {
    %c0_i32 = arith.constant 0 : i32
    %c0_i32_0 = arith.constant 0 : i32
    %c0_i32_1 = arith.constant 0 : i32
    return %arg0, %c0_i32, %c0_i32_0 : i32, i32, i32
  }
  func.func @transform_2(%arg0: i32) -> (i32, i32) {
    %add3A = arith.constant 0 : i32
    %add3A_0 = arith.addi %arg0, %add3A : i32
    %c0_i32 = arith.constant 0 : i32
    %c0_i32_1 = arith.constant 0 : i32
    return %add3A_0, %c0_i32 : i32, i32
  }
  func.func @transform_3(%arg0: i32) -> (i32, i32) {
    %add3A = arith.constant 0 : i32
    %add3A_0 = arith.addi %arg0, %add3A : i32
    %c0_i32 = arith.constant 0 : i32
    %c0_i32_1 = arith.constant 0 : i32
    return %add3A_0, %c0_i32 : i32, i32
  }
  func.func @transform_4(%arg0: i32) -> (i32, i32) {
    %c0_i32 = arith.constant 0 : i32
    %c0_i32_0 = arith.constant 0 : i32
    %c0_i32_1 = arith.constant 0 : i32
    return %c0_i32, %c0_i32_0 : i32, i32
  }
  func.func @transform_5(%arg0: i32) -> (i32, i32) {
    %c0_i32 = arith.constant 0 : i32
    %c0_i32_0 = arith.constant 0 : i32
    %c0_i32_1 = arith.constant 0 : i32
    return %c0_i32, %c0_i32_0 : i32, i32
  }
  func.func @transform_6(%arg0: i32) -> (i32, i32) {
    %c0_i32 = arith.constant 0 : i32
    %c0_i32_0 = arith.constant 0 : i32
    %c0_i32_1 = arith.constant 0 : i32
    return %c0_i32, %c0_i32_0 : i32, i32
  }
  func.func @transform_7(%arg0: i32) -> (i32, i32) {
    %c0_i32 = arith.constant 0 : i32
    %c0_i32_0 = arith.constant 0 : i32
    %c0_i32_1 = arith.constant 0 : i32
    return %c0_i32, %c0_i32_0 : i32, i32
  }
  func.func @transform_8(%arg0: i32) -> (i32, i32) {
    %c0_i32 = arith.constant 0 : i32
    %c0_i32_0 = arith.constant 0 : i32
    %c0_i32_1 = arith.constant 0 : i32
    return %c0_i32, %c0_i32_0 : i32, i32
  }
  func.func @transform_9(%arg0: i32) -> (i32, i32) {
    %c0_i32 = arith.constant 0 : i32
    %c0_i32_0 = arith.constant 0 : i32
    %c0_i32_1 = arith.constant 0 : i32
    return %c0_i32, %c0_i32_0 : i32, i32
  }
  func.func @transform_10(%arg0: i32) -> (i32, i32) {
    %c0_i32 = arith.constant 0 : i32
    %c0_i32_0 = arith.constant 0 : i32
    %c0_i32_1 = arith.constant 0 : i32
    return %c0_i32, %c0_i32_0 : i32, i32
  }
  func.func @transform_11(%arg0: i32) -> (i32, i32, i32) {
    %c0_i32 = arith.constant 0 : i32
    %c0_i32_0 = arith.constant 0 : i32
    %c0_i32_1 = arith.constant 0 : i32
    return %arg0, %c0_i32, %c0_i32_0 : i32, i32, i32
  }
  func.func @transform_12(%arg0: i32) -> (i32, i32) {
    %c0_i32 = arith.constant 0 : i32
    %c0_i32_0 = arith.constant 0 : i32
    return %arg0, %c0_i32 : i32, i32
  }
  func.func @transform_13(%arg0: i32) -> (i32, i32) {
    %c0_i32 = arith.constant 0 : i32
    %c0_i32_0 = arith.constant 0 : i32
    return %arg0, %c0_i32 : i32, i32
  }
  func.func @transform_14(%arg0: i32) -> (i32, i32) {
    %c0_i32 = arith.constant 0 : i32
    %c0_i32_0 = arith.constant 0 : i32
    return %arg0, %c0_i32 : i32, i32
  }
}

</mosaic_0001>

<sc_bundles>
// kernel: kernel.11.cloned.1.call-start
scs
__scs_entry_jumppad:
0x0: {  	(pc) =	sbr.rel $0x88, $3  }
0x1: {  	(tag) =	ssettag $0x0;
	lr =	simm.s32 $0x1  }
0x2: {  	[smem:$0x3F94] =	sst lr;
	_ =	strace $0xD0000000  }
0x3: {  	_ = 	snop  }
0x4: {  	_ = 	snop  }
0x5: {  	_ = 	snop  }
0x6: {  	_ = 	snop  }
0x7: {  	_ = 	snop  }
__scs_overlays_trampoline_lowered:
0x8: {  	[smem:$0x3FA3] =	sst s0  }
0x9: {  	[smem:$0x3FA4] =	sst s1  }
0xa: {  	[smem:$0x3FA5] =	sst s2  }
0xb: {  	[smem:$0x3FA6] =	sst s3  }
0xc: {  	[smem:$0x3FA7] =	sst s4  }
0xd: {  	[smem:$0x3FA8] =	sst s5  }
0xe: {  	[smem:$0x3FA9] =	sst s6  }
0xf: {  	[smem:$0x3FAA] =	sst s7  }
0x10: {  	[smem:$0x3FAB] =	sst s8  }
0x11: {  	[smem:$0x3FAC] =	sst s9;
	s0 =	simm.s32 @!p0 $0x0  }
0x12: {  	s1 =	sld [smem:$0x3F92];
	s0 =	simm.s32 @p0 $0x1  }
0x13: {  	[smem:$0x3FAD] =	sst s0;
	s0 =	simm.s32 @!p1 $0x0  }
0x14: {  	s2 =	sld [smem:$0x3F91];
	s0 =	simm.s32 @p1 $0x1  }
0x15: {  	[smem:$0x3FAE] =	sst s0;
	s0 =	simm.s32 @!p2 $0x0  }
0x16: {  	s3 =	sld [smem:$0x3FDB];
	s0 =	simm.s32 @p2 $0x1  }
0x17: {  	s4 =	simm.s32 $0x1BF5;
	[smem:$0x3FB0] =	sst s0  }
0x18: {  	s0 =	sld [smem:$0x3F93];
	_ =	swait.ge [sflag:s4], $0x0  }
0x19: {  	s7 =	sld [smem:$0x3F94]  }
0x1a: {  	s8 =	sadd.s32 $0xFFFFE003, lr  }
0x1b: {  	s9 =	sadd.s32 $0xFFFFFEF7, lr;
	s5 =	simm.s32 $0xFFFFFFFF;
	p2 =	slt.u32 s8, $0xFFFFF086  }
0x1c: {  	p1 =	slt.u32 s9, $0xF7A;
	s5 =	simm.s32 @!p2 $0x0  }
0x1d: {  	s5 =	simm.s32 @p1 $0x1;
	p0 =	seq.s32 s7, s2  }
0x1e: {  	s7 =	smul.u32 @!p0 $0xF7A, s2;
	p2 =	seq.s32 @!p0 s5, $0x0  }
0x1f: {  	s9 =	smul.u32 $0xF7A, s1;
	s8 =	simm.s32 @!p0 $0x1BF5;
	p2 =	por !p2, p0  }
0x20: {  	[sflag:s8] =	ssyncset.s32 @!p0 $0xFFFFF086;
	s6 =	sadd.s32 @!p0 s3, s7;
	s7 =	simm.s32 @!p0 $0x108  }
0x21: {  	s3 =	sadd.s32 s3, s9;
	s6 =	sadd.s32 @!p0 $0x88, s6;
	s7 =	simm.s32 @p2 $0x1082  }
0x22: {  	[simem:s7], [sflag:s8] =	dma.local @!p0 [hbm:s6], $0xF7A  }
0x23: {  	s9 =	sor.u32 $0xD0000000, s2;
	s6 =	simm.s32 $0x108;
	_ =	swait.ge @!p0 [sflag:s8], $0x0  }
0x24: {  	s3 =	sadd.s32 $0x88, s3;
	s6 =	simm.s32 @!p1 $0x1082;
	[sflag:s4] =	ssyncset.s32 $0xFFFFF086  }
0x25: {  	[simem:s6], [sflag:s4] =	dma.local [hbm:s3], $0xF7A  }
0x26: {  	[smem:$0x3F94] =	sst s1;
	(tag) =	ssettag s2;
	_ =	strace s9  }
0x27: {  	s1 =	sld [smem:$0x3FA4]  }
0x28: {  	s2 =	sld [smem:$0x3FA5]  }
0x29: {  	s4 =	sld [smem:$0x3FA7]  }
0x2a: {  	p0 =	seq.s32 s5, $0x0;
	s5 =	sld [smem:$0x3FA8]  }
0x2b: {  	s6 =	sld [smem:$0x3FA9]  }
0x2c: {  	s7 =	sld [smem:$0x3FAA]  }
0x2d: {  	s3 =	simm.s32 $0x108;
	s8 =	sld [smem:$0x3FAB]  }
0x2e: {  	s3 =	simm.s32 @!p0 $0x1082;
	s9 =	sld [smem:$0x3FAC]  }
0x2f: {  	lr =	sadd.s32 s0, s3;
	s0 =	sld [smem:$0x3FA3]  }
0x30: {  	s3 =	sld [smem:$0x3FA6]  }
0x31: {  	[smem:$0x3FAF] =	sst s10  }
0x32: {  	s10 =	sld [smem:$0x3FAD];
	_ =	sdelay $0x3  }
0x33: {  	p0 =	seq.s32 s10, $0x1;
	s10 =	sld [smem:$0x3FAF];
	_ =	sdelay $0x3  }
0x34: {  	[smem:$0x3FAF] =	sst s10  }
0x35: {  	s10 =	sld [smem:$0x3FAE];
	_ =	sdelay $0x3  }
0x36: {  	p1 =	seq.s32 s10, $0x1;
	s10 =	sld [smem:$0x3FAF];
	_ =	sdelay $0x3  }
0x37: {  	[smem:$0x3FAF] =	sst s10  }
0x38: {  	s10 =	sld [smem:$0x3FB0]  }
0x39: {  	_ = 	snop;
	(pc) =	sbr.ind lr, $3  }
0x3a: {  	_ = 	snop  }
0x3b: {  	_ = 	snop  }
0x3c: {  	p2 =	seq.s32 s10, $0x1;
	s10 =	sld [smem:$0x3FAF]  }
0x3d: {  	_ =	shalt  }
0x3e: {  	_ =	shalt  }
0x3f: {  	_ =	shalt  }
0x40: {  	_ =	shalt  }
0x41: {  	_ =	shalt  }
0x42: {  	_ =	shalt  }
0x43: {  	_ =	shalt  }
0x44: {  	_ =	shalt  }
0x45: {  	_ =	shalt  }
0x46: {  	_ =	shalt  }
0x47: {  	_ =	shalt  }
0x48: {  	_ =	shalt  }
0x49: {  	_ =	shalt  }
0x4a: {  	_ =	shalt  }
0x4b: {  	_ =	shalt  }
0x4c: {  	_ =	shalt  }
0x4d: {  	_ =	shalt  }
0x4e: {  	_ =	shalt  }
0x4f: {  	_ =	shalt  }
0x50: {  	_ =	shalt  }
0x51: {  	_ =	shalt  }
0x52: {  	_ =	shalt  }
0x53: {  	_ =	shalt  }
0x54: {  	_ =	shalt  }
0x55: {  	_ =	shalt  }
0x56: {  	_ =	shalt  }
0x57: {  	_ =	shalt  }
0x58: {  	_ =	shalt  }
0x59: {  	_ =	shalt  }
0x5a: {  	_ =	shalt  }
0x5b: {  	_ =	shalt  }
0x5c: {  	_ =	shalt  }
0x5d: {  	_ =	shalt  }
0x5e: {  	_ =	shalt  }
0x5f: {  	_ =	shalt  }
0x60: {  	_ =	shalt  }
0x61: {  	_ =	shalt  }
0x62: {  	_ =	shalt  }
0x63: {  	_ =	shalt  }
0x64: {  	_ =	shalt  }
0x65: {  	_ =	shalt  }
0x66: {  	_ =	shalt  }
0x67: {  	_ =	shalt  }
0x68: {  	_ =	shalt  }
0x69: {  	_ =	shalt  }
0x6a: {  	_ =	shalt  }
0x6b: {  	_ =	shalt  }
0x6c: {  	_ =	shalt  }
0x6d: {  	_ =	shalt  }
0x6e: {  	_ =	shalt  }
0x6f: {  	_ =	shalt  }
0x70: {  	_ =	shalt  }
0x71: {  	_ =	shalt  }
0x72: {  	_ =	shalt  }
0x73: {  	_ =	shalt  }
0x74: {  	_ =	shalt  }
0x75: {  	_ =	shalt  }
0x76: {  	_ =	shalt  }
0x77: {  	_ =	shalt  }
0x78: {  	_ =	shalt  }
0x79: {  	_ =	shalt  }
0x7a: {  	_ =	shalt  }
0x7b: {  	_ =	shalt  }
0x7c: {  	_ =	shalt  }
0x7d: {  	_ =	shalt  }
0x7e: {  	_ =	shalt  }
0x7f: {  	_ =	shalt  }
0x80: {  	_ =	shalt  }
0x81: {  	_ =	shalt  }
0x82: {  	_ =	shalt  }
0x83: {  	_ =	shalt  }
0x84: {  	_ =	shalt  }
0x85: {  	_ =	shalt  }
0x86: {  	_ =	shalt  }
0x87: {  	_ =	shalt  }
.Lfunc_end0:
.L_simem_size_0:
called_computation_lowered:
.L_overlay_start_0:
0x88: {  	s2 =	sld [smem:$0x3FD9]  }
0x89: {  	s3 =	sld [smem:$0x3FFE];
	_ =	sdelay $0x1  }
0x8a: {  	s1 =	srdreg.scid  }
0x8b: {  	s0 =	sand.u32 $0x1, s1  }
0x8c: {  	s16 =	sshll.u32 s0, $0xA;
	s2 =	sadd.s32 s3, s2  }
0x8d: {  	s2 =	sadd.s32 s2, s16  }
0x8e: {  	[smem:$0x3FBB] =	sst s2  }
0x8f: {  	_ = 	snop  }
0x90: {  	(tm) =	ssettm $0x1  }
0x91: {  	s17 =	sld [smem:$0x3FFB];
	_ =	sdelay $0x3  }
0x92: {  	_ =	strace s17  }
0x93: {  	s2 =	sld [smem:$0x3FFC];
	_ =	sdelay $0x3  }
0x94: {  	_ =	strace s2  }
0x95: {  	s2 =	sld [smem:$0x3FFD];
	_ =	sdelay $0x3  }
0x96: {  	_ =	strace s2  }
0x97: {  	_ =	strace $0x8FFFFFFF  }
0x98: {  	s18 =	sld [smem:$0x3FDB];
	_ =	sdelay $0x1  }
0x99: {  	s19 =	simm.s32 $_scs_section_size  }
0x9a: {  	s4 =	simm.s32 $_size__tile_overlayer_lowered;
	s5 =	simm.s32 $_tile_overlayer_lowered  }
0x9b: {  	s22 =	simm.s32 $0x1BFF;
	s21 =	sshll.u32 s5, $0x1;
	s2 =	sadd.s32 s19, s18  }
0x9c: {  	s6 =	simm.s32 $0x0;
	s20 =	sshll.u32 s4, $0x1;
	s4 =	sadd.s32 s21, s2  }
0x9d: {  	[timem:s6], [sflag:s22] =	dma.local [hbm:s4], s20  }
0x9e: {  	_ =	swait.ge [sflag:s22], s20  }
0x9f: {  	s3 =	ssub.s32 $0x0, s20;
	[sflag:s22] =	ssyncset.done $0x0  }
0xa0: {  	[sflag:s22] =	ssyncadd.s32 s3;
	_ =	sdelay $0x1  }
0xa1: {  	s23 =	simm.s32 $0x1B8B  }
0xa2: {  	_ =	swait.ge [sflag:s23], $0x1  }
0xa3: {  	[sflag:s23] =	ssyncset.done $0x0  }
0xa4: {  	s25 =	simm.s32 $0x1B8E;
	s24 =	sld [smem:$0x3FFE];
	[sflag:s23] =	ssyncadd.s32 $0xFFFFFFFF  }
0xa5: {  	s26 =	simm.s32 $execute0_lowered;
	[smem:$0x3FD2] =	sst s25  }
0xa6: {  	s4 =	sshll.u32 s26, $0x1;
	_ =	strace $0x80000046;
	[dreg:$0x1] =	wrdreg $0xFFFFFFFF  }
0xa7: {  	s28 =	simm.s32 $_size_execute0_lowered;
	s2 =	sadd.s32 s2, s4;
	[dreg:$0x0] =	wrdreg $0x0  }
0xa8: {  	s4 =	sshll.u32 s28, $0x1;
	[dreg:$0x2] =	wrdreg s2  }
0xa9: {  	[dreg:$0x3] =	wrdreg s4  }
0xaa: {  	[dreg:$0x4] =	wrdreg $0xC0  }
0xab: {  	_ =	task [dreg:s6], $0x5FFFF  }
0xac: {  	[dreg:$0x1] =	wrdreg $0xFFFFFFFF  }
0xad: {  	[dreg:$0x0] =	wrdreg $0x60  }
0xae: {  	[dreg:$0x2] =	wrdreg s24  }
0xaf: {  	[dreg:$0x3] =	wrdreg $0x9  }
0xb0: {  	_ =	task.clear_ibuf [dreg:s6], $0x4FFFF;
	_ =	strace $0x90000046  }
0xb1: {  	s29 =	simm.s32 $0x9;
	_ =	strace $0x80000048  }
0xb2: {  	_ =	swait.ge [sflag:s29], $0x1  }
0xb3: {  	[sflag:s29] =	ssyncadd.s32 $0xFFFFFFFF  }
0xb4: {  	_ =	strace $0x90000048  }
0xb5: {  	_ =	sfence  }
0xb6: {  	s30 =	sld [smem:$0x0];
	_ =	sdelay $0x2  }
0xb7: {  	s31 =	sshll.u32 s1, $0xD;
	s1 =	sshrl.u32 s1, $0x2  }
0xb8: {  	s3 =	sand.u32 $0x4000, s31;
	s1 =	sadd.s32 s1, s30  }
0xb9: {  	s0 =	sor.u32 s3, s0;
	s1 =	sshll.u32 s1, $0x11  }
0xba: {  	s0 =	sor.u32 s1, s0  }
0xbb: {  	s0 =	sadd.s32 $0x8F2B, s0  }
0xbc: {  	[sflag:s0] =	ssyncadd.remote.s32 $0x1  }
0xbd: {  	_ =	sfence.sel $0xFFFF  }
0xbe: {  	[dreg:$0x0] =	wrdreg $0xFFFFFFFF;
	(pc) =	sbr.abs _section_cstart, $3  }
0xbf: {  	[dreg:$0x1] =	wrdreg $0xFFFFFFFF  }
0xc0: {  	_ =	task.clear_ibuf [dreg:s6], $0x2FFFF;
	_ =	strace $0x9FFFFFFF  }
0xc1: {  	(tm) =	ssettm $0x7FFFFFFF  }
tec
execute0_lowered:
.L_overlay_start_1:
0x0: {  	(tag) =	ssettag $0x1  }
0x1: {  	s1 =	srdreg.scid  }
0x2: {  	s0 =	stileid.u32;
	s4 =	rddreg [dreg:$0x0]  }
0x3: {  	s2 =	simm.s32 $0x0;
	s13 =	simm.s32 $0xEF80;
	s14 =	simm.s32 $0x1  }
0x4: {  	s15 =	simm.s32 $0x3;
	s16 =	simm.s32 $0x2;
	s17 =	simm.s32 $0x4  }
0x5: {  	s18 =	simm.s32 $0x2580;
	s6 =	sand.u32 $0x1, s1;
	s3 =	sshll.u32 s0, $0x1  }
0x6: {  	s1 =	rddreg [dreg:$0x1];
	s31 =	smul.u32 $0x4E200, s0;
	s5 =	sor.u32 s6, s3  }
0x7: {  	s19 =	simm.s32 $0x0;
	[smem:$0x7FF] =	sst s2;
	s7 =	smul.u32 $0x2710, s5  }
0x8: {  	s10 =	sadd.s32 $0x5FA00, s4;
	s8 =	ssub.s32 $0x2, s6;
	s9 =	smul.u32 $0x138800, s5  }
0x9: {  	_ =	strace $0x80000047;
	s29 =	sshrl.u32 s8, $0x1;
	s11 =	smul.u32 $0x27100, s5  }
0xa: {  	s3 =	sadd.s32 $0x11600, s4;
	s12 =	smul.u32 $0x27100, s6;
	s8 =	ssub.s32 s8, s29  }
0xb: {  	s7 =	sshrl.u32 s7, $0x3;
	s9 =	sshrl.u32 s9, $0x3;
	s11 =	sadd.s32 s10, s11  }
0xc: {  	s6 =	smax.u32 s8, $0x1;
	s7 =	sadd.s32 s7, s4;
	s30 =	sadd.s32 s10, s9  }
0xd: {  	s9 =	sadd.s32 s31, s10;
	s8 =	sadd.s32 $0x23F00, s11;
	s10 =	simm.s32 $0x5  }
0xe: {  	s4 =	sadd.s32 $0x7800, s7;
	s5 =	sadd.s32 $0x25800, s30;
	s7 =	sadd.s32 $0x22600, s11  }
0xf: {  	s9 =	sadd.s32 s12, s9;
	s11 =	simm.s32 $0x190;
	s12 =	simm.s32 $0x2780  }
.LBB2_1:
0x10: {  	[tilespmem:s2], [sflag:$0x5] =	stream.linear.gather [hbm4b:s4+s2], $0x2710, $0x38;
	[tilespmem:$0x1B780] =	vst v63  }
0x11: {  	_ =	swait.ge [sflag:s10], $0x2710  }
0x12: {  	[sflag:s10] =	ssyncset.done $0x0  }
0x13: {  	[sflag:s10] =	ssyncadd.s32 $0xFFFFD8F0  }
0x14: {  	[tilespmem:s12], [sflag:$0x1] =	stream.indirect.gather [hbm4b:s3+s11], $0x80, s2, s11, $0xb8;
	[tilespmem:$0x1B780] =	vst v63  }
0x15: {  	_ = 	snop  }
0x16: {  	[tilespmem:s13], [sflag:$0x2] =	stream.indirect.gather [hbm4b:s3+s11], $0x80, s11, s11, $0xb8;
	[tilespmem:$0x1B780] =	vst v63  }
0x17: {  	_ =	swait.ge [sflag:s14], $0xC800  }
0x18: {  	[sflag:s14] =	ssyncset.done $0x0  }
0x19: {  	s20 =	sadd.s32 $0x0, s9;
	[sflag:s14] =	ssyncadd.s32 $0xFFFF3800  }
0x1a: {  	[hbm4b:s20+s2] =	stream.linear.scatter [tilespmem:s12], [sflag:$0x3], $0xC800, $0x38;
	[tilespmem:$0x1B780] =	vst v63  }
0x1b: {  	_ =	swait.ge [sflag:s15], $0xC800  }
0x1c: {  	[sflag:s15] =	ssyncset.done $0x0  }
0x1d: {  	s21 =	simm.s32 $0x320;
	[sflag:s15] =	ssyncadd.s32 $0xFFFF3800  }
0x1e: {  	[tilespmem:s12], [sflag:$0x1] =	stream.indirect.gather [hbm4b:s3+s11], $0x80, s21, s11, $0xb8;
	[tilespmem:$0x1B780] =	vst v63  }
0x1f: {  	_ =	swait.ge [sflag:s16], $0xC800  }
0x20: {  	[sflag:s16] =	ssyncset.done $0x0  }
0x21: {  	s20 =	sadd.s32 $0x1900, s20;
	[sflag:s16] =	ssyncadd.s32 $0xFFFF3800  }
0x22: {  	[hbm4b:s20+s2] =	stream.linear.scatter [tilespmem:s13], [sflag:$0x4], $0xC800, $0x38;
	[tilespmem:$0x1B780] =	vst v63  }
0x23: {  	_ =	swait.ge [sflag:s17], $0xC800  }
0x24: {  	s22 =	simm.s32 $0x7D0;
	[sflag:s17] =	ssyncset.done $0x0  }
0x25: {  	s21 =	simm.s32 $0x3200;
	s20 =	simm.s32 $0x4B0;
	[sflag:s17] =	ssyncadd.s32 $0xFFFF3800  }
.LBB2_2:
0x26: {  	[tilespmem:s13], [sflag:$0x2] =	stream.indirect.gather [hbm4b:s3+s11], $0x80, s20, s11, $0xb8;
	[tilespmem:$0x1B780] =	vst v63  }
0x27: {  	s23 =	smov.u32 s21;
	s20 =	smov.u32 s22  }
0x28: {  	p0 =	sne.s32 s21, $0x1F400;
	s21 =	sadd.s32 $0x3200, s21;
	_ =	swait.ge [sflag:s14], $0xC800  }
0x29: {  	[sflag:s14] =	ssyncset.done $0x0  }
0x2a: {  	s23 =	sadd.s32 s23, s9;
	[sflag:s14] =	ssyncadd.s32 $0xFFFF3800  }
0x2b: {  	[hbm4b:s23+s2] =	stream.linear.scatter [tilespmem:s12], [sflag:$0x3], $0xC800, $0x38;
	[tilespmem:$0x1B780] =	vst v63  }
0x2c: {  	_ =	swait.ge [sflag:s15], $0xC800  }
0x2d: {  	[sflag:s15] =	ssyncset.done $0x0  }
0x2e: {  	s24 =	sadd.s32 $0xFFFFFE70, s22;
	[sflag:s15] =	ssyncadd.s32 $0xFFFF3800  }
0x2f: {  	[tilespmem:s12], [sflag:$0x1] =	stream.indirect.gather [hbm4b:s3+s11], $0x80, s24, s11, $0xb8;
	[tilespmem:$0x1B780] =	vst v63  }
0x30: {  	_ =	swait.ge [sflag:s16], $0xC800  }
0x31: {  	[sflag:s16] =	ssyncset.done $0x0  }
.Ltmp0:
0x32: {  	s23 =	sadd.s32 $0x1900, s23;
	[sflag:s16] =	ssyncadd.s32 $0xFFFF3800;
	(pc) =	sbr.rel @p0 .LBB2_2-.Ltmp0, $4  }
0x33: {  	[hbm4b:s23+s2] =	stream.linear.scatter [tilespmem:s13], [sflag:$0x4], $0xC800, $0x38;
	[tilespmem:$0x1B780] =	vst v63  }
0x34: {  	_ =	swait.ge [sflag:s17], $0xC800  }
0x35: {  	[sflag:s17] =	ssyncset.done $0x0  }
0x36: {  	s22 =	sadd.s32 $0x320, s22;
	[sflag:s17] =	ssyncadd.s32 $0xFFFF3800  }
0x37: {  	[tilespmem:s13], [sflag:$0x2] =	stream.indirect.gather [hbm4b:s3+s11], $0x80, s20, s11, $0xb8;
	[tilespmem:$0x1B780] =	vst v63  }
0x38: {  	_ =	swait.ge [sflag:s14], $0xC800  }
0x39: {  	[sflag:s14] =	ssyncset.done $0x0  }
0x3a: {  	[sflag:s14] =	ssyncadd.s32 $0xFFFF3800  }
0x3b: {  	[hbm4b:s7+s2] =	stream.linear.scatter [tilespmem:s12], [sflag:$0x3], $0xC800, $0x38;
	[tilespmem:$0x1B780] =	vst v63  }
0x3c: {  	_ =	swait.ge [sflag:s15], $0xC800  }
0x3d: {  	[sflag:s15] =	ssyncset.done $0x0  }
0x3e: {  	[sflag:s15] =	ssyncadd.s32 $0xFFFF3800  }
0x3f: {  	[tilespmem:s12], [sflag:$0x1] =	stream.indirect.gather [hbm4b:s3+s11], $0x80, s18, s11, $0xb8;
	[tilespmem:$0x1B780] =	vst v63  }
0x40: {  	_ =	swait.ge [sflag:s16], $0xC800  }
0x41: {  	[sflag:s16] =	ssyncset.done $0x0  }
0x42: {  	[sflag:s16] =	ssyncadd.s32 $0xFFFF3800  }
0x43: {  	[hbm4b:s8+s2] =	stream.linear.scatter [tilespmem:s13], [sflag:$0x4], $0xC800, $0x38;
	[tilespmem:$0x1B780] =	vst v63  }
0x44: {  	_ =	swait.ge [sflag:s14], $0xC800  }
0x45: {  	[sflag:s14] =	ssyncset.done $0x0  }
0x46: {  	s19 =	sadd.s32 $0x1, s19;
	[sflag:s14] =	ssyncadd.s32 $0xFFFF3800  }
0x47: {  	[hbm4b:s5+s2] =	stream.linear.scatter [tilespmem:s12], [sflag:$0x3], $0xC800, $0x38;
	[tilespmem:$0x1B780] =	vst v63  }
0x48: {  	p0 =	sne.s32 s19, s6;
	_ =	swait.ge [sflag:s17], $0xC800  }
.Ltmp1:
0x49: {  	[sflag:s17] =	ssyncset.done $0x0;
	(pc) =	sbr.rel @p0 .LBB2_1-.Ltmp1, $4  }
0x4a: {  	[sflag:s17] =	ssyncadd.s32 $0xFFFF3800  }
0x4b: {  	_ =	swait.ge [sflag:s15], $0xC800  }
0x4c: {  	[sflag:s15] =	ssyncset.done $0x0  }
0x4d: {  	[sflag:s15] =	ssyncadd.s32 $0xFFFF3800  }
0x4e: {  	_ =	sfence.sel $0x180000  }
0x4f: {  	[bflag:$0x0] =	sbarrier.arrive $0xFFFF  }
0x50: {  	p0 =	sne.s32 s0, $0x0;
	_ =	strace $0x90000047  }
0x51: {  	s0 =	sadd.s32 @!p0 $0x100000, s1;
	[bflag:$0x2] =	sbarrier.arrive $0xFFFF  }
0x52: {  	[sflag:s0] =	ssyncadd.tile.s32 @!p0 $0x1;
	_ =	shalt  }
.Lfunc_end2:
_tile_overlayer_lowered:
.L_overlay_start_2:
0x53: {  	(tag) =	ssettag $0x2  }
0x54: {  	s0 =	rddreg [dreg:$0x0];
	s2 =	stileid.u32  }
0x55: {  	s1 =	rddreg [dreg:$0x1];
	p0 =	sne.s32 s2, $0x0  }
0x56: {  	s3 =	rddreg [dreg:$0x2];
	[bflag:$0x3] =	sbarrier.arrive $0xFFFF;
	s2 =	simm.s32 @!p0 $0x1C05  }
0x57: {  	[timem:s3], [sflag:s2] =	dma.local @!p0 [hbm:s0], s1  }
0x58: {  	s0 =	simm.s32 @!p0 $0x5  }
0x59: {  	_ =	swait.ge @!p0 [sflag:s0], s1  }
0x5a: {  	s1 =	ssub.s32 @!p0 $0x0, s1;
	[sflag:s0] =	ssyncset.done @!p0 $0x0  }
0x5b: {  	[sflag:s0] =	ssyncadd.s32 @!p0 s1  }
0x5c: {  	[bflag:$0x3] =	sbarrier.arrive $0xFFFF  }
0x5d: {  	_ =	shalt  }

// kernel: kernel.14.cloned.1.call-start
scs
__scs_entry_jumppad:
0x0: {  	(pc) =	sbr.rel $0x88, $3  }
0x1: {  	(tag) =	ssettag $0x0;
	lr =	simm.s32 $0x1  }
0x2: {  	[smem:$0x3F94] =	sst lr;
	_ =	strace $0xD0000000  }
0x3: {  	_ = 	snop  }
0x4: {  	_ = 	snop  }
0x5: {  	_ = 	snop  }
0x6: {  	_ = 	snop  }
0x7: {  	_ = 	snop  }
__scs_overlays_trampoline_lowered:
0x8: {  	[smem:$0x3FA3] =	sst s0  }
0x9: {  	[smem:$0x3FA4] =	sst s1  }
0xa: {  	[smem:$0x3FA5] =	sst s2  }
0xb: {  	[smem:$0x3FA6] =	sst s3  }
0xc: {  	[smem:$0x3FA7] =	sst s4  }
0xd: {  	[smem:$0x3FA8] =	sst s5  }
0xe: {  	[smem:$0x3FA9] =	sst s6  }
0xf: {  	[smem:$0x3FAA] =	sst s7  }
0x10: {  	[smem:$0x3FAB] =	sst s8  }
0x11: {  	[smem:$0x3FAC] =	sst s9;
	s0 =	simm.s32 @!p0 $0x0  }
0x12: {  	s1 =	sld [smem:$0x3F92];
	s0 =	simm.s32 @p0 $0x1  }
0x13: {  	[smem:$0x3FAD] =	sst s0;
	s0 =	simm.s32 @!p1 $0x0  }
0x14: {  	s2 =	sld [smem:$0x3F91];
	s0 =	simm.s32 @p1 $0x1  }
0x15: {  	[smem:$0x3FAE] =	sst s0;
	s0 =	simm.s32 @!p2 $0x0  }
0x16: {  	s3 =	sld [smem:$0x3FDB];
	s0 =	simm.s32 @p2 $0x1  }
0x17: {  	s4 =	simm.s32 $0x1BF5;
	[smem:$0x3FB0] =	sst s0  }
0x18: {  	s0 =	sld [smem:$0x3F93];
	_ =	swait.ge [sflag:s4], $0x0  }
0x19: {  	s7 =	sld [smem:$0x3F94]  }
0x1a: {  	s8 =	sadd.s32 $0xFFFFE003, lr  }
0x1b: {  	s9 =	sadd.s32 $0xFFFFFEF7, lr;
	s5 =	simm.s32 $0xFFFFFFFF;
	p2 =	slt.u32 s8, $0xFFFFF086  }
0x1c: {  	p1 =	slt.u32 s9, $0xF7A;
	s5 =	simm.s32 @!p2 $0x0  }
0x1d: {  	s5 =	simm.s32 @p1 $0x1;
	p0 =	seq.s32 s7, s2  }
0x1e: {  	s7 =	smul.u32 @!p0 $0xF7A, s2;
	p2 =	seq.s32 @!p0 s5, $0x0  }
0x1f: {  	s9 =	smul.u32 $0xF7A, s1;
	s8 =	simm.s32 @!p0 $0x1BF5;
	p2 =	por !p2, p0  }
0x20: {  	[sflag:s8] =	ssyncset.s32 @!p0 $0xFFFFF086;
	s6 =	sadd.s32 @!p0 s3, s7;
	s7 =	simm.s32 @!p0 $0x108  }
0x21: {  	s3 =	sadd.s32 s3, s9;
	s6 =	sadd.s32 @!p0 $0x88, s6;
	s7 =	simm.s32 @p2 $0x1082  }
0x22: {  	[simem:s7], [sflag:s8] =	dma.local @!p0 [hbm:s6], $0xF7A  }
0x23: {  	s9 =	sor.u32 $0xD0000000, s2;
	s6 =	simm.s32 $0x108;
	_ =	swait.ge @!p0 [sflag:s8], $0x0  }
0x24: {  	s3 =	sadd.s32 $0x88, s3;
	s6 =	simm.s32 @!p1 $0x1082;
	[sflag:s4] =	ssyncset.s32 $0xFFFFF086  }
0x25: {  	[simem:s6], [sflag:s4] =	dma.local [hbm:s3], $0xF7A  }
0x26: {  	[smem:$0x3F94] =	sst s1;
	(tag) =	ssettag s2;
	_ =	strace s9  }
0x27: {  	s1 =	sld [smem:$0x3FA4]  }
0x28: {  	s2 =	sld [smem:$0x3FA5]  }
0x29: {  	s4 =	sld [smem:$0x3FA7]  }
0x2a: {  	p0 =	seq.s32 s5, $0x0;
	s5 =	sld [smem:$0x3FA8]  }
0x2b: {  	s6 =	sld [smem:$0x3FA9]  }
0x2c: {  	s7 =	sld [smem:$0x3FAA]  }
0x2d: {  	s3 =	simm.s32 $0x108;
	s8 =	sld [smem:$0x3FAB]  }
0x2e: {  	s3 =	simm.s32 @!p0 $0x1082;
	s9 =	sld [smem:$0x3FAC]  }
0x2f: {  	lr =	sadd.s32 s0, s3;
	s0 =	sld [smem:$0x3FA3]  }
0x30: {  	s3 =	sld [smem:$0x3FA6]  }
0x31: {  	[smem:$0x3FAF] =	sst s10  }
0x32: {  	s10 =	sld [smem:$0x3FAD];
	_ =	sdelay $0x3  }
0x33: {  	p0 =	seq.s32 s10, $0x1;
	s10 =	sld [smem:$0x3FAF];
	_ =	sdelay $0x3  }
0x34: {  	[smem:$0x3FAF] =	sst s10  }
0x35: {  	s10 =	sld [smem:$0x3FAE];
	_ =	sdelay $0x3  }
0x36: {  	p1 =	seq.s32 s10, $0x1;
	s10 =	sld [smem:$0x3FAF];
	_ =	sdelay $0x3  }
0x37: {  	[smem:$0x3FAF] =	sst s10  }
0x38: {  	s10 =	sld [smem:$0x3FB0]  }
0x39: {  	_ = 	snop;
	(pc) =	sbr.ind lr, $3  }
0x3a: {  	_ = 	snop  }
0x3b: {  	_ = 	snop  }
0x3c: {  	p2 =	seq.s32 s10, $0x1;
	s10 =	sld [smem:$0x3FAF]  }
0x3d: {  	_ =	shalt  }
0x3e: {  	_ =	shalt  }
0x3f: {  	_ =	shalt  }
0x40: {  	_ =	shalt  }
0x41: {  	_ =	shalt  }
0x42: {  	_ =	shalt  }
0x43: {  	_ =	shalt  }
0x44: {  	_ =	shalt  }
0x45: {  	_ =	shalt  }
0x46: {  	_ =	shalt  }
0x47: {  	_ =	shalt  }
0x48: {  	_ =	shalt  }
0x49: {  	_ =	shalt  }
0x4a: {  	_ =	shalt  }
0x4b: {  	_ =	shalt  }
0x4c: {  	_ =	shalt  }
0x4d: {  	_ =	shalt  }
0x4e: {  	_ =	shalt  }
0x4f: {  	_ =	shalt  }
0x50: {  	_ =	shalt  }
0x51: {  	_ =	shalt  }
0x52: {  	_ =	shalt  }
0x53: {  	_ =	shalt  }
0x54: {  	_ =	shalt  }
0x55: {  	_ =	shalt  }
0x56: {  	_ =	shalt  }
0x57: {  	_ =	shalt  }
0x58: {  	_ =	shalt  }
0x59: {  	_ =	shalt  }
0x5a: {  	_ =	shalt  }
0x5b: {  	_ =	shalt  }
0x5c: {  	_ =	shalt  }
0x5d: {  	_ =	shalt  }
0x5e: {  	_ =	shalt  }
0x5f: {  	_ =	shalt  }
0x60: {  	_ =	shalt  }
0x61: {  	_ =	shalt  }
0x62: {  	_ =	shalt  }
0x63: {  	_ =	shalt  }
0x64: {  	_ =	shalt  }
0x65: {  	_ =	shalt  }
0x66: {  	_ =	shalt  }
0x67: {  	_ =	shalt  }
0x68: {  	_ =	shalt  }
0x69: {  	_ =	shalt  }
0x6a: {  	_ =	shalt  }
0x6b: {  	_ =	shalt  }
0x6c: {  	_ =	shalt  }
0x6d: {  	_ =	shalt  }
0x6e: {  	_ =	shalt  }
0x6f: {  	_ =	shalt  }
0x70: {  	_ =	shalt  }
0x71: {  	_ =	shalt  }
0x72: {  	_ =	shalt  }
0x73: {  	_ =	shalt  }
0x74: {  	_ =	shalt  }
0x75: {  	_ =	shalt  }
0x76: {  	_ =	shalt  }
0x77: {  	_ =	shalt  }
0x78: {  	_ =	shalt  }
0x79: {  	_ =	shalt  }
0x7a: {  	_ =	shalt  }
0x7b: {  	_ =	shalt  }
0x7c: {  	_ =	shalt  }
0x7d: {  	_ =	shalt  }
0x7e: {  	_ =	shalt  }
0x7f: {  	_ =	shalt  }
0x80: {  	_ =	shalt  }
0x81: {  	_ =	shalt  }
0x82: {  	_ =	shalt  }
0x83: {  	_ =	shalt  }
0x84: {  	_ =	shalt  }
0x85: {  	_ =	shalt  }
0x86: {  	_ =	shalt  }
0x87: {  	_ =	shalt  }
.Lfunc_end0:
.L_simem_size_0:
called_computation.1_lowered:
.L_overlay_start_0:
0x88: {  	s2 =	sld [smem:$0x3FD9]  }
0x89: {  	s3 =	sld [smem:$0x3FFE];
	_ =	sdelay $0x1  }
0x8a: {  	s1 =	srdreg.scid  }
0x8b: {  	s0 =	sand.u32 $0x1, s1  }
0x8c: {  	s16 =	sshll.u32 s0, $0xA;
	s2 =	sadd.s32 s3, s2  }
0x8d: {  	s2 =	sadd.s32 s2, s16  }
0x8e: {  	[smem:$0x3FBB] =	sst s2  }
0x8f: {  	_ = 	snop  }
0x90: {  	(tm) =	ssettm $0x1  }
0x91: {  	s17 =	sld [smem:$0x3FFB];
	_ =	sdelay $0x3  }
0x92: {  	_ =	strace s17  }
0x93: {  	s2 =	sld [smem:$0x3FFC];
	_ =	sdelay $0x3  }
0x94: {  	_ =	strace s2  }
0x95: {  	s2 =	sld [smem:$0x3FFD];
	_ =	sdelay $0x3  }
0x96: {  	_ =	strace s2  }
0x97: {  	_ =	strace $0x8FFFFFFF  }
0x98: {  	s18 =	sld [smem:$0x3FDB];
	_ =	sdelay $0x1  }
0x99: {  	s19 =	simm.s32 $_scs_section_size  }
0x9a: {  	s4 =	simm.s32 $_size__tile_overlayer_lowered;
	s5 =	simm.s32 $_tile_overlayer_lowered  }
0x9b: {  	s22 =	simm.s32 $0x1BFF;
	s21 =	sshll.u32 s5, $0x1;
	s2 =	sadd.s32 s19, s18  }
0x9c: {  	s6 =	simm.s32 $0x0;
	s20 =	sshll.u32 s4, $0x1;
	s4 =	sadd.s32 s21, s2  }
0x9d: {  	[timem:s6], [sflag:s22] =	dma.local [hbm:s4], s20  }
0x9e: {  	_ =	swait.ge [sflag:s22], s20  }
0x9f: {  	s3 =	ssub.s32 $0x0, s20;
	[sflag:s22] =	ssyncset.done $0x0  }
0xa0: {  	[sflag:s22] =	ssyncadd.s32 s3;
	_ =	sdelay $0x1  }
0xa1: {  	s23 =	simm.s32 $0x1B8B  }
0xa2: {  	_ =	swait.ge [sflag:s23], $0x1  }
0xa3: {  	[sflag:s23] =	ssyncset.done $0x0  }
0xa4: {  	s25 =	simm.s32 $0x1B8E;
	s24 =	sld [smem:$0x3FFE];
	[sflag:s23] =	ssyncadd.s32 $0xFFFFFFFF  }
0xa5: {  	s26 =	simm.s32 $execute0_lowered;
	[smem:$0x3FD2] =	sst s25  }
0xa6: {  	s4 =	sshll.u32 s26, $0x1;
	_ =	strace $0x80000049;
	[dreg:$0x1] =	wrdreg $0xFFFFFFFF  }
0xa7: {  	s28 =	simm.s32 $_size_execute0_lowered;
	s2 =	sadd.s32 s2, s4;
	[dreg:$0x0] =	wrdreg $0x0  }
0xa8: {  	s4 =	sshll.u32 s28, $0x1;
	[dreg:$0x2] =	wrdreg s2  }
0xa9: {  	[dreg:$0x3] =	wrdreg s4  }
0xaa: {  	[dreg:$0x4] =	wrdreg $0xC0  }
0xab: {  	_ =	task [dreg:s6], $0x5FFFF  }
0xac: {  	[dreg:$0x1] =	wrdreg $0xFFFFFFFF  }
0xad: {  	[dreg:$0x0] =	wrdreg $0x60  }
0xae: {  	[dreg:$0x2] =	wrdreg s24  }
0xaf: {  	[dreg:$0x3] =	wrdreg $0x9  }
0xb0: {  	_ =	task.clear_ibuf [dreg:s6], $0x4FFFF;
	_ =	strace $0x90000049  }
0xb1: {  	s29 =	simm.s32 $0x9;
	_ =	strace $0x8000004B  }
0xb2: {  	_ =	swait.ge [sflag:s29], $0x1  }
0xb3: {  	[sflag:s29] =	ssyncadd.s32 $0xFFFFFFFF  }
0xb4: {  	_ =	strace $0x9000004B  }
0xb5: {  	_ =	sfence  }
0xb6: {  	s30 =	sld [smem:$0x0];
	_ =	sdelay $0x2  }
0xb7: {  	s31 =	sshll.u32 s1, $0xD;
	s1 =	sshrl.u32 s1, $0x2  }
0xb8: {  	s3 =	sand.u32 $0x4000, s31;
	s1 =	sadd.s32 s1, s30  }
0xb9: {  	s0 =	sor.u32 s3, s0;
	s1 =	sshll.u32 s1, $0x11  }
0xba: {  	s0 =	sor.u32 s1, s0  }
0xbb: {  	s0 =	sadd.s32 $0x8F2B, s0  }
0xbc: {  	[sflag:s0] =	ssyncadd.remote.s32 $0x1  }
0xbd: {  	_ =	sfence.sel $0xFFFF  }
0xbe: {  	[dreg:$0x0] =	wrdreg $0xFFFFFFFF;
	(pc) =	sbr.abs _section_cstart, $3  }
0xbf: {  	[dreg:$0x1] =	wrdreg $0xFFFFFFFF  }
0xc0: {  	_ =	task.clear_ibuf [dreg:s6], $0x2FFFF;
	_ =	strace $0x9FFFFFFF  }
0xc1: {  	(tm) =	ssettm $0x7FFFFFFF  }
tec
execute0_lowered:
.L_overlay_start_1:
0x0: {  	(tag) =	ssettag $0x1  }
0x1: {  	s1 =	srdreg.scid  }
0x2: {  	s0 =	stileid.u32;
	s4 =	rddreg [dreg:$0x0]  }
0x3: {  	s2 =	simm.s32 $0x0;
	s13 =	simm.s32 $0xEF80;
	s14 =	simm.s32 $0x1  }
0x4: {  	s15 =	simm.s32 $0x3;
	s16 =	simm.s32 $0x2;
	s17 =	simm.s32 $0x4  }
0x5: {  	s18 =	simm.s32 $0x2580;
	s6 =	sand.u32 $0x1, s1;
	s3 =	sshll.u32 s0, $0x1  }
0x6: {  	s1 =	rddreg [dreg:$0x1];
	s31 =	smul.u32 $0x4E200, s0;
	s5 =	sor.u32 s6, s3  }
0x7: {  	s19 =	simm.s32 $0x0;
	[smem:$0x7FF] =	sst s2;
	s7 =	smul.u32 $0x2710, s5  }
0x8: {  	s10 =	sadd.s32 $0x86C00, s4;
	s8 =	ssub.s32 $0x2, s6;
	s9 =	smul.u32 $0x138800, s5  }
0x9: {  	_ =	strace $0x8000004A;
	s29 =	sshrl.u32 s8, $0x1;
	s11 =	smul.u32 $0x27100, s5  }
0xa: {  	s3 =	sadd.s32 $0x11600, s4;
	s12 =	smul.u32 $0x27100, s6;
	s8 =	ssub.s32 s8, s29  }
0xb: {  	s7 =	sshrl.u32 s7, $0x3;
	s9 =	sshrl.u32 s9, $0x3;
	s11 =	sadd.s32 s10, s11  }
0xc: {  	s6 =	smax.u32 s8, $0x1;
	s7 =	sadd.s32 s7, s4;
	s30 =	sadd.s32 s10, s9  }
0xd: {  	s9 =	sadd.s32 s31, s10;
	s8 =	sadd.s32 $0x23F00, s11;
	s10 =	simm.s32 $0x5  }
0xe: {  	s4 =	sadd.s32 $0x7800, s7;
	s5 =	sadd.s32 $0x25800, s30;
	s7 =	sadd.s32 $0x22600, s11  }
0xf: {  	s9 =	sadd.s32 s12, s9;
	s11 =	simm.s32 $0x190;
	s12 =	simm.s32 $0x2780  }
.LBB2_1:
0x10: {  	[tilespmem:s2], [sflag:$0x5] =	stream.linear.gather [hbm4b:s4+s2], $0x2710, $0x38;
	[tilespmem:$0x1B780] =	vst v63  }
0x11: {  	_ =	swait.ge [sflag:s10], $0x2710  }
0x12: {  	[sflag:s10] =	ssyncset.done $0x0  }
0x13: {  	[sflag:s10] =	ssyncadd.s32 $0xFFFFD8F0  }
0x14: {  	[tilespmem:s12], [sflag:$0x1] =	stream.indirect.gather [hbm4b:s3+s11], $0x80, s2, s11, $0xb8;
	[tilespmem:$0x1B780] =	vst v63  }
0x15: {  	_ = 	snop  }
0x16: {  	[tilespmem:s13], [sflag:$0x2] =	stream.indirect.gather [hbm4b:s3+s11], $0x80, s11, s11, $0xb8;
	[tilespmem:$0x1B780] =	vst v63  }
0x17: {  	_ =	swait.ge [sflag:s14], $0xC800  }
0x18: {  	[sflag:s14] =	ssyncset.done $0x0  }
0x19: {  	s20 =	sadd.s32 $0x0, s9;
	[sflag:s14] =	ssyncadd.s32 $0xFFFF3800  }
0x1a: {  	[hbm4b:s20+s2] =	stream.linear.scatter [tilespmem:s12], [sflag:$0x3], $0xC800, $0x38;
	[tilespmem:$0x1B780] =	vst v63  }
0x1b: {  	_ =	swait.ge [sflag:s15], $0xC800  }
0x1c: {  	[sflag:s15] =	ssyncset.done $0x0  }
0x1d: {  	s21 =	simm.s32 $0x320;
	[sflag:s15] =	ssyncadd.s32 $0xFFFF3800  }
0x1e: {  	[tilespmem:s12], [sflag:$0x1] =	stream.indirect.gather [hbm4b:s3+s11], $0x80, s21, s11, $0xb8;
	[tilespmem:$0x1B780] =	vst v63  }
0x1f: {  	_ =	swait.ge [sflag:s16], $0xC800  }
0x20: {  	[sflag:s16] =	ssyncset.done $0x0  }
0x21: {  	s20 =	sadd.s32 $0x1900, s20;
	[sflag:s16] =	ssyncadd.s32 $0xFFFF3800  }
0x22: {  	[hbm4b:s20+s2] =	stream.linear.scatter [tilespmem:s13], [sflag:$0x4], $0xC800, $0x38;
	[tilespmem:$0x1B780] =	vst v63  }
0x23: {  	_ =	swait.ge [sflag:s17], $0xC800  }
0x24: {  	s22 =	simm.s32 $0x7D0;
	[sflag:s17] =	ssyncset.done $0x0  }
0x25: {  	s21 =	simm.s32 $0x3200;
	s20 =	simm.s32 $0x4B0;
	[sflag:s17] =	ssyncadd.s32 $0xFFFF3800  }
.LBB2_2:
0x26: {  	[tilespmem:s13], [sflag:$0x2] =	stream.indirect.gather [hbm4b:s3+s11], $0x80, s20, s11, $0xb8;
	[tilespmem:$0x1B780] =	vst v63  }
0x27: {  	s23 =	smov.u32 s21;
	s20 =	smov.u32 s22  }
0x28: {  	p0 =	sne.s32 s21, $0x1F400;
	s21 =	sadd.s32 $0x3200, s21;
	_ =	swait.ge [sflag:s14], $0xC800  }
0x29: {  	[sflag:s14] =	ssyncset.done $0x0  }
0x2a: {  	s23 =	sadd.s32 s23, s9;
	[sflag:s14] =	ssyncadd.s32 $0xFFFF3800  }
0x2b: {  	[hbm4b:s23+s2] =	stream.linear.scatter [tilespmem:s12], [sflag:$0x3], $0xC800, $0x38;
	[tilespmem:$0x1B780] =	vst v63  }
0x2c: {  	_ =	swait.ge [sflag:s15], $0xC800  }
0x2d: {  	[sflag:s15] =	ssyncset.done $0x0  }
0x2e: {  	s24 =	sadd.s32 $0xFFFFFE70, s22;
	[sflag:s15] =	ssyncadd.s32 $0xFFFF3800  }
0x2f: {  	[tilespmem:s12], [sflag:$0x1] =	stream.indirect.gather [hbm4b:s3+s11], $0x80, s24, s11, $0xb8;
	[tilespmem:$0x1B780] =	vst v63  }
0x30: {  	_ =	swait.ge [sflag:s16], $0xC800  }
0x31: {  	[sflag:s16] =	ssyncset.done $0x0  }
.Ltmp0:
0x32: {  	s23 =	sadd.s32 $0x1900, s23;
	[sflag:s16] =	ssyncadd.s32 $0xFFFF3800;
	(pc) =	sbr.rel @p0 .LBB2_2-.Ltmp0, $4  }
0x33: {  	[hbm4b:s23+s2] =	stream.linear.scatter [tilespmem:s13], [sflag:$0x4], $0xC800, $0x38;
	[tilespmem:$0x1B780] =	vst v63  }
0x34: {  	_ =	swait.ge [sflag:s17], $0xC800  }
0x35: {  	[sflag:s17] =	ssyncset.done $0x0  }
0x36: {  	s22 =	sadd.s32 $0x320, s22;
	[sflag:s17] =	ssyncadd.s32 $0xFFFF3800  }
0x37: {  	[tilespmem:s13], [sflag:$0x2] =	stream.indirect.gather [hbm4b:s3+s11], $0x80, s20, s11, $0xb8;
	[tilespmem:$0x1B780] =	vst v63  }
0x38: {  	_ =	swait.ge [sflag:s14], $0xC800  }
0x39: {  	[sflag:s14] =	ssyncset.done $0x0  }
0x3a: {  	[sflag:s14] =	ssyncadd.s32 $0xFFFF3800  }
0x3b: {  	[hbm4b:s7+s2] =	stream.linear.scatter [tilespmem:s12], [sflag:$0x3], $0xC800, $0x38;
	[tilespmem:$0x1B780] =	vst v63  }
0x3c: {  	_ =	swait.ge [sflag:s15], $0xC800  }
0x3d: {  	[sflag:s15] =	ssyncset.done $0x0  }
0x3e: {  	[sflag:s15] =	ssyncadd.s32 $0xFFFF3800  }
0x3f: {  	[tilespmem:s12], [sflag:$0x1] =	stream.indirect.gather [hbm4b:s3+s11], $0x80, s18, s11, $0xb8;
	[tilespmem:$0x1B780] =	vst v63  }
0x40: {  	_ =	swait.ge [sflag:s16], $0xC800  }
0x41: {  	[sflag:s16] =	ssyncset.done $0x0  }
0x42: {  	[sflag:s16] =	ssyncadd.s32 $0xFFFF3800  }
0x43: {  	[hbm4b:s8+s2] =	stream.linear.scatter [tilespmem:s13], [sflag:$0x4], $0xC800, $0x38;
	[tilespmem:$0x1B780] =	vst v63  }
0x44: {  	_ =	swait.ge [sflag:s14], $0xC800  }
0x45: {  	[sflag:s14] =	ssyncset.done $0x0  }
0x46: {  	s19 =	sadd.s32 $0x1, s19;
	[sflag:s14] =	ssyncadd.s32 $0xFFFF3800  }
0x47: {  	[hbm4b:s5+s2] =	stream.linear.scatter [tilespmem:s12], [sflag:$0x3], $0xC800, $0x38;
	[tilespmem:$0x1B780] =	vst v63  }
0x48: {  	p0 =	sne.s32 s19, s6;
	_ =	swait.ge [sflag:s17], $0xC800  }
.Ltmp1:
0x49: {  	[sflag:s17] =	ssyncset.done $0x0;
	(pc) =	sbr.rel @p0 .LBB2_1-.Ltmp1, $4  }
0x4a: {  	[sflag:s17] =	ssyncadd.s32 $0xFFFF3800  }
0x4b: {  	_ =	swait.ge [sflag:s15], $0xC800  }
0x4c: {  	[sflag:s15] =	ssyncset.done $0x0  }
0x4d: {  	[sflag:s15] =	ssyncadd.s32 $0xFFFF3800  }
0x4e: {  	_ =	sfence.sel $0x180000  }
0x4f: {  	[bflag:$0x0] =	sbarrier.arrive $0xFFFF  }
0x50: {  	p0 =	sne.s32 s0, $0x0;
	_ =	strace $0x9000004A  }
0x51: {  	s0 =	sadd.s32 @!p0 $0x100000, s1;
	[bflag:$0x2] =	sbarrier.arrive $0xFFFF  }
0x52: {  	[sflag:s0] =	ssyncadd.tile.s32 @!p0 $0x1;
	_ =	shalt  }
.Lfunc_end2:
_tile_overlayer_lowered:
.L_overlay_start_2:
0x53: {  	(tag) =	ssettag $0x2  }
0x54: {  	s0 =	rddreg [dreg:$0x0];
	s2 =	stileid.u32  }
0x55: {  	s1 =	rddreg [dreg:$0x1];
	p0 =	sne.s32 s2, $0x0  }
0x56: {  	s3 =	rddreg [dreg:$0x2];
	[bflag:$0x3] =	sbarrier.arrive $0xFFFF;
	s2 =	simm.s32 @!p0 $0x1C05  }
0x57: {  	[timem:s3], [sflag:s2] =	dma.local @!p0 [hbm:s0], s1  }
0x58: {  	s0 =	simm.s32 @!p0 $0x5  }
0x59: {  	_ =	swait.ge @!p0 [sflag:s0], s1  }
0x5a: {  	s1 =	ssub.s32 @!p0 $0x0, s1;
	[sflag:s0] =	ssyncset.done @!p0 $0x0  }
0x5b: {  	[sflag:s0] =	ssyncadd.s32 @!p0 s1  }
0x5c: {  	[bflag:$0x3] =	sbarrier.arrive $0xFFFF  }
0x5d: {  	_ =	shalt  }

// kernel: kernel.17.cloned.1.call-start
scs
__scs_entry_jumppad:
0x0: {  	(pc) =	sbr.rel $0x88, $3  }
0x1: {  	(tag) =	ssettag $0x0;
	lr =	simm.s32 $0x1  }
0x2: {  	[smem:$0x3F94] =	sst lr;
	_ =	strace $0xD0000000  }
0x3: {  	_ = 	snop  }
0x4: {  	_ = 	snop  }
0x5: {  	_ = 	snop  }
0x6: {  	_ = 	snop  }
0x7: {  	_ = 	snop  }
__scs_overlays_trampoline_lowered:
0x8: {  	[smem:$0x3FA3] =	sst s0  }
0x9: {  	[smem:$0x3FA4] =	sst s1  }
0xa: {  	[smem:$0x3FA5] =	sst s2  }
0xb: {  	[smem:$0x3FA6] =	sst s3  }
0xc: {  	[smem:$0x3FA7] =	sst s4  }
0xd: {  	[smem:$0x3FA8] =	sst s5  }
0xe: {  	[smem:$0x3FA9] =	sst s6  }
0xf: {  	[smem:$0x3FAA] =	sst s7  }
0x10: {  	[smem:$0x3FAB] =	sst s8  }
0x11: {  	[smem:$0x3FAC] =	sst s9;
	s0 =	simm.s32 @!p0 $0x0  }
0x12: {  	s1 =	sld [smem:$0x3F92];
	s0 =	simm.s32 @p0 $0x1  }
0x13: {  	[smem:$0x3FAD] =	sst s0;
	s0 =	simm.s32 @!p1 $0x0  }
0x14: {  	s2 =	sld [smem:$0x3F91];
	s0 =	simm.s32 @p1 $0x1  }
0x15: {  	[smem:$0x3FAE] =	sst s0;
	s0 =	simm.s32 @!p2 $0x0  }
0x16: {  	s3 =	sld [smem:$0x3FDB];
	s0 =	simm.s32 @p2 $0x1  }
0x17: {  	s4 =	simm.s32 $0x1BF5;
	[smem:$0x3FB0] =	sst s0  }
0x18: {  	s0 =	sld [smem:$0x3F93];
	_ =	swait.ge [sflag:s4], $0x0  }
0x19: {  	s7 =	sld [smem:$0x3F94]  }
0x1a: {  	s8 =	sadd.s32 $0xFFFFE003, lr  }
0x1b: {  	s9 =	sadd.s32 $0xFFFFFEF7, lr;
	s5 =	simm.s32 $0xFFFFFFFF;
	p2 =	slt.u32 s8, $0xFFFFF086  }
0x1c: {  	p1 =	slt.u32 s9, $0xF7A;
	s5 =	simm.s32 @!p2 $0x0  }
0x1d: {  	s5 =	simm.s32 @p1 $0x1;
	p0 =	seq.s32 s7, s2  }
0x1e: {  	s7 =	smul.u32 @!p0 $0xF7A, s2;
	p2 =	seq.s32 @!p0 s5, $0x0  }
0x1f: {  	s9 =	smul.u32 $0xF7A, s1;
	s8 =	simm.s32 @!p0 $0x1BF5;
	p2 =	por !p2, p0  }
0x20: {  	[sflag:s8] =	ssyncset.s32 @!p0 $0xFFFFF086;
	s6 =	sadd.s32 @!p0 s3, s7;
	s7 =	simm.s32 @!p0 $0x108  }
0x21: {  	s3 =	sadd.s32 s3, s9;
	s6 =	sadd.s32 @!p0 $0x88, s6;
	s7 =	simm.s32 @p2 $0x1082  }
0x22: {  	[simem:s7], [sflag:s8] =	dma.local @!p0 [hbm:s6], $0xF7A  }
0x23: {  	s9 =	sor.u32 $0xD0000000, s2;
	s6 =	simm.s32 $0x108;
	_ =	swait.ge @!p0 [sflag:s8], $0x0  }
0x24: {  	s3 =	sadd.s32 $0x88, s3;
	s6 =	simm.s32 @!p1 $0x1082;
	[sflag:s4] =	ssyncset.s32 $0xFFFFF086  }
0x25: {  	[simem:s6], [sflag:s4] =	dma.local [hbm:s3], $0xF7A  }
0x26: {  	[smem:$0x3F94] =	sst s1;
	(tag) =	ssettag s2;
	_ =	strace s9  }
0x27: {  	s1 =	sld [smem:$0x3FA4]  }
0x28: {  	s2 =	sld [smem:$0x3FA5]  }
0x29: {  	s4 =	sld [smem:$0x3FA7]  }
0x2a: {  	p0 =	seq.s32 s5, $0x0;
	s5 =	sld [smem:$0x3FA8]  }
0x2b: {  	s6 =	sld [smem:$0x3FA9]  }
0x2c: {  	s7 =	sld [smem:$0x3FAA]  }
0x2d: {  	s3 =	simm.s32 $0x108;
	s8 =	sld [smem:$0x3FAB]  }
0x2e: {  	s3 =	simm.s32 @!p0 $0x1082;
	s9 =	sld [smem:$0x3FAC]  }
0x2f: {  	lr =	sadd.s32 s0, s3;
	s0 =	sld [smem:$0x3FA3]  }
0x30: {  	s3 =	sld [smem:$0x3FA6]  }
0x31: {  	[smem:$0x3FAF] =	sst s10  }
0x32: {  	s10 =	sld [smem:$0x3FAD];
	_ =	sdelay $0x3  }
0x33: {  	p0 =	seq.s32 s10, $0x1;
	s10 =	sld [smem:$0x3FAF];
	_ =	sdelay $0x3  }
0x34: {  	[smem:$0x3FAF] =	sst s10  }
0x35: {  	s10 =	sld [smem:$0x3FAE];
	_ =	sdelay $0x3  }
0x36: {  	p1 =	seq.s32 s10, $0x1;
	s10 =	sld [smem:$0x3FAF];
	_ =	sdelay $0x3  }
0x37: {  	[smem:$0x3FAF] =	sst s10  }
0x38: {  	s10 =	sld [smem:$0x3FB0]  }
0x39: {  	_ = 	snop;
	(pc) =	sbr.ind lr, $3  }
0x3a: {  	_ = 	snop  }
0x3b: {  	_ = 	snop  }
0x3c: {  	p2 =	seq.s32 s10, $0x1;
	s10 =	sld [smem:$0x3FAF]  }
0x3d: {  	_ =	shalt  }
0x3e: {  	_ =	shalt  }
0x3f: {  	_ =	shalt  }
0x40: {  	_ =	shalt  }
0x41: {  	_ =	shalt  }
0x42: {  	_ =	shalt  }
0x43: {  	_ =	shalt  }
0x44: {  	_ =	shalt  }
0x45: {  	_ =	shalt  }
0x46: {  	_ =	shalt  }
0x47: {  	_ =	shalt  }
0x48: {  	_ =	shalt  }
0x49: {  	_ =	shalt  }
0x4a: {  	_ =	shalt  }
0x4b: {  	_ =	shalt  }
0x4c: {  	_ =	shalt  }
0x4d: {  	_ =	shalt  }
0x4e: {  	_ =	shalt  }
0x4f: {  	_ =	shalt  }
0x50: {  	_ =	shalt  }
0x51: {  	_ =	shalt  }
0x52: {  	_ =	shalt  }
0x53: {  	_ =	shalt  }
0x54: {  	_ =	shalt  }
0x55: {  	_ =	shalt  }
0x56: {  	_ =	shalt  }
0x57: {  	_ =	shalt  }
0x58: {  	_ =	shalt  }
0x59: {  	_ =	shalt  }
0x5a: {  	_ =	shalt  }
0x5b: {  	_ =	shalt  }
0x5c: {  	_ =	shalt  }
0x5d: {  	_ =	shalt  }
0x5e: {  	_ =	shalt  }
0x5f: {  	_ =	shalt  }
0x60: {  	_ =	shalt  }
0x61: {  	_ =	shalt  }
0x62: {  	_ =	shalt  }
0x63: {  	_ =	shalt  }
0x64: {  	_ =	shalt  }
0x65: {  	_ =	shalt  }
0x66: {  	_ =	shalt  }
0x67: {  	_ =	shalt  }
0x68: {  	_ =	shalt  }
0x69: {  	_ =	shalt  }
0x6a: {  	_ =	shalt  }
0x6b: {  	_ =	shalt  }
0x6c: {  	_ =	shalt  }
0x6d: {  	_ =	shalt  }
0x6e: {  	_ =	shalt  }
0x6f: {  	_ =	shalt  }
0x70: {  	_ =	shalt  }
0x71: {  	_ =	shalt  }
0x72: {  	_ =	shalt  }
0x73: {  	_ =	shalt  }
0x74: {  	_ =	shalt  }
0x75: {  	_ =	shalt  }
0x76: {  	_ =	shalt  }
0x77: {  	_ =	shalt  }
0x78: {  	_ =	shalt  }
0x79: {  	_ =	shalt  }
0x7a: {  	_ =	shalt  }
0x7b: {  	_ =	shalt  }
0x7c: {  	_ =	shalt  }
0x7d: {  	_ =	shalt  }
0x7e: {  	_ =	shalt  }
0x7f: {  	_ =	shalt  }
0x80: {  	_ =	shalt  }
0x81: {  	_ =	shalt  }
0x82: {  	_ =	shalt  }
0x83: {  	_ =	shalt  }
0x84: {  	_ =	shalt  }
0x85: {  	_ =	shalt  }
0x86: {  	_ =	shalt  }
0x87: {  	_ =	shalt  }
.Lfunc_end0:
.L_simem_size_0:
called_computation.2_lowered:
.L_overlay_start_0:
0x88: {  	s2 =	sld [smem:$0x3FD9]  }
0x89: {  	s3 =	sld [smem:$0x3FFE];
	_ =	sdelay $0x1  }
0x8a: {  	s1 =	srdreg.scid  }
0x8b: {  	s0 =	sand.u32 $0x1, s1  }
0x8c: {  	s16 =	sshll.u32 s0, $0xA;
	s2 =	sadd.s32 s3, s2  }
0x8d: {  	s2 =	sadd.s32 s2, s16  }
0x8e: {  	[smem:$0x3FBB] =	sst s2  }
0x8f: {  	_ = 	snop  }
0x90: {  	(tm) =	ssettm $0x1  }
0x91: {  	s17 =	sld [smem:$0x3FFB];
	_ =	sdelay $0x3  }
0x92: {  	_ =	strace s17  }
0x93: {  	s2 =	sld [smem:$0x3FFC];
	_ =	sdelay $0x3  }
0x94: {  	_ =	strace s2  }
0x95: {  	s2 =	sld [smem:$0x3FFD];
	_ =	sdelay $0x3  }
0x96: {  	_ =	strace s2  }
0x97: {  	_ =	strace $0x8FFFFFFF  }
0x98: {  	s18 =	sld [smem:$0x3FDB];
	_ =	sdelay $0x1  }
0x99: {  	s19 =	simm.s32 $_scs_section_size  }
0x9a: {  	s4 =	simm.s32 $_size__tile_overlayer_lowered;
	s5 =	simm.s32 $_tile_overlayer_lowered  }
0x9b: {  	s22 =	simm.s32 $0x1BFF;
	s21 =	sshll.u32 s5, $0x1;
	s2 =	sadd.s32 s19, s18  }
0x9c: {  	s6 =	simm.s32 $0x0;
	s20 =	sshll.u32 s4, $0x1;
	s4 =	sadd.s32 s21, s2  }
0x9d: {  	[timem:s6], [sflag:s22] =	dma.local [hbm:s4], s20  }
0x9e: {  	_ =	swait.ge [sflag:s22], s20  }
0x9f: {  	s3 =	ssub.s32 $0x0, s20;
	[sflag:s22] =	ssyncset.done $0x0  }
0xa0: {  	[sflag:s22] =	ssyncadd.s32 s3;
	_ =	sdelay $0x1  }
0xa1: {  	s23 =	simm.s32 $0x1B8B  }
0xa2: {  	_ =	swait.ge [sflag:s23], $0x1  }
0xa3: {  	[sflag:s23] =	ssyncset.done $0x0  }
0xa4: {  	s25 =	simm.s32 $0x1B8E;
	s24 =	sld [smem:$0x3FFE];
	[sflag:s23] =	ssyncadd.s32 $0xFFFFFFFF  }
0xa5: {  	s26 =	simm.s32 $execute0_lowered;
	[smem:$0x3FD2] =	sst s25  }
0xa6: {  	s4 =	sshll.u32 s26, $0x1;
	_ =	strace $0x8000004C;
	[dreg:$0x1] =	wrdreg $0xFFFFFFFF  }
0xa7: {  	s28 =	simm.s32 $_size_execute0_lowered;
	s2 =	sadd.s32 s2, s4;
	[dreg:$0x0] =	wrdreg $0x0  }
0xa8: {  	s4 =	sshll.u32 s28, $0x1;
	[dreg:$0x2] =	wrdreg s2  }
0xa9: {  	[dreg:$0x3] =	wrdreg s4  }
0xaa: {  	[dreg:$0x4] =	wrdreg $0xC0  }
0xab: {  	_ =	task [dreg:s6], $0x5FFFF  }
0xac: {  	[dreg:$0x1] =	wrdreg $0xFFFFFFFF  }
0xad: {  	[dreg:$0x0] =	wrdreg $0x60  }
0xae: {  	[dreg:$0x2] =	wrdreg s24  }
0xaf: {  	[dreg:$0x3] =	wrdreg $0x9  }
0xb0: {  	_ =	task.clear_ibuf [dreg:s6], $0x4FFFF;
	_ =	strace $0x9000004C  }
0xb1: {  	s29 =	simm.s32 $0x9;
	_ =	strace $0x8000004E  }
0xb2: {  	_ =	swait.ge [sflag:s29], $0x1  }
0xb3: {  	[sflag:s29] =	ssyncadd.s32 $0xFFFFFFFF  }
0xb4: {  	_ =	strace $0x9000004E  }
0xb5: {  	_ =	sfence  }
0xb6: {  	s30 =	sld [smem:$0x0];
	_ =	sdelay $0x2  }
0xb7: {  	s31 =	sshll.u32 s1, $0xD;
	s1 =	sshrl.u32 s1, $0x2  }
0xb8: {  	s3 =	sand.u32 $0x4000, s31;
	s1 =	sadd.s32 s1, s30  }
0xb9: {  	s0 =	sor.u32 s3, s0;
	s1 =	sshll.u32 s1, $0x11  }
0xba: {  	s0 =	sor.u32 s1, s0  }
0xbb: {  	s0 =	sadd.s32 $0x8F2B, s0  }
0xbc: {  	[sflag:s0] =	ssyncadd.remote.s32 $0x1  }
0xbd: {  	_ =	sfence.sel $0xFFFF  }
0xbe: {  	[dreg:$0x0] =	wrdreg $0xFFFFFFFF;
	(pc) =	sbr.abs _section_cstart, $3  }
0xbf: {  	[dreg:$0x1] =	wrdreg $0xFFFFFFFF  }
0xc0: {  	_ =	task.clear_ibuf [dreg:s6], $0x2FFFF;
	_ =	strace $0x9FFFFFFF  }
0xc1: {  	(tm) =	ssettm $0x7FFFFFFF  }
tec
execute0_lowered:
.L_overlay_start_1:
0x0: {  	(tag) =	ssettag $0x1  }
0x1: {  	s1 =	srdreg.scid  }
0x2: {  	s0 =	stileid.u32;
	s4 =	rddreg [dreg:$0x0]  }
0x3: {  	s2 =	simm.s32 $0x0;
	s13 =	simm.s32 $0xEF80;
	s14 =	simm.s32 $0x1  }
0x4: {  	s15 =	simm.s32 $0x3;
	s16 =	simm.s32 $0x2;
	s17 =	simm.s32 $0x4  }
0x5: {  	s18 =	simm.s32 $0x2580;
	s6 =	sand.u32 $0x1, s1;
	s3 =	sshll.u32 s0, $0x1  }
0x6: {  	s1 =	rddreg [dreg:$0x1];
	s31 =	smul.u32 $0x4E200, s0;
	s5 =	sor.u32 s6, s3  }
0x7: {  	s19 =	simm.s32 $0x0;
	[smem:$0x7FF] =	sst s2;
	s7 =	smul.u32 $0x2710, s5  }
0x8: {  	s10 =	sadd.s32 $0x11600, s4;
	s8 =	ssub.s32 $0x2, s6;
	s9 =	smul.u32 $0x138800, s5  }
0x9: {  	_ =	strace $0x8000004D;
	s29 =	sshrl.u32 s8, $0x1;
	s11 =	smul.u32 $0x27100, s5  }
0xa: {  	s3 =	sadd.s32 $0x6A2400, s4;
	s12 =	smul.u32 $0x27100, s6;
	s8 =	ssub.s32 s8, s29  }
0xb: {  	s7 =	sshrl.u32 s7, $0x3;
	s9 =	sshrl.u32 s9, $0x3;
	s11 =	sadd.s32 s10, s11  }
0xc: {  	s6 =	smax.u32 s8, $0x1;
	s7 =	sadd.s32 s7, s4;
	s30 =	sadd.s32 s10, s9  }
0xd: {  	s9 =	sadd.s32 s31, s10;
	s8 =	sadd.s32 $0x23F00, s11;
	s10 =	simm.s32 $0x5  }
0xe: {  	s4 =	sadd.s32 $0x7800, s7;
	s5 =	sadd.s32 $0x25800, s30;
	s7 =	sadd.s32 $0x22600, s11  }
0xf: {  	s9 =	sadd.s32 s12, s9;
	s11 =	simm.s32 $0x190;
	s12 =	simm.s32 $0x2780  }
.LBB2_1:
0x10: {  	[tilespmem:s2], [sflag:$0x5] =	stream.linear.gather [hbm4b:s4+s2], $0x2710, $0x38;
	[tilespmem:$0x1B780] =	vst v63  }
0x11: {  	_ =	swait.ge [sflag:s10], $0x2710  }
0x12: {  	[sflag:s10] =	ssyncset.done $0x0  }
0x13: {  	[sflag:s10] =	ssyncadd.s32 $0xFFFFD8F0  }
0x14: {  	[tilespmem:s12], [sflag:$0x1] =	stream.indirect.gather [hbm4b:s3+s11], $0x80, s2, s11, $0xb8;
	[tilespmem:$0x1B780] =	vst v63  }
0x15: {  	_ = 	snop  }
0x16: {  	[tilespmem:s13], [sflag:$0x2] =	stream.indirect.gather [hbm4b:s3+s11], $0x80, s11, s11, $0xb8;
	[tilespmem:$0x1B780] =	vst v63  }
0x17: {  	_ =	swait.ge [sflag:s14], $0xC800  }
0x18: {  	[sflag:s14] =	ssyncset.done $0x0  }
0x19: {  	s20 =	sadd.s32 $0x0, s9;
	[sflag:s14] =	ssyncadd.s32 $0xFFFF3800  }
0x1a: {  	[hbm4b:s20+s2] =	stream.linear.scatter [tilespmem:s12], [sflag:$0x3], $0xC800, $0x38;
	[tilespmem:$0x1B780] =	vst v63  }
0x1b: {  	_ =	swait.ge [sflag:s15], $0xC800  }
0x1c: {  	[sflag:s15] =	ssyncset.done $0x0  }
0x1d: {  	s21 =	simm.s32 $0x320;
	[sflag:s15] =	ssyncadd.s32 $0xFFFF3800  }
0x1e: {  	[tilespmem:s12], [sflag:$0x1] =	stream.indirect.gather [hbm4b:s3+s11], $0x80, s21, s11, $0xb8;
	[tilespmem:$0x1B780] =	vst v63  }
0x1f: {  	_ =	swait.ge [sflag:s16], $0xC800  }
0x20: {  	[sflag:s16] =	ssyncset.done $0x0  }
0x21: {  	s20 =	sadd.s32 $0x1900, s20;
	[sflag:s16] =	ssyncadd.s32 $0xFFFF3800  }
0x22: {  	[hbm4b:s20+s2] =	stream.linear.scatter [tilespmem:s13], [sflag:$0x4], $0xC800, $0x38;
	[tilespmem:$0x1B780] =	vst v63  }
0x23: {  	_ =	swait.ge [sflag:s17], $0xC800  }
0x24: {  	s22 =	simm.s32 $0x7D0;
	[sflag:s17] =	ssyncset.done $0x0  }
0x25: {  	s21 =	simm.s32 $0x3200;
	s20 =	simm.s32 $0x4B0;
	[sflag:s17] =	ssyncadd.s32 $0xFFFF3800  }
.LBB2_2:
0x26: {  	[tilespmem:s13], [sflag:$0x2] =	stream.indirect.gather [hbm4b:s3+s11], $0x80, s20, s11, $0xb8;
	[tilespmem:$0x1B780] =	vst v63  }
0x27: {  	s23 =	smov.u32 s21;
	s20 =	smov.u32 s22  }
0x28: {  	p0 =	sne.s32 s21, $0x1F400;
	s21 =	sadd.s32 $0x3200, s21;
	_ =	swait.ge [sflag:s14], $0xC800  }
0x29: {  	[sflag:s14] =	ssyncset.done $0x0  }
0x2a: {  	s23 =	sadd.s32 s23, s9;
	[sflag:s14] =	ssyncadd.s32 $0xFFFF3800  }
0x2b: {  	[hbm4b:s23+s2] =	stream.linear.scatter [tilespmem:s12], [sflag:$0x3], $0xC800, $0x38;
	[tilespmem:$0x1B780] =	vst v63  }
0x2c: {  	_ =	swait.ge [sflag:s15], $0xC800  }
0x2d: {  	[sflag:s15] =	ssyncset.done $0x0  }
0x2e: {  	s24 =	sadd.s32 $0xFFFFFE70, s22;
	[sflag:s15] =	ssyncadd.s32 $0xFFFF3800  }
0x2f: {  	[tilespmem:s12], [sflag:$0x1] =	stream.indirect.gather [hbm4b:s3+s11], $0x80, s24, s11, $0xb8;
	[tilespmem:$0x1B780] =	vst v63  }
0x30: {  	_ =	swait.ge [sflag:s16], $0xC800  }
0x31: {  	[sflag:s16] =	ssyncset.done $0x0  }
.Ltmp0:
0x32: {  	s23 =	sadd.s32 $0x1900, s23;
	[sflag:s16] =	ssyncadd.s32 $0xFFFF3800;
	(pc) =	sbr.rel @p0 .LBB2_2-.Ltmp0, $4  }
0x33: {  	[hbm4b:s23+s2] =	stream.linear.scatter [tilespmem:s13], [sflag:$0x4], $0xC800, $0x38;
	[tilespmem:$0x1B780] =	vst v63  }
0x34: {  	_ =	swait.ge [sflag:s17], $0xC800  }
0x35: {  	[sflag:s17] =	ssyncset.done $0x0  }
0x36: {  	s22 =	sadd.s32 $0x320, s22;
	[sflag:s17] =	ssyncadd.s32 $0xFFFF3800  }
0x37: {  	[tilespmem:s13], [sflag:$0x2] =	stream.indirect.gather [hbm4b:s3+s11], $0x80, s20, s11, $0xb8;
	[tilespmem:$0x1B780] =	vst v63  }
0x38: {  	_ =	swait.ge [sflag:s14], $0xC800  }
0x39: {  	[sflag:s14] =	ssyncset.done $0x0  }
0x3a: {  	[sflag:s14] =	ssyncadd.s32 $0xFFFF3800  }
0x3b: {  	[hbm4b:s7+s2] =	stream.linear.scatter [tilespmem:s12], [sflag:$0x3], $0xC800, $0x38;
	[tilespmem:$0x1B780] =	vst v63  }
0x3c: {  	_ =	swait.ge [sflag:s15], $0xC800  }
0x3d: {  	[sflag:s15] =	ssyncset.done $0x0  }
0x3e: {  	[sflag:s15] =	ssyncadd.s32 $0xFFFF3800  }
0x3f: {  	[tilespmem:s12], [sflag:$0x1] =	stream.indirect.gather [hbm4b:s3+s11], $0x80, s18, s11, $0xb8;
	[tilespmem:$0x1B780] =	vst v63  }
0x40: {  	_ =	swait.ge [sflag:s16], $0xC800  }
0x41: {  	[sflag:s16] =	ssyncset.done $0x0  }
0x42: {  	[sflag:s16] =	ssyncadd.s32 $0xFFFF3800  }
0x43: {  	[hbm4b:s8+s2] =	stream.linear.scatter [tilespmem:s13], [sflag:$0x4], $0xC800, $0x38;
	[tilespmem:$0x1B780] =	vst v63  }
0x44: {  	_ =	swait.ge [sflag:s14], $0xC800  }
0x45: {  	[sflag:s14] =	ssyncset.done $0x0  }
0x46: {  	s19 =	sadd.s32 $0x1, s19;
	[sflag:s14] =	ssyncadd.s32 $0xFFFF3800  }
0x47: {  	[hbm4b:s5+s2] =	stream.linear.scatter [tilespmem:s12], [sflag:$0x3], $0xC800, $0x38;
	[tilespmem:$0x1B780] =	vst v63  }
0x48: {  	p0 =	sne.s32 s19, s6;
	_ =	swait.ge [sflag:s17], $0xC800  }
.Ltmp1:
0x49: {  	[sflag:s17] =	ssyncset.done $0x0;
	(pc) =	sbr.rel @p0 .LBB2_1-.Ltmp1, $4  }
0x4a: {  	[sflag:s17] =	ssyncadd.s32 $0xFFFF3800  }
0x4b: {  	_ =	swait.ge [sflag:s15], $0xC800  }
0x4c: {  	[sflag:s15] =	ssyncset.done $0x0  }
0x4d: {  	[sflag:s15] =	ssyncadd.s32 $0xFFFF3800  }
0x4e: {  	_ =	sfence.sel $0x180000  }
0x4f: {  	[bflag:$0x0] =	sbarrier.arrive $0xFFFF  }
0x50: {  	p0 =	sne.s32 s0, $0x0;
	_ =	strace $0x9000004D  }
0x51: {  	s0 =	sadd.s32 @!p0 $0x100000, s1;
	[bflag:$0x2] =	sbarrier.arrive $0xFFFF  }
0x52: {  	[sflag:s0] =	ssyncadd.tile.s32 @!p0 $0x1;
	_ =	shalt  }
.Lfunc_end2:
_tile_overlayer_lowered:
.L_overlay_start_2:
0x53: {  	(tag) =	ssettag $0x2  }
0x54: {  	s0 =	rddreg [dreg:$0x0];
	s2 =	stileid.u32  }
0x55: {  	s1 =	rddreg [dreg:$0x1];
	p0 =	sne.s32 s2, $0x0  }
0x56: {  	s3 =	rddreg [dreg:$0x2];
	[bflag:$0x3] =	sbarrier.arrive $0xFFFF;
	s2 =	simm.s32 @!p0 $0x1C05  }
0x57: {  	[timem:s3], [sflag:s2] =	dma.local @!p0 [hbm:s0], s1  }
0x58: {  	s0 =	simm.s32 @!p0 $0x5  }
0x59: {  	_ =	swait.ge @!p0 [sflag:s0], s1  }
0x5a: {  	s1 =	ssub.s32 @!p0 $0x0, s1;
	[sflag:s0] =	ssyncset.done @!p0 $0x0  }
0x5b: {  	[sflag:s0] =	ssyncadd.s32 @!p0 s1  }
0x5c: {  	[bflag:$0x3] =	sbarrier.arrive $0xFFFF  }
0x5d: {  	_ =	shalt  }

// kernel: kernel.20.cloned.1.call-start
scs
__scs_entry_jumppad:
0x0: {  	(pc) =	sbr.rel $0x88, $3  }
0x1: {  	(tag) =	ssettag $0x0;
	lr =	simm.s32 $0x1  }
0x2: {  	[smem:$0x3F94] =	sst lr;
	_ =	strace $0xD0000000  }
0x3: {  	_ = 	snop  }
0x4: {  	_ = 	snop  }
0x5: {  	_ = 	snop  }
0x6: {  	_ = 	snop  }
0x7: {  	_ = 	snop  }
__scs_overlays_trampoline_lowered:
0x8: {  	[smem:$0x3FA3] =	sst s0  }
0x9: {  	[smem:$0x3FA4] =	sst s1  }
0xa: {  	[smem:$0x3FA5] =	sst s2  }
0xb: {  	[smem:$0x3FA6] =	sst s3  }
0xc: {  	[smem:$0x3FA7] =	sst s4  }
0xd: {  	[smem:$0x3FA8] =	sst s5  }
0xe: {  	[smem:$0x3FA9] =	sst s6  }
0xf: {  	[smem:$0x3FAA] =	sst s7  }
0x10: {  	[smem:$0x3FAB] =	sst s8  }
0x11: {  	[smem:$0x3FAC] =	sst s9;
	s0 =	simm.s32 @!p0 $0x0  }
0x12: {  	s1 =	sld [smem:$0x3F92];
	s0 =	simm.s32 @p0 $0x1  }
0x13: {  	[smem:$0x3FAD] =	sst s0;
	s0 =	simm.s32 @!p1 $0x0  }
0x14: {  	s2 =	sld [smem:$0x3F91];
	s0 =	simm.s32 @p1 $0x1  }
0x15: {  	[smem:$0x3FAE] =	sst s0;
	s0 =	simm.s32 @!p2 $0x0  }
0x16: {  	s3 =	sld [smem:$0x3FDB];
	s0 =	simm.s32 @p2 $0x1  }
0x17: {  	s4 =	simm.s32 $0x1BF5;
	[smem:$0x3FB0] =	sst s0  }
0x18: {  	s0 =	sld [smem:$0x3F93];
	_ =	swait.ge [sflag:s4], $0x0  }
0x19: {  	s7 =	sld [smem:$0x3F94]  }
0x1a: {  	s8 =	sadd.s32 $0xFFFFE003, lr  }
0x1b: {  	s9 =	sadd.s32 $0xFFFFFEF7, lr;
	s5 =	simm.s32 $0xFFFFFFFF;
	p2 =	slt.u32 s8, $0xFFFFF086  }
0x1c: {  	p1 =	slt.u32 s9, $0xF7A;
	s5 =	simm.s32 @!p2 $0x0  }
0x1d: {  	s5 =	simm.s32 @p1 $0x1;
	p0 =	seq.s32 s7, s2  }
0x1e: {  	s7 =	smul.u32 @!p0 $0xF7A, s2;
	p2 =	seq.s32 @!p0 s5, $0x0  }
0x1f: {  	s9 =	smul.u32 $0xF7A, s1;
	s8 =	simm.s32 @!p0 $0x1BF5;
	p2 =	por !p2, p0  }
0x20: {  	[sflag:s8] =	ssyncset.s32 @!p0 $0xFFFFF086;
	s6 =	sadd.s32 @!p0 s3, s7;
	s7 =	simm.s32 @!p0 $0x108  }
0x21: {  	s3 =	sadd.s32 s3, s9;
	s6 =	sadd.s32 @!p0 $0x88, s6;
	s7 =	simm.s32 @p2 $0x1082  }
0x22: {  	[simem:s7], [sflag:s8] =	dma.local @!p0 [hbm:s6], $0xF7A  }
0x23: {  	s9 =	sor.u32 $0xD0000000, s2;
	s6 =	simm.s32 $0x108;
	_ =	swait.ge @!p0 [sflag:s8], $0x0  }
0x24: {  	s3 =	sadd.s32 $0x88, s3;
	s6 =	simm.s32 @!p1 $0x1082;
	[sflag:s4] =	ssyncset.s32 $0xFFFFF086  }
0x25: {  	[simem:s6], [sflag:s4] =	dma.local [hbm:s3], $0xF7A  }
0x26: {  	[smem:$0x3F94] =	sst s1;
	(tag) =	ssettag s2;
	_ =	strace s9  }
0x27: {  	s1 =	sld [smem:$0x3FA4]  }
0x28: {  	s2 =	sld [smem:$0x3FA5]  }
0x29: {  	s4 =	sld [smem:$0x3FA7]  }
0x2a: {  	p0 =	seq.s32 s5, $0x0;
	s5 =	sld [smem:$0x3FA8]  }
0x2b: {  	s6 =	sld [smem:$0x3FA9]  }
0x2c: {  	s7 =	sld [smem:$0x3FAA]  }
0x2d: {  	s3 =	simm.s32 $0x108;
	s8 =	sld [smem:$0x3FAB]  }
0x2e: {  	s3 =	simm.s32 @!p0 $0x1082;
	s9 =	sld [smem:$0x3FAC]  }
0x2f: {  	lr =	sadd.s32 s0, s3;
	s0 =	sld [smem:$0x3FA3]  }
0x30: {  	s3 =	sld [smem:$0x3FA6]  }
0x31: {  	[smem:$0x3FAF] =	sst s10  }
0x32: {  	s10 =	sld [smem:$0x3FAD];
	_ =	sdelay $0x3  }
0x33: {  	p0 =	seq.s32 s10, $0x1;
	s10 =	sld [smem:$0x3FAF];
	_ =	sdelay $0x3  }
0x34: {  	[smem:$0x3FAF] =	sst s10  }
0x35: {  	s10 =	sld [smem:$0x3FAE];
	_ =	sdelay $0x3  }
0x36: {  	p1 =	seq.s32 s10, $0x1;
	s10 =	sld [smem:$0x3FAF];
	_ =	sdelay $0x3  }
0x37: {  	[smem:$0x3FAF] =	sst s10  }
0x38: {  	s10 =	sld [smem:$0x3FB0]  }
0x39: {  	_ = 	snop;
	(pc) =	sbr.ind lr, $3  }
0x3a: {  	_ = 	snop  }
0x3b: {  	_ = 	snop  }
0x3c: {  	p2 =	seq.s32 s10, $0x1;
	s10 =	sld [smem:$0x3FAF]  }
0x3d: {  	_ =	shalt  }
0x3e: {  	_ =	shalt  }
0x3f: {  	_ =	shalt  }
0x40: {  	_ =	shalt  }
0x41: {  	_ =	shalt  }
0x42: {  	_ =	shalt  }
0x43: {  	_ =	shalt  }
0x44: {  	_ =	shalt  }
0x45: {  	_ =	shalt  }
0x46: {  	_ =	shalt  }
0x47: {  	_ =	shalt  }
0x48: {  	_ =	shalt  }
0x49: {  	_ =	shalt  }
0x4a: {  	_ =	shalt  }
0x4b: {  	_ =	shalt  }
0x4c: {  	_ =	shalt  }
0x4d: {  	_ =	shalt  }
0x4e: {  	_ =	shalt  }
0x4f: {  	_ =	shalt  }
0x50: {  	_ =	shalt  }
0x51: {  	_ =	shalt  }
0x52: {  	_ =	shalt  }
0x53: {  	_ =	shalt  }
0x54: {  	_ =	shalt  }
0x55: {  	_ =	shalt  }
0x56: {  	_ =	shalt  }
0x57: {  	_ =	shalt  }
0x58: {  	_ =	shalt  }
0x59: {  	_ =	shalt  }
0x5a: {  	_ =	shalt  }
0x5b: {  	_ =	shalt  }
0x5c: {  	_ =	shalt  }
0x5d: {  	_ =	shalt  }
0x5e: {  	_ =	shalt  }
0x5f: {  	_ =	shalt  }
0x60: {  	_ =	shalt  }
0x61: {  	_ =	shalt  }
0x62: {  	_ =	shalt  }
0x63: {  	_ =	shalt  }
0x64: {  	_ =	shalt  }
0x65: {  	_ =	shalt  }
0x66: {  	_ =	shalt  }
0x67: {  	_ =	shalt  }
0x68: {  	_ =	shalt  }
0x69: {  	_ =	shalt  }
0x6a: {  	_ =	shalt  }
0x6b: {  	_ =	shalt  }
0x6c: {  	_ =	shalt  }
0x6d: {  	_ =	shalt  }
0x6e: {  	_ =	shalt  }
0x6f: {  	_ =	shalt  }
0x70: {  	_ =	shalt  }
0x71: {  	_ =	shalt  }
0x72: {  	_ =	shalt  }
0x73: {  	_ =	shalt  }
0x74: {  	_ =	shalt  }
0x75: {  	_ =	shalt  }
0x76: {  	_ =	shalt  }
0x77: {  	_ =	shalt  }
0x78: {  	_ =	shalt  }
0x79: {  	_ =	shalt  }
0x7a: {  	_ =	shalt  }
0x7b: {  	_ =	shalt  }
0x7c: {  	_ =	shalt  }
0x7d: {  	_ =	shalt  }
0x7e: {  	_ =	shalt  }
0x7f: {  	_ =	shalt  }
0x80: {  	_ =	shalt  }
0x81: {  	_ =	shalt  }
0x82: {  	_ =	shalt  }
0x83: {  	_ =	shalt  }
0x84: {  	_ =	shalt  }
0x85: {  	_ =	shalt  }
0x86: {  	_ =	shalt  }
0x87: {  	_ =	shalt  }
.Lfunc_end0:
.L_simem_size_0:
called_computation.3_lowered:
.L_overlay_start_0:
0x88: {  	s2 =	sld [smem:$0x3FD9]  }
0x89: {  	s3 =	sld [smem:$0x3FFE];
	_ =	sdelay $0x1  }
0x8a: {  	s1 =	srdreg.scid  }
0x8b: {  	s0 =	sand.u32 $0x1, s1  }
0x8c: {  	s16 =	sshll.u32 s0, $0xA;
	s2 =	sadd.s32 s3, s2  }
0x8d: {  	s2 =	sadd.s32 s2, s16  }
0x8e: {  	[smem:$0x3FBB] =	sst s2  }
0x8f: {  	_ = 	snop  }
0x90: {  	(tm) =	ssettm $0x1  }
0x91: {  	s17 =	sld [smem:$0x3FFB];
	_ =	sdelay $0x3  }
0x92: {  	_ =	strace s17  }
0x93: {  	s2 =	sld [smem:$0x3FFC];
	_ =	sdelay $0x3  }
0x94: {  	_ =	strace s2  }
0x95: {  	s2 =	sld [smem:$0x3FFD];
	_ =	sdelay $0x3  }
0x96: {  	_ =	strace s2  }
0x97: {  	_ =	strace $0x8FFFFFFF  }
0x98: {  	s18 =	sld [smem:$0x3FDB];
	_ =	sdelay $0x1  }
0x99: {  	s19 =	simm.s32 $_scs_section_size  }
0x9a: {  	s4 =	simm.s32 $_size__tile_overlayer_lowered;
	s5 =	simm.s32 $_tile_overlayer_lowered  }
0x9b: {  	s22 =	simm.s32 $0x1BFF;
	s21 =	sshll.u32 s5, $0x1;
	s2 =	sadd.s32 s19, s18  }
0x9c: {  	s6 =	simm.s32 $0x0;
	s20 =	sshll.u32 s4, $0x1;
	s4 =	sadd.s32 s21, s2  }
0x9d: {  	[timem:s6], [sflag:s22] =	dma.local [hbm:s4], s20  }
0x9e: {  	_ =	swait.ge [sflag:s22], s20  }
0x9f: {  	s3 =	ssub.s32 $0x0, s20;
	[sflag:s22] =	ssyncset.done $0x0  }
0xa0: {  	[sflag:s22] =	ssyncadd.s32 s3;
	_ =	sdelay $0x1  }
0xa1: {  	s23 =	simm.s32 $0x1B8B  }
0xa2: {  	_ =	swait.ge [sflag:s23], $0x1  }
0xa3: {  	[sflag:s23] =	ssyncset.done $0x0  }
0xa4: {  	s25 =	simm.s32 $0x1B8E;
	s24 =	sld [smem:$0x3FFE];
	[sflag:s23] =	ssyncadd.s32 $0xFFFFFFFF  }
0xa5: {  	s26 =	simm.s32 $execute0_lowered;
	[smem:$0x3FD2] =	sst s25  }
0xa6: {  	s4 =	sshll.u32 s26, $0x1;
	_ =	strace $0x8000004F;
	[dreg:$0x1] =	wrdreg $0xFFFFFFFF  }
0xa7: {  	s28 =	simm.s32 $_size_execute0_lowered;
	s2 =	sadd.s32 s2, s4;
	[dreg:$0x0] =	wrdreg $0x0  }
0xa8: {  	s4 =	sshll.u32 s28, $0x1;
	[dreg:$0x2] =	wrdreg s2  }
0xa9: {  	[dreg:$0x3] =	wrdreg s4  }
0xaa: {  	[dreg:$0x4] =	wrdreg $0xC0  }
0xab: {  	_ =	task [dreg:s6], $0x5FFFF  }
0xac: {  	[dreg:$0x1] =	wrdreg $0xFFFFFFFF  }
0xad: {  	[dreg:$0x0] =	wrdreg $0x60  }
0xae: {  	[dreg:$0x2] =	wrdreg s24  }
0xaf: {  	[dreg:$0x3] =	wrdreg $0x9  }
0xb0: {  	_ =	task.clear_ibuf [dreg:s6], $0x4FFFF;
	_ =	strace $0x9000004F  }
0xb1: {  	s29 =	simm.s32 $0x9;
	_ =	strace $0x80000051  }
0xb2: {  	_ =	swait.ge [sflag:s29], $0x1  }
0xb3: {  	[sflag:s29] =	ssyncadd.s32 $0xFFFFFFFF  }
0xb4: {  	_ =	strace $0x90000051  }
0xb5: {  	_ =	sfence  }
0xb6: {  	s30 =	sld [smem:$0x0];
	_ =	sdelay $0x2  }
0xb7: {  	s31 =	sshll.u32 s1, $0xD;
	s1 =	sshrl.u32 s1, $0x2  }
0xb8: {  	s3 =	sand.u32 $0x4000, s31;
	s1 =	sadd.s32 s1, s30  }
0xb9: {  	s0 =	sor.u32 s3, s0;
	s1 =	sshll.u32 s1, $0x11  }
0xba: {  	s0 =	sor.u32 s1, s0  }
0xbb: {  	s0 =	sadd.s32 $0x8F2B, s0  }
0xbc: {  	[sflag:s0] =	ssyncadd.remote.s32 $0x1  }
0xbd: {  	_ =	sfence.sel $0xFFFF  }
0xbe: {  	[dreg:$0x0] =	wrdreg $0xFFFFFFFF;
	(pc) =	sbr.abs _section_cstart, $3  }
0xbf: {  	[dreg:$0x1] =	wrdreg $0xFFFFFFFF  }
0xc0: {  	_ =	task.clear_ibuf [dreg:s6], $0x2FFFF;
	_ =	strace $0x9FFFFFFF  }
0xc1: {  	(tm) =	ssettm $0x7FFFFFFF  }
tec
execute0_lowered:
.L_overlay_start_1:
0x0: {  	(tag) =	ssettag $0x1  }
0x1: {  	s1 =	srdreg.scid  }
0x2: {  	s0 =	stileid.u32;
	s4 =	rddreg [dreg:$0x0]  }
0x3: {  	s2 =	simm.s32 $0x0;
	s13 =	simm.s32 $0xEF80;
	s14 =	simm.s32 $0x1  }
0x4: {  	s15 =	simm.s32 $0x3;
	s16 =	simm.s32 $0x2;
	s17 =	simm.s32 $0x4  }
0x5: {  	s18 =	simm.s32 $0x2580;
	s6 =	sand.u32 $0x1, s1;
	s3 =	sshll.u32 s0, $0x1  }
0x6: {  	s1 =	rddreg [dreg:$0x1];
	s31 =	smul.u32 $0x4E200, s0;
	s5 =	sor.u32 s6, s3  }
0x7: {  	s19 =	simm.s32 $0x0;
	[smem:$0x7FF] =	sst s2;
	s7 =	smul.u32 $0x2710, s5  }
0x8: {  	s10 =	sadd.s32 $0x11600, s4;
	s8 =	ssub.s32 $0x2, s6;
	s9 =	smul.u32 $0x138800, s5  }
0x9: {  	_ =	strace $0x80000050;
	s29 =	sshrl.u32 s8, $0x1;
	s11 =	smul.u32 $0x27100, s5  }
0xa: {  	s3 =	sadd.s32 $0x569C00, s4;
	s12 =	smul.u32 $0x27100, s6;
	s8 =	ssub.s32 s8, s29  }
0xb: {  	s7 =	sshrl.u32 s7, $0x3;
	s9 =	sshrl.u32 s9, $0x3;
	s11 =	sadd.s32 s10, s11  }
0xc: {  	s6 =	smax.u32 s8, $0x1;
	s7 =	sadd.s32 s7, s4;
	s30 =	sadd.s32 s10, s9  }
0xd: {  	s9 =	sadd.s32 s31, s10;
	s8 =	sadd.s32 $0x23F00, s11;
	s10 =	simm.s32 $0x5  }
0xe: {  	s4 =	sadd.s32 $0x7800, s7;
	s5 =	sadd.s32 $0x25800, s30;
	s7 =	sadd.s32 $0x22600, s11  }
0xf: {  	s9 =	sadd.s32 s12, s9;
	s11 =	simm.s32 $0x190;
	s12 =	simm.s32 $0x2780  }
.LBB2_1:
0x10: {  	[tilespmem:s2], [sflag:$0x5] =	stream.linear.gather [hbm4b:s4+s2], $0x2710, $0x38;
	[tilespmem:$0x1B780] =	vst v63  }
0x11: {  	_ =	swait.ge [sflag:s10], $0x2710  }
0x12: {  	[sflag:s10] =	ssyncset.done $0x0  }
0x13: {  	[sflag:s10] =	ssyncadd.s32 $0xFFFFD8F0  }
0x14: {  	[tilespmem:s12], [sflag:$0x1] =	stream.indirect.gather [hbm4b:s3+s11], $0x80, s2, s11, $0xb8;
	[tilespmem:$0x1B780] =	vst v63  }
0x15: {  	_ = 	snop  }
0x16: {  	[tilespmem:s13], [sflag:$0x2] =	stream.indirect.gather [hbm4b:s3+s11], $0x80, s11, s11, $0xb8;
	[tilespmem:$0x1B780] =	vst v63  }
0x17: {  	_ =	swait.ge [sflag:s14], $0xC800  }
0x18: {  	[sflag:s14] =	ssyncset.done $0x0  }
0x19: {  	s20 =	sadd.s32 $0x0, s9;
	[sflag:s14] =	ssyncadd.s32 $0xFFFF3800  }
0x1a: {  	[hbm4b:s20+s2] =	stream.linear.scatter [tilespmem:s12], [sflag:$0x3], $0xC800, $0x38;
	[tilespmem:$0x1B780] =	vst v63  }
0x1b: {  	_ =	swait.ge [sflag:s15], $0xC800  }
0x1c: {  	[sflag:s15] =	ssyncset.done $0x0  }
0x1d: {  	s21 =	simm.s32 $0x320;
	[sflag:s15] =	ssyncadd.s32 $0xFFFF3800  }
0x1e: {  	[tilespmem:s12], [sflag:$0x1] =	stream.indirect.gather [hbm4b:s3+s11], $0x80, s21, s11, $0xb8;
	[tilespmem:$0x1B780] =	vst v63  }
0x1f: {  	_ =	swait.ge [sflag:s16], $0xC800  }
0x20: {  	[sflag:s16] =	ssyncset.done $0x0  }
0x21: {  	s20 =	sadd.s32 $0x1900, s20;
	[sflag:s16] =	ssyncadd.s32 $0xFFFF3800  }
0x22: {  	[hbm4b:s20+s2] =	stream.linear.scatter [tilespmem:s13], [sflag:$0x4], $0xC800, $0x38;
	[tilespmem:$0x1B780] =	vst v63  }
0x23: {  	_ =	swait.ge [sflag:s17], $0xC800  }
0x24: {  	s22 =	simm.s32 $0x7D0;
	[sflag:s17] =	ssyncset.done $0x0  }
0x25: {  	s21 =	simm.s32 $0x3200;
	s20 =	simm.s32 $0x4B0;
	[sflag:s17] =	ssyncadd.s32 $0xFFFF3800  }
.LBB2_2:
0x26: {  	[tilespmem:s13], [sflag:$0x2] =	stream.indirect.gather [hbm4b:s3+s11], $0x80, s20, s11, $0xb8;
	[tilespmem:$0x1B780] =	vst v63  }
0x27: {  	s23 =	smov.u32 s21;
	s20 =	smov.u32 s22  }
0x28: {  	p0 =	sne.s32 s21, $0x1F400;
	s21 =	sadd.s32 $0x3200, s21;
	_ =	swait.ge [sflag:s14], $0xC800  }
0x29: {  	[sflag:s14] =	ssyncset.done $0x0  }
0x2a: {  	s23 =	sadd.s32 s23, s9;
	[sflag:s14] =	ssyncadd.s32 $0xFFFF3800  }
0x2b: {  	[hbm4b:s23+s2] =	stream.linear.scatter [tilespmem:s12], [sflag:$0x3], $0xC800, $0x38;
	[tilespmem:$0x1B780] =	vst v63  }
0x2c: {  	_ =	swait.ge [sflag:s15], $0xC800  }
0x2d: {  	[sflag:s15] =	ssyncset.done $0x0  }
0x2e: {  	s24 =	sadd.s32 $0xFFFFFE70, s22;
	[sflag:s15] =	ssyncadd.s32 $0xFFFF3800  }
0x2f: {  	[tilespmem:s12], [sflag:$0x1] =	stream.indirect.gather [hbm4b:s3+s11], $0x80, s24, s11, $0xb8;
	[tilespmem:$0x1B780] =	vst v63  }
0x30: {  	_ =	swait.ge [sflag:s16], $0xC800  }
0x31: {  	[sflag:s16] =	ssyncset.done $0x0  }
.Ltmp0:
0x32: {  	s23 =	sadd.s32 $0x1900, s23;
	[sflag:s16] =	ssyncadd.s32 $0xFFFF3800;
	(pc) =	sbr.rel @p0 .LBB2_2-.Ltmp0, $4  }
0x33: {  	[hbm4b:s23+s2] =	stream.linear.scatter [tilespmem:s13], [sflag:$0x4], $0xC800, $0x38;
	[tilespmem:$0x1B780] =	vst v63  }
0x34: {  	_ =	swait.ge [sflag:s17], $0xC800  }
0x35: {  	[sflag:s17] =	ssyncset.done $0x0  }
0x36: {  	s22 =	sadd.s32 $0x320, s22;
	[sflag:s17] =	ssyncadd.s32 $0xFFFF3800  }
0x37: {  	[tilespmem:s13], [sflag:$0x2] =	stream.indirect.gather [hbm4b:s3+s11], $0x80, s20, s11, $0xb8;
	[tilespmem:$0x1B780] =	vst v63  }
0x38: {  	_ =	swait.ge [sflag:s14], $0xC800  }
0x39: {  	[sflag:s14] =	ssyncset.done $0x0  }
0x3a: {  	[sflag:s14] =	ssyncadd.s32 $0xFFFF3800  }
0x3b: {  	[hbm4b:s7+s2] =	stream.linear.scatter [tilespmem:s12], [sflag:$0x3], $0xC800, $0x38;
	[tilespmem:$0x1B780] =	vst v63  }
0x3c: {  	_ =	swait.ge [sflag:s15], $0xC800  }
0x3d: {  	[sflag:s15] =	ssyncset.done $0x0  }
0x3e: {  	[sflag:s15] =	ssyncadd.s32 $0xFFFF3800  }
0x3f: {  	[tilespmem:s12], [sflag:$0x1] =	stream.indirect.gather [hbm4b:s3+s11], $0x80, s18, s11, $0xb8;
	[tilespmem:$0x1B780] =	vst v63  }
0x40: {  	_ =	swait.ge [sflag:s16], $0xC800  }
0x41: {  	[sflag:s16] =	ssyncset.done $0x0  }
0x42: {  	[sflag:s16] =	ssyncadd.s32 $0xFFFF3800  }
0x43: {  	[hbm4b:s8+s2] =	stream.linear.scatter [tilespmem:s13], [sflag:$0x4], $0xC800, $0x38;
	[tilespmem:$0x1B780] =	vst v63  }
0x44: {  	_ =	swait.ge [sflag:s14], $0xC800  }
0x45: {  	[sflag:s14] =	ssyncset.done $0x0  }
0x46: {  	s19 =	sadd.s32 $0x1, s19;
	[sflag:s14] =	ssyncadd.s32 $0xFFFF3800  }
0x47: {  	[hbm4b:s5+s2] =	stream.linear.scatter [tilespmem:s12], [sflag:$0x3], $0xC800, $0x38;
	[tilespmem:$0x1B780] =	vst v63  }
0x48: {  	p0 =	sne.s32 s19, s6;
	_ =	swait.ge [sflag:s17], $0xC800  }
.Ltmp1:
0x49: {  	[sflag:s17] =	ssyncset.done $0x0;
	(pc) =	sbr.rel @p0 .LBB2_1-.Ltmp1, $4  }
0x4a: {  	[sflag:s17] =	ssyncadd.s32 $0xFFFF3800  }
0x4b: {  	_ =	swait.ge [sflag:s15], $0xC800  }
0x4c: {  	[sflag:s15] =	ssyncset.done $0x0  }
0x4d: {  	[sflag:s15] =	ssyncadd.s32 $0xFFFF3800  }
0x4e: {  	_ =	sfence.sel $0x180000  }
0x4f: {  	[bflag:$0x0] =	sbarrier.arrive $0xFFFF  }
0x50: {  	p0 =	sne.s32 s0, $0x0;
	_ =	strace $0x90000050  }
0x51: {  	s0 =	sadd.s32 @!p0 $0x100000, s1;
	[bflag:$0x2] =	sbarrier.arrive $0xFFFF  }
0x52: {  	[sflag:s0] =	ssyncadd.tile.s32 @!p0 $0x1;
	_ =	shalt  }
.Lfunc_end2:
_tile_overlayer_lowered:
.L_overlay_start_2:
0x53: {  	(tag) =	ssettag $0x2  }
0x54: {  	s0 =	rddreg [dreg:$0x0];
	s2 =	stileid.u32  }
0x55: {  	s1 =	rddreg [dreg:$0x1];
	p0 =	sne.s32 s2, $0x0  }
0x56: {  	s3 =	rddreg [dreg:$0x2];
	[bflag:$0x3] =	sbarrier.arrive $0xFFFF;
	s2 =	simm.s32 @!p0 $0x1C05  }
0x57: {  	[timem:s3], [sflag:s2] =	dma.local @!p0 [hbm:s0], s1  }
0x58: {  	s0 =	simm.s32 @!p0 $0x5  }
0x59: {  	_ =	swait.ge @!p0 [sflag:s0], s1  }
0x5a: {  	s1 =	ssub.s32 @!p0 $0x0, s1;
	[sflag:s0] =	ssyncset.done @!p0 $0x0  }
0x5b: {  	[sflag:s0] =	ssyncadd.s32 @!p0 s1  }
0x5c: {  	[bflag:$0x3] =	sbarrier.arrive $0xFFFF  }
0x5d: {  	_ =	shalt  }

</sc_bundles>
